<compile_context>
chip_gen: v7x
topology: tpu7x:2x2x1
jax: 0.10.2.dev20260603
libtpu: 0.0.44.dev20260713+nightly
codegen_flags: <defaults>
</compile_context>

<pallas_src>
import jax
import jax.numpy as jnp
from jax import lax
from jax.experimental import pallas as pl
from jax.experimental.pallas import tpu as pltpu
from jax.experimental.pallas import tpu_sc as plsc

N = 10000
E = 160000
D = 256
H = 128
NC = 2
NS = 16
C = 128
EPT = E // NS
NRING = 78
ETAIL = EPT - NRING * C
STRIPE = 624
TAIL = N - NS * STRIPE
ZROWS = 16
ZROWSA = 8


def _sc_agg_body(h_hbm, src2_hbm, dst_hbm, out_hbm,
                 srcb0, srcb1, dstb0, dstb1, rows0, rows1, dstbt,
                 zbuf, acc, gsem0, gsem1, isem0, isem1):
    c = lax.axis_index("c")
    s = lax.axis_index("s")
    srcs, dsts, rows = (srcb0, srcb1), (dstb0, dstb1), (rows0, rows1)
    gsems, isems = (gsem0, gsem1), (isem0, isem1)
    ebase = c * E + s * EPT
    dbase = s * EPT

    def _fire_idx(t, b):
        pltpu.async_copy(src2_hbm.at[pl.ds(ebase + t * C, C)], srcs[b], isems[b])
        pltpu.async_copy(dst_hbm.at[pl.ds(dbase + t * C, C)], dsts[b], isems[b])

    def _wait_idx(b):
        pltpu.make_async_copy(src2_hbm.at[pl.ds(ebase, C)], srcs[b], isems[b]).wait()
        pltpu.make_async_copy(dst_hbm.at[pl.ds(dbase, C)], dsts[b], isems[b]).wait()

    def _fire_gather(b):
        pltpu.async_copy(h_hbm.at[srcs[b]], rows[b], gsems[b])

    def _wait_scatter(b):
        pltpu.make_async_copy(h_hbm.at[srcs[b]], rows[b], gsems[b]).wait()
        pltpu.sync_copy(rows[b], acc.at[dsts[b]], add=True)

    _fire_idx(0, 0)

    def _zrow(i, _):
        for j in range(H // 16):
            zbuf[i, pl.ds(j * 16, 16)] = jnp.zeros((16,), jnp.float32)
        return 0
    lax.fori_loop(0, ZROWSA, _zrow, 0)

    stripe = s * STRIPE
    last = s == NS - 1

    def _zcp(j, _):
        pltpu.sync_copy(zbuf, acc.at[pl.ds(stripe + j * ZROWSA, ZROWSA)])
        return 0
    lax.fori_loop(0, STRIPE // ZROWSA, _zcp, 0)

    @pl.when(last)
    def _():
        pltpu.sync_copy(zbuf, acc.at[pl.ds(NS * STRIPE, ZROWSA)])
        pltpu.sync_copy(zbuf, acc.at[pl.ds(NS * STRIPE + ZROWSA, ZROWSA)])

    plsc.subcore_barrier()

    _wait_idx(0)
    _fire_gather(0)
    _fire_idx(1, 1)

    def _step(t, b):
        _wait_idx(b)
        _fire_gather(b)
        _wait_scatter(1 - b)
        _fire_idx(t + 1, 1 - b)

    def _group(g, _):
        _step(g * 2 + 1, 1)
        _step(g * 2 + 2, 0)
        return 0

    lax.fori_loop(0, (NRING - 2) // 2, _group, 0)

    _wait_idx(1)
    _fire_gather(1)
    _wait_scatter(0)
    _wait_scatter(1)

    tb = NRING * C
    pltpu.async_copy(src2_hbm.at[pl.ds(ebase + tb, ETAIL)], dstbt, isem0)
    pltpu.make_async_copy(src2_hbm.at[pl.ds(ebase + tb, ETAIL)], dstbt,
                          isem0).wait()
    pltpu.async_copy(h_hbm.at[dstbt], rows0.at[pl.ds(0, ETAIL)], gsem0)
    pltpu.make_async_copy(h_hbm.at[dstbt], rows0.at[pl.ds(0, ETAIL)],
                          gsem0).wait()
    pltpu.sync_copy(dst_hbm.at[pl.ds(dbase + tb, ETAIL)], dstbt)
    pltpu.sync_copy(rows0.at[pl.ds(0, ETAIL)], acc.at[dstbt], add=True)

    plsc.subcore_barrier()

    pltpu.sync_copy(acc.at[pl.ds(stripe, STRIPE)],
                    out_hbm.at[pl.ds(c * N + stripe, STRIPE)])

    @pl.when(last)
    def _():
        pltpu.sync_copy(acc.at[pl.ds(NS * STRIPE, TAIL)],
                        out_hbm.at[pl.ds(c * N + NS * STRIPE, TAIL)])


def _sc_aggregate(h_interleaved, src2, dst):
    mesh = plsc.VectorSubcoreMesh(core_axis_name="c", subcore_axis_name="s")
    k = pl.kernel(
        _sc_agg_body,
        out_type=jax.ShapeDtypeStruct((NC * N, H), jnp.float32),
        mesh=mesh,
        scratch_types=(
            pltpu.VMEM((C,), jnp.int32),
            pltpu.VMEM((C,), jnp.int32),
            pltpu.VMEM((C,), jnp.int32),
            pltpu.VMEM((C,), jnp.int32),
            pltpu.VMEM((C, H), jnp.float32),
            pltpu.VMEM((C, H), jnp.float32),
            pltpu.VMEM((ETAIL,), jnp.int32),
            pltpu.VMEM((ZROWSA, H), jnp.float32),
            pltpu.VMEM_SHARED((N, H), jnp.float32),
            pltpu.SemaphoreType.DMA,
            pltpu.SemaphoreType.DMA,
            pltpu.SemaphoreType.DMA,
            pltpu.SemaphoreType.DMA,
        ),
    )
    return k(h_interleaved, src2, dst)


CC = 128
E_PER_W = 5120
E_PAD_CNT = E_PER_W * NC * NS
NCHUNK_CNT = E_PER_W // CC


def _sc_cnt_body(dst_hbm, cnt_hbm, dst1d, dstb, onesb, zbuf, cntacc):
    c = lax.axis_index("c")
    s = lax.axis_index("s")

    def _zrow(i, _):
        for j in range(H // 16):
            zbuf[i, pl.ds(j * 16, 16)] = jnp.zeros((16,), jnp.float32)
        return 0
    lax.fori_loop(0, ZROWS, _zrow, 0)

    def _ones(i, _):
        for j in range(H // 16):
            onesb[i, pl.ds(j * 16, 16)] = jnp.ones((16,), jnp.float32)
        return 0
    lax.fori_loop(0, CC, _ones, 0)

    stripe = s * STRIPE
    last = s == NS - 1

    def _zcp(j, _):
        pltpu.sync_copy(zbuf, cntacc.at[pl.ds(stripe + j * ZROWS, ZROWS)])
        return 0
    lax.fori_loop(0, STRIPE // ZROWS, _zcp, 0)

    @pl.when(last)
    def _():
        pltpu.sync_copy(zbuf, cntacc.at[pl.ds(NS * STRIPE, TAIL)])
        pltpu.sync_copy(zbuf, cntacc.at[pl.ds(N, 16)])

    w = c * NS + s
    pltpu.sync_copy(dst_hbm.at[pl.ds(w * E_PER_W, E_PER_W)], dst1d)

    plsc.subcore_barrier()

    def _chunk(t, _):
        for j in range(CC // 16):
            dstb[pl.ds(j * 16, 16)] = dst1d[pl.ds(t * CC + j * 16, 16)]
        pltpu.sync_copy(onesb, cntacc.at[dstb], add=True)
        return 0

    lax.fori_loop(0, NCHUNK_CNT, _chunk, 0)

    plsc.subcore_barrier()

    pltpu.sync_copy(cntacc.at[pl.ds(stripe, STRIPE)],
                    cnt_hbm.at[c, pl.ds(stripe, STRIPE)])

    @pl.when(last)
    def _():
        pltpu.sync_copy(cntacc.at[pl.ds(NS * STRIPE, TAIL)],
                        cnt_hbm.at[c, pl.ds(NS * STRIPE, TAIL)])


def _sc_counts(dst_pad):
    mesh = plsc.VectorSubcoreMesh(core_axis_name="c", subcore_axis_name="s")
    k = pl.kernel(
        _sc_cnt_body,
        out_type=jax.ShapeDtypeStruct((NC, N, H), jnp.float32),
        mesh=mesh,
        scratch_types=(
            pltpu.VMEM((E_PER_W,), jnp.int32),
            pltpu.VMEM((CC,), jnp.int32),
            pltpu.VMEM((CC, H), jnp.float32),
            pltpu.VMEM((ZROWS, H), jnp.float32),
            pltpu.VMEM_SHARED((N + 16, H), jnp.float32),
        ),
    )
    return k(dst_pad)


BT = 1000


def _dot_t(a, w):
    return lax.dot_general(a, w, (((1,), (1,)), ((), ())),
                           preferred_element_type=jnp.float32)


def _dense0_body(s_ref, cnt_ref, x_ref, wl_ref, bl_ref, wr_ref,
                 data_ref, w1_ref, b1_ref, w2_ref, b2_ref,
                 hn_ref, mlp_ref):
    summed = jnp.concatenate([s_ref[0], s_ref[1]], axis=-1)
    cnt = cnt_ref[0, :, 0:1] + cnt_ref[1, :, 0:1]
    inv = 1.0 / jnp.maximum(cnt, 1.0)
    mean = summed * inv
    out = _dot_t(mean, wl_ref[:]) + bl_ref[0] + _dot_t(x_ref[:], wr_ref[:])
    nrm = jnp.sqrt(jnp.sum(out * out, axis=-1, keepdims=True))
    hn_ref[:] = out / jnp.maximum(nrm, 1e-12)
    hid = jnp.maximum(_dot_t(data_ref[:], w1_ref[:]) + b1_ref[0], 0.0)
    mlp_ref[:] = jax.nn.sigmoid(_dot_t(hid, w2_ref[:]) + b2_ref[0])


def _dense1_body(s_ref, cnt_ref, x_ref, wl_ref, bl_ref, wr_ref, hn_ref):
    summed = jnp.concatenate([s_ref[0], s_ref[1]], axis=-1)
    cnt = cnt_ref[0, :, 0:1] + cnt_ref[1, :, 0:1]
    inv = 1.0 / jnp.maximum(cnt, 1.0)
    mean = summed * inv
    out = _dot_t(mean, wl_ref[:]) + bl_ref[0] + _dot_t(x_ref[:], wr_ref[:])
    nrm = jnp.sqrt(jnp.sum(out * out, axis=-1, keepdims=True))
    hn_ref[:] = out / jnp.maximum(nrm, 1e-12)


def _row_spec(shape):
    nd = len(shape)
    if nd == 2:
        return pl.BlockSpec((BT,) + shape[1:], lambda i: (i,) + (0,) * (nd - 1))
    return pl.BlockSpec((shape[0], BT) + shape[2:], lambda i: (0, i) + (0,) * (nd - 2))


def _full_spec(shape):
    nd = len(shape)
    return pl.BlockSpec(shape, lambda i: (0,) * nd)


def _tc_dense0(summed, cnt, x, wlT, bl, wrT, data, w1T, b1, w2T, b2):
    grid = (N // BT,)
    return pl.pallas_call(
        _dense0_body,
        grid=grid,
        in_specs=[
            _row_spec((2, N, H)), _row_spec((2, N, H)), _row_spec((N, D)),
            _full_spec((D, D)), _full_spec((1, D)), _full_spec((D, D)),
            _row_spec((N, D)), _full_spec((32, D)), _full_spec((1, 32)),
            _full_spec((2, 32)), _full_spec((1, 2)),
        ],
        out_specs=[_row_spec((N, D)), _row_spec((N, 2))],
        out_shape=[
            jax.ShapeDtypeStruct((N, D), jnp.float32),
            jax.ShapeDtypeStruct((N, 2), jnp.float32),
        ],
    )(summed, cnt, x, wlT, bl, wrT, data, w1T, b1, w2T, b2)


def _tc_dense1(summed, cnt, h, wlT, bl, wrT):
    grid = (N // BT,)
    return pl.pallas_call(
        _dense1_body,
        grid=grid,
        in_specs=[
            _row_spec((2, N, H)), _row_spec((2, N, H)), _row_spec((N, D)),
            _full_spec((D, D)), _full_spec((1, D)), _full_spec((D, D)),
        ],
        out_specs=[_row_spec((N, D))],
        out_shape=[jax.ShapeDtypeStruct((N, D), jnp.float32)],
    )(summed, cnt, h, wlT, bl, wrT)


def kernel(x, edge_index, data, Wl0, bl0, Wr0, Wl1, bl1, Wr1, W1, b1, W2, b2):
    src = edge_index[0]
    dst = edge_index[1]
    src2 = jnp.concatenate([2 * src, 2 * src + 1])
    dst_pad = jnp.concatenate(
        [dst, jnp.full((E_PAD_CNT - E,), N, jnp.int32)])

    cnt = _sc_counts(dst_pad)
    summed0 = _sc_aggregate(x.reshape(2 * N, H), src2, dst)
    h0, mlp_out = _tc_dense0(
        summed0.reshape(2, N, H), cnt, x,
        Wl0, bl0.reshape(1, D), Wr0,
        data, W1, b1.reshape(1, 32), W2, b2.reshape(1, 2))

    summed1 = _sc_aggregate(h0.reshape(2 * N, H), src2, dst)
    w_pred = _tc_dense1(summed1.reshape(2, N, H), cnt,
                        h0, Wl1, bl1.reshape(1, D), Wr1)[0]
    return (w_pred, mlp_out)

# --- scband reference (transcript-rebuilt; emitter-appended) ---
"""Pipeline reference for scband-graph-model-78554951844046 (READ-ONLY COPY).

The authoritative reference and input builder live on the scoring server;
editing this copy changes nothing except your own understanding.
"""

import jax, jax.numpy as jnp
import numpy as np

N = 10000
E = 160000
D = 256


def _uniform(key, shape, scale):
    return jax.random.uniform(key, shape, dtype=jnp.float32, minval=-scale, maxval=scale)


def setup_inputs(seed: int = 0) -> dict:
    key = jax.random.key(seed)
    ks = jax.random.split(key, 16)
    inp = {}
    inp["x"] = jax.random.normal(ks[0], (N, D), dtype=jnp.float32)
    inp["edge_index"] = jax.random.randint(ks[1], (2, E), 0, N, dtype=jnp.int32)
    inp["data"] = jax.random.normal(ks[2], (N, D), dtype=jnp.float32)
    s = 1.0 / np.sqrt(D)
    # SAGEConv layer 0: lin_l (with bias) applied to aggregated neighbors, lin_r (no bias) to root
    inp["Wl0"] = _uniform(ks[3], (D, D), s)
    inp["bl0"] = _uniform(ks[4], (D,), s)
    inp["Wr0"] = _uniform(ks[5], (D, D), s)
    # SAGEConv layer 1
    inp["Wl1"] = _uniform(ks[6], (D, D), s)
    inp["bl1"] = _uniform(ks[7], (D,), s)
    inp["Wr1"] = _uniform(ks[8], (D, D), s)
    # MLP head: Linear1 (D -> 32), Linear2 (32 -> 2)
    inp["W1"] = _uniform(ks[9], (32, D), s)
    inp["b1"] = _uniform(ks[10], (32,), s)
    s2 = 1.0 / np.sqrt(32)
    inp["W2"] = _uniform(ks[11], (2, 32), s2)
    inp["b2"] = _uniform(ks[12], (2,), s2)
    return inp


def _sage_conv(x, src, dst, Wl, bl, Wr):
    # PyG SAGEConv with mean aggregation + normalize=True
    msg = jnp.take(x, src, axis=0)
    summed = jax.ops.segment_sum(msg, dst, num_segments=N)
    cnt = jax.ops.segment_sum(jnp.ones((src.shape[0],), jnp.float32), dst, num_segments=N)
    mean = summed / jnp.maximum(cnt, 1.0)[:, None]
    out = mean @ Wl.T + bl + x @ Wr.T
    norm = jnp.linalg.norm(out, axis=-1, keepdims=True)
    return out / jnp.maximum(norm, 1e-12)


def reference(x, edge_index, data, Wl0, bl0, Wr0, Wl1, bl1, Wr1, W1, b1, W2, b2):
    src = edge_index[0]
    dst = edge_index[1]
    h = x
    h = _sage_conv(h, src, dst, Wl0, bl0, Wr0)
    h = _sage_conv(h, src, dst, Wl1, bl1, Wr1)
    w_pred = h
    hidden = jax.nn.relu(data @ W1.T + b1)
    output = jax.nn.sigmoid(hidden @ W2.T + b2)
    return (w_pred, output)

if __name__ == "__main__":
    import jax
    _d = setup_inputs()
    print(jax.jit(kernel)(*tuple(_d.values())))

</pallas_src>

<mosaic_0001>
#map = affine_map<(d0, d1) -> (0)>
#map1 = affine_map<(d0, d1) -> (0, 0, 0)>
module attributes {stable_mosaic.version = 14 : i64} {
  func.func @_sc_cnt_body(%arg0: i32, %arg1: i32, %arg2: memref<163840xi32, #tpu.memory_space<hbm>>, %arg3: memref<2x10000x128xf32, #tpu.memory_space<hbm>>, %arg4: memref<5120xi32, #tpu.memory_space<vmem>>, %arg5: memref<128xi32, #tpu.memory_space<vmem>>, %arg6: memref<128x128xf32, #tpu.memory_space<vmem>>, %arg7: memref<16x128xf32, #tpu.memory_space<vmem>>, %arg8: memref<10016x128xf32, #tpu.memory_space<vmem_shared>>) attributes {dimension_semantics = [#tpu.dimension_semantics<core_parallel>, #tpu.dimension_semantics<subcore_parallel>], iteration_bounds = array<i64: 2, 16>, scalar_prefetch = 0 : i64, scratch_operands = 5 : i64, tpu.core_type = #tpu.core_type<sc_vector_subcore>, window_params = [{transform_indices = #map}, {transform_indices = #map1}]} {
    %scan3A = arith.constant 0 : i32
    %scan3A_0 = arith.constant 0 : i32
    %scan3A_1 = arith.constant 16 : i32
    %scan3A_2 = arith.addi %scan3A_0, %scan3A_1 : i32
    %scan3A_3 = arith.constant 1 : i32
    %scan3A_4 = scf.for %scan3A_38 = %scan3A_0 to %scan3A_2 step %scan3A_3 iter_args(%scan3A_39 = %scan3A) -> (i32)  : i32 {
      %broadcast_in_dim3A = arith.constant 0.000000e+00 : f32
      %broadcast_in_dim3A_40 = vector.broadcast %broadcast_in_dim3A : f32 to vector<16xf32>
      %swap3A = arith.index_cast %scan3A_38 : i32 to index
      %swap3A_41 = arith.constant 0 : index
      %swap3A_42 = tpu.vector_load %arg7[%swap3A, %swap3A_41] {strides = array<i32>} : memref<16x128xf32, #tpu.memory_space<vmem>>, vector<1x16xf32>,
      %swap3A_43 = vector.shape_cast %swap3A_42 : vector<1x16xf32> to vector<16xf32>
      %swap3A_44 = vector.shape_cast %broadcast_in_dim3A_40 : vector<16xf32> to vector<1x16xf32>
      tpu.vector_store %arg7[%swap3A, %swap3A_41], %swap3A_44 {strides = array<i32>} : memref<16x128xf32, #tpu.memory_space<vmem>>, vector<1x16xf32>,
      %broadcast_in_dim3A_45 = arith.constant 0.000000e+00 : f32
      %broadcast_in_dim3A_46 = vector.broadcast %broadcast_in_dim3A_45 : f32 to vector<16xf32>
      %swap3A_47 = arith.index_cast %scan3A_38 : i32 to index
      %swap3A_48 = arith.constant 16 : index
      %swap3A_49 = tpu.vector_load %arg7[%swap3A_47, %swap3A_48] {strides = array<i32>} : memref<16x128xf32, #tpu.memory_space<vmem>>, vector<1x16xf32>,
      %swap3A_50 = vector.shape_cast %swap3A_49 : vector<1x16xf32> to vector<16xf32>
      %swap3A_51 = vector.shape_cast %broadcast_in_dim3A_46 : vector<16xf32> to vector<1x16xf32>
      tpu.vector_store %arg7[%swap3A_47, %swap3A_48], %swap3A_51 {strides = array<i32>} : memref<16x128xf32, #tpu.memory_space<vmem>>, vector<1x16xf32>,
      %broadcast_in_dim3A_52 = arith.constant 0.000000e+00 : f32
      %broadcast_in_dim3A_53 = vector.broadcast %broadcast_in_dim3A_52 : f32 to vector<16xf32>
      %swap3A_54 = arith.index_cast %scan3A_38 : i32 to index
      %swap3A_55 = arith.constant 32 : index
      %swap3A_56 = tpu.vector_load %arg7[%swap3A_54, %swap3A_55] {strides = array<i32>} : memref<16x128xf32, #tpu.memory_space<vmem>>, vector<1x16xf32>,
      %swap3A_57 = vector.shape_cast %swap3A_56 : vector<1x16xf32> to vector<16xf32>
      %swap3A_58 = vector.shape_cast %broadcast_in_dim3A_53 : vector<16xf32> to vector<1x16xf32>
      tpu.vector_store %arg7[%swap3A_54, %swap3A_55], %swap3A_58 {strides = array<i32>} : memref<16x128xf32, #tpu.memory_space<vmem>>, vector<1x16xf32>,
      %broadcast_in_dim3A_59 = arith.constant 0.000000e+00 : f32
      %broadcast_in_dim3A_60 = vector.broadcast %broadcast_in_dim3A_59 : f32 to vector<16xf32>
      %swap3A_61 = arith.index_cast %scan3A_38 : i32 to index
      %swap3A_62 = arith.constant 48 : index
      %swap3A_63 = tpu.vector_load %arg7[%swap3A_61, %swap3A_62] {strides = array<i32>} : memref<16x128xf32, #tpu.memory_space<vmem>>, vector<1x16xf32>,
      %swap3A_64 = vector.shape_cast %swap3A_63 : vector<1x16xf32> to vector<16xf32>
      %swap3A_65 = vector.shape_cast %broadcast_in_dim3A_60 : vector<16xf32> to vector<1x16xf32>
      tpu.vector_store %arg7[%swap3A_61, %swap3A_62], %swap3A_65 {strides = array<i32>} : memref<16x128xf32, #tpu.memory_space<vmem>>, vector<1x16xf32>,
      %broadcast_in_dim3A_66 = arith.constant 0.000000e+00 : f32
      %broadcast_in_dim3A_67 = vector.broadcast %broadcast_in_dim3A_66 : f32 to vector<16xf32>
      %swap3A_68 = arith.index_cast %scan3A_38 : i32 to index
      %swap3A_69 = arith.constant 64 : index
      %swap3A_70 = tpu.vector_load %arg7[%swap3A_68, %swap3A_69] {strides = array<i32>} : memref<16x128xf32, #tpu.memory_space<vmem>>, vector<1x16xf32>,
      %swap3A_71 = vector.shape_cast %swap3A_70 : vector<1x16xf32> to vector<16xf32>
      %swap3A_72 = vector.shape_cast %broadcast_in_dim3A_67 : vector<16xf32> to vector<1x16xf32>
      tpu.vector_store %arg7[%swap3A_68, %swap3A_69], %swap3A_72 {strides = array<i32>} : memref<16x128xf32, #tpu.memory_space<vmem>>, vector<1x16xf32>,
      %broadcast_in_dim3A_73 = arith.constant 0.000000e+00 : f32
      %broadcast_in_dim3A_74 = vector.broadcast %broadcast_in_dim3A_73 : f32 to vector<16xf32>
      %swap3A_75 = arith.index_cast %scan3A_38 : i32 to index
      %swap3A_76 = arith.constant 80 : index
      %swap3A_77 = tpu.vector_load %arg7[%swap3A_75, %swap3A_76] {strides = array<i32>} : memref<16x128xf32, #tpu.memory_space<vmem>>, vector<1x16xf32>,
      %swap3A_78 = vector.shape_cast %swap3A_77 : vector<1x16xf32> to vector<16xf32>
      %swap3A_79 = vector.shape_cast %broadcast_in_dim3A_74 : vector<16xf32> to vector<1x16xf32>
      tpu.vector_store %arg7[%swap3A_75, %swap3A_76], %swap3A_79 {strides = array<i32>} : memref<16x128xf32, #tpu.memory_space<vmem>>, vector<1x16xf32>,
      %broadcast_in_dim3A_80 = arith.constant 0.000000e+00 : f32
      %broadcast_in_dim3A_81 = vector.broadcast %broadcast_in_dim3A_80 : f32 to vector<16xf32>
      %swap3A_82 = arith.index_cast %scan3A_38 : i32 to index
      %swap3A_83 = arith.constant 96 : index
      %swap3A_84 = tpu.vector_load %arg7[%swap3A_82, %swap3A_83] {strides = array<i32>} : memref<16x128xf32, #tpu.memory_space<vmem>>, vector<1x16xf32>,
      %swap3A_85 = vector.shape_cast %swap3A_84 : vector<1x16xf32> to vector<16xf32>
      %swap3A_86 = vector.shape_cast %broadcast_in_dim3A_81 : vector<16xf32> to vector<1x16xf32>
      tpu.vector_store %arg7[%swap3A_82, %swap3A_83], %swap3A_86 {strides = array<i32>} : memref<16x128xf32, #tpu.memory_space<vmem>>, vector<1x16xf32>,
      %broadcast_in_dim3A_87 = arith.constant 0.000000e+00 : f32
      %broadcast_in_dim3A_88 = vector.broadcast %broadcast_in_dim3A_87 : f32 to vector<16xf32>
      %swap3A_89 = arith.index_cast %scan3A_38 : i32 to index
      %swap3A_90 = arith.constant 112 : index
      %swap3A_91 = tpu.vector_load %arg7[%swap3A_89, %swap3A_90] {strides = array<i32>} : memref<16x128xf32, #tpu.memory_space<vmem>>, vector<1x16xf32>,
      %swap3A_92 = vector.shape_cast %swap3A_91 : vector<1x16xf32> to vector<16xf32>
      %swap3A_93 = vector.shape_cast %broadcast_in_dim3A_88 : vector<16xf32> to vector<1x16xf32>
      tpu.vector_store %arg7[%swap3A_89, %swap3A_90], %swap3A_93 {strides = array<i32>} : memref<16x128xf32, #tpu.memory_space<vmem>>, vector<1x16xf32>,
      %scan3A_94 = arith.constant 0 : i32
      scf.yield %scan3A_94 : i32
    }
    %scan3A_5 = arith.constant 16 : i32
    %scan3A_6 = arith.constant 0 : i32
    %scan3A_7 = arith.constant 0 : i32
    %scan3A_8 = arith.constant 128 : i32
    %scan3A_9 = arith.addi %scan3A_7, %scan3A_8 : i32
    %scan3A_10 = arith.constant 1 : i32
    %scan3A_11 = scf.for %scan3A_38 = %scan3A_7 to %scan3A_9 step %scan3A_10 iter_args(%scan3A_39 = %scan3A_6) -> (i32)  : i32 {
      %broadcast_in_dim3A = arith.constant 1.000000e+00 : f32
      %broadcast_in_dim3A_40 = vector.broadcast %broadcast_in_dim3A : f32 to vector<16xf32>
      %swap3A = arith.index_cast %scan3A_38 : i32 to index
      %swap3A_41 = arith.constant 0 : index
      %swap3A_42 = tpu.vector_load %arg6[%swap3A, %swap3A_41] {strides = array<i32>} : memref<128x128xf32, #tpu.memory_space<vmem>>, vector<1x16xf32>,
      %swap3A_43 = vector.shape_cast %swap3A_42 : vector<1x16xf32> to vector<16xf32>
      %swap3A_44 = vector.shape_cast %broadcast_in_dim3A_40 : vector<16xf32> to vector<1x16xf32>
      tpu.vector_store %arg6[%swap3A, %swap3A_41], %swap3A_44 {strides = array<i32>} : memref<128x128xf32, #tpu.memory_space<vmem>>, vector<1x16xf32>,
      %broadcast_in_dim3A_45 = arith.constant 1.000000e+00 : f32
      %broadcast_in_dim3A_46 = vector.broadcast %broadcast_in_dim3A_45 : f32 to vector<16xf32>
      %swap3A_47 = arith.index_cast %scan3A_38 : i32 to index
      %swap3A_48 = arith.constant 16 : index
      %swap3A_49 = tpu.vector_load %arg6[%swap3A_47, %swap3A_48] {strides = array<i32>} : memref<128x128xf32, #tpu.memory_space<vmem>>, vector<1x16xf32>,
      %swap3A_50 = vector.shape_cast %swap3A_49 : vector<1x16xf32> to vector<16xf32>
      %swap3A_51 = vector.shape_cast %broadcast_in_dim3A_46 : vector<16xf32> to vector<1x16xf32>
      tpu.vector_store %arg6[%swap3A_47, %swap3A_48], %swap3A_51 {strides = array<i32>} : memref<128x128xf32, #tpu.memory_space<vmem>>, vector<1x16xf32>,
      %broadcast_in_dim3A_52 = arith.constant 1.000000e+00 : f32
      %broadcast_in_dim3A_53 = vector.broadcast %broadcast_in_dim3A_52 : f32 to vector<16xf32>
      %swap3A_54 = arith.index_cast %scan3A_38 : i32 to index
      %swap3A_55 = arith.constant 32 : index
      %swap3A_56 = tpu.vector_load %arg6[%swap3A_54, %swap3A_55] {strides = array<i32>} : memref<128x128xf32, #tpu.memory_space<vmem>>, vector<1x16xf32>,
      %swap3A_57 = vector.shape_cast %swap3A_56 : vector<1x16xf32> to vector<16xf32>
      %swap3A_58 = vector.shape_cast %broadcast_in_dim3A_53 : vector<16xf32> to vector<1x16xf32>
      tpu.vector_store %arg6[%swap3A_54, %swap3A_55], %swap3A_58 {strides = array<i32>} : memref<128x128xf32, #tpu.memory_space<vmem>>, vector<1x16xf32>,
      %broadcast_in_dim3A_59 = arith.constant 1.000000e+00 : f32
      %broadcast_in_dim3A_60 = vector.broadcast %broadcast_in_dim3A_59 : f32 to vector<16xf32>
      %swap3A_61 = arith.index_cast %scan3A_38 : i32 to index
      %swap3A_62 = arith.constant 48 : index
      %swap3A_63 = tpu.vector_load %arg6[%swap3A_61, %swap3A_62] {strides = array<i32>} : memref<128x128xf32, #tpu.memory_space<vmem>>, vector<1x16xf32>,
      %swap3A_64 = vector.shape_cast %swap3A_63 : vector<1x16xf32> to vector<16xf32>
      %swap3A_65 = vector.shape_cast %broadcast_in_dim3A_60 : vector<16xf32> to vector<1x16xf32>
      tpu.vector_store %arg6[%swap3A_61, %swap3A_62], %swap3A_65 {strides = array<i32>} : memref<128x128xf32, #tpu.memory_space<vmem>>, vector<1x16xf32>,
      %broadcast_in_dim3A_66 = arith.constant 1.000000e+00 : f32
      %broadcast_in_dim3A_67 = vector.broadcast %broadcast_in_dim3A_66 : f32 to vector<16xf32>
      %swap3A_68 = arith.index_cast %scan3A_38 : i32 to index
      %swap3A_69 = arith.constant 64 : index
      %swap3A_70 = tpu.vector_load %arg6[%swap3A_68, %swap3A_69] {strides = array<i32>} : memref<128x128xf32, #tpu.memory_space<vmem>>, vector<1x16xf32>,
      %swap3A_71 = vector.shape_cast %swap3A_70 : vector<1x16xf32> to vector<16xf32>
      %swap3A_72 = vector.shape_cast %broadcast_in_dim3A_67 : vector<16xf32> to vector<1x16xf32>
      tpu.vector_store %arg6[%swap3A_68, %swap3A_69], %swap3A_72 {strides = array<i32>} : memref<128x128xf32, #tpu.memory_space<vmem>>, vector<1x16xf32>,
      %broadcast_in_dim3A_73 = arith.constant 1.000000e+00 : f32
      %broadcast_in_dim3A_74 = vector.broadcast %broadcast_in_dim3A_73 : f32 to vector<16xf32>
      %swap3A_75 = arith.index_cast %scan3A_38 : i32 to index
      %swap3A_76 = arith.constant 80 : index
      %swap3A_77 = tpu.vector_load %arg6[%swap3A_75, %swap3A_76] {strides = array<i32>} : memref<128x128xf32, #tpu.memory_space<vmem>>, vector<1x16xf32>,
      %swap3A_78 = vector.shape_cast %swap3A_77 : vector<1x16xf32> to vector<16xf32>
      %swap3A_79 = vector.shape_cast %broadcast_in_dim3A_74 : vector<16xf32> to vector<1x16xf32>
      tpu.vector_store %arg6[%swap3A_75, %swap3A_76], %swap3A_79 {strides = array<i32>} : memref<128x128xf32, #tpu.memory_space<vmem>>, vector<1x16xf32>,
      %broadcast_in_dim3A_80 = arith.constant 1.000000e+00 : f32
      %broadcast_in_dim3A_81 = vector.broadcast %broadcast_in_dim3A_80 : f32 to vector<16xf32>
      %swap3A_82 = arith.index_cast %scan3A_38 : i32 to index
      %swap3A_83 = arith.constant 96 : index
      %swap3A_84 = tpu.vector_load %arg6[%swap3A_82, %swap3A_83] {strides = array<i32>} : memref<128x128xf32, #tpu.memory_space<vmem>>, vector<1x16xf32>,
      %swap3A_85 = vector.shape_cast %swap3A_84 : vector<1x16xf32> to vector<16xf32>
      %swap3A_86 = vector.shape_cast %broadcast_in_dim3A_81 : vector<16xf32> to vector<1x16xf32>
      tpu.vector_store %arg6[%swap3A_82, %swap3A_83], %swap3A_86 {strides = array<i32>} : memref<128x128xf32, #tpu.memory_space<vmem>>, vector<1x16xf32>,
      %broadcast_in_dim3A_87 = arith.constant 1.000000e+00 : f32
      %broadcast_in_dim3A_88 = vector.broadcast %broadcast_in_dim3A_87 : f32 to vector<16xf32>
      %swap3A_89 = arith.index_cast %scan3A_38 : i32 to index
      %swap3A_90 = arith.constant 112 : index
      %swap3A_91 = tpu.vector_load %arg6[%swap3A_89, %swap3A_90] {strides = array<i32>} : memref<128x128xf32, #tpu.memory_space<vmem>>, vector<1x16xf32>,
      %swap3A_92 = vector.shape_cast %swap3A_91 : vector<1x16xf32> to vector<16xf32>
      %swap3A_93 = vector.shape_cast %broadcast_in_dim3A_88 : vector<16xf32> to vector<1x16xf32>
      tpu.vector_store %arg6[%swap3A_89, %swap3A_90], %swap3A_93 {strides = array<i32>} : memref<128x128xf32, #tpu.memory_space<vmem>>, vector<1x16xf32>,
      %scan3A_94 = arith.constant 0 : i32
      scf.yield %scan3A_94 : i32
    }
    %scan3A_12 = arith.constant 128 : i32
    %mul3A = arith.constant 624 : i32
    %mul3A_13 = arith.muli %arg1, %mul3A : i32
    %eq3A = arith.constant 15 : i32
    %eq3A_14 = arith.cmpi eq, %arg1, %eq3A : i32
    %scan3A_15 = arith.constant 0 : i32
    %scan3A_16 = arith.constant 0 : i32
    %scan3A_17 = arith.constant 39 : i32
    %scan3A_18 = arith.addi %scan3A_16, %scan3A_17 : i32
    %scan3A_19 = arith.constant 1 : i32
    %scan3A_20 = scf.for %scan3A_38 = %scan3A_16 to %scan3A_18 step %scan3A_19 iter_args(%scan3A_39 = %scan3A_15) -> (i32)  : i32 {
      %mul3A_40 = arith.constant 16 : i32
      %mul3A_41 = arith.muli %scan3A_38, %mul3A_40 : i32
      %add3A_42 = arith.addi %mul3A_13, %mul3A_41 : i32
      "tpu.region"() ({
        %run_scoped3A = tpu.sem_alloc : memref<!tpu.dma_semaphore, #tpu.memory_space<semaphore_mem>>
        %dma_start3A = arith.constant 0 : i32
        %dma_start3A_44 = tpu.memref_slice %arg8[%add3A_42, %dma_start3A] : memref<10016x128xf32, #tpu.memory_space<vmem_shared>> -> memref<16x128xf32, #tpu.memory_space<vmem_shared>>
        %dma_start3A_45 = arith.constant 0 : i32
        %dma_start3A_46 = tpu.memref_slice %arg8[%add3A_42, %dma_start3A_45] : memref<10016x128xf32, #tpu.memory_space<vmem_shared>> -> memref<16x128xf32, #tpu.memory_space<vmem_shared>>
        tpu.enqueue_dma source(%arg7 : memref<16x128xf32, #tpu.memory_space<vmem>>) target(%dma_start3A_46 : memref<16x128xf32, #tpu.memory_space<vmem_shared>>) target_semaphore(%run_scoped3A : memref<!tpu.dma_semaphore, #tpu.memory_space<semaphore_mem>>)
        %dma_wait3A = arith.constant 0 : i32
        %dma_wait3A_47 = tpu.memref_slice %arg8[%add3A_42, %dma_wait3A] : memref<10016x128xf32, #tpu.memory_space<vmem_shared>> -> memref<16x128xf32, #tpu.memory_space<vmem_shared>>
        %dma_wait3A_48 = arith.constant 0 : i32
        %dma_wait3A_49 = tpu.memref_slice %arg8[%add3A_42, %dma_wait3A_48] : memref<10016x128xf32, #tpu.memory_space<vmem_shared>> -> memref<16x128xf32, #tpu.memory_space<vmem_shared>>
        tpu.wait_dma2 semaphore(%run_scoped3A : memref<!tpu.dma_semaphore, #tpu.memory_space<semaphore_mem>>) src(%arg7 : memref<16x128xf32, #tpu.memory_space<vmem>>) dst(%dma_wait3A_49 : memref<16x128xf32, #tpu.memory_space<vmem_shared>>)
        tpu.yield
      }) : () -> ()
      %scan3A_43 = arith.constant 0 : i32
      scf.yield %scan3A_43 : i32
    }
    %scan3A_21 = arith.constant 39 : i32
    %convert_element_type3A = arith.extui %eq3A_14 : i1 to i32
    %cond3A = arith.constant 0 : i32
    %cond3A_22 = arith.cmpi ne, %convert_element_type3A, %cond3A : i32
    scf.if %cond3A_22 {
      "tpu.region"() ({
        %run_scoped3A = tpu.sem_alloc : memref<!tpu.dma_semaphore, #tpu.memory_space<semaphore_mem>>
        %dma_start3A = arith.constant 9984 : i32
        %dma_start3A_38 = arith.constant 0 : i32
        %dma_start3A_39 = tpu.memref_slice %arg8[%dma_start3A, %dma_start3A_38] : memref<10016x128xf32, #tpu.memory_space<vmem_shared>> -> memref<16x128xf32, #tpu.memory_space<vmem_shared>>
        %dma_start3A_40 = arith.constant 9984 : i32
        %dma_start3A_41 = arith.constant 0 : i32
        %dma_start3A_42 = tpu.memref_slice %arg8[%dma_start3A_40, %dma_start3A_41] : memref<10016x128xf32, #tpu.memory_space<vmem_shared>> -> memref<16x128xf32, #tpu.memory_space<vmem_shared>>
        tpu.enqueue_dma source(%arg7 : memref<16x128xf32, #tpu.memory_space<vmem>>) target(%dma_start3A_42 : memref<16x128xf32, #tpu.memory_space<vmem_shared>>) target_semaphore(%run_scoped3A : memref<!tpu.dma_semaphore, #tpu.memory_space<semaphore_mem>>)
        %dma_wait3A = arith.constant 9984 : i32
        %dma_wait3A_43 = arith.constant 0 : i32
        %dma_wait3A_44 = tpu.memref_slice %arg8[%dma_wait3A, %dma_wait3A_43] : memref<10016x128xf32, #tpu.memory_space<vmem_shared>> -> memref<16x128xf32, #tpu.memory_space<vmem_shared>>
        %dma_wait3A_45 = arith.constant 9984 : i32
        %dma_wait3A_46 = arith.constant 0 : i32
        %dma_wait3A_47 = tpu.memref_slice %arg8[%dma_wait3A_45, %dma_wait3A_46] : memref<10016x128xf32, #tpu.memory_space<vmem_shared>> -> memref<16x128xf32, #tpu.memory_space<vmem_shared>>
        tpu.wait_dma2 semaphore(%run_scoped3A : memref<!tpu.dma_semaphore, #tpu.memory_space<semaphore_mem>>) src(%arg7 : memref<16x128xf32, #tpu.memory_space<vmem>>) dst(%dma_wait3A_47 : memref<16x128xf32, #tpu.memory_space<vmem_shared>>)
        tpu.yield
      }) : () -> ()
      "tpu.region"() ({
        %run_scoped3A = tpu.sem_alloc : memref<!tpu.dma_semaphore, #tpu.memory_space<semaphore_mem>>
        %dma_start3A = arith.constant 10000 : i32
        %dma_start3A_38 = arith.constant 0 : i32
        %dma_start3A_39 = tpu.memref_slice %arg8[%dma_start3A, %dma_start3A_38] : memref<10016x128xf32, #tpu.memory_space<vmem_shared>> -> memref<16x128xf32, #tpu.memory_space<vmem_shared>>
        %dma_start3A_40 = arith.constant 10000 : i32
        %dma_start3A_41 = arith.constant 0 : i32
        %dma_start3A_42 = tpu.memref_slice %arg8[%dma_start3A_40, %dma_start3A_41] : memref<10016x128xf32, #tpu.memory_space<vmem_shared>> -> memref<16x128xf32, #tpu.memory_space<vmem_shared>>
        tpu.enqueue_dma source(%arg7 : memref<16x128xf32, #tpu.memory_space<vmem>>) target(%dma_start3A_42 : memref<16x128xf32, #tpu.memory_space<vmem_shared>>) target_semaphore(%run_scoped3A : memref<!tpu.dma_semaphore, #tpu.memory_space<semaphore_mem>>)
        %dma_wait3A = arith.constant 10000 : i32
        %dma_wait3A_43 = arith.constant 0 : i32
        %dma_wait3A_44 = tpu.memref_slice %arg8[%dma_wait3A, %dma_wait3A_43] : memref<10016x128xf32, #tpu.memory_space<vmem_shared>> -> memref<16x128xf32, #tpu.memory_space<vmem_shared>>
        %dma_wait3A_45 = arith.constant 10000 : i32
        %dma_wait3A_46 = arith.constant 0 : i32
        %dma_wait3A_47 = tpu.memref_slice %arg8[%dma_wait3A_45, %dma_wait3A_46] : memref<10016x128xf32, #tpu.memory_space<vmem_shared>> -> memref<16x128xf32, #tpu.memory_space<vmem_shared>>
        tpu.wait_dma2 semaphore(%run_scoped3A : memref<!tpu.dma_semaphore, #tpu.memory_space<semaphore_mem>>) src(%arg7 : memref<16x128xf32, #tpu.memory_space<vmem>>) dst(%dma_wait3A_47 : memref<16x128xf32, #tpu.memory_space<vmem_shared>>)
        tpu.yield
      }) : () -> ()
    } else {
    }
    %mul3A_23 = arith.constant 16 : i32
    %mul3A_24 = arith.muli %arg0, %mul3A_23 : i32
    %add3A = arith.addi %mul3A_24, %arg1 : i32
    %mul3A_25 = arith.constant 5120 : i32
    %mul3A_26 = arith.muli %add3A, %mul3A_25 : i32
    "tpu.region"() ({
      %run_scoped3A = tpu.sem_alloc : memref<!tpu.dma_semaphore, #tpu.memory_space<semaphore_mem>>
      %dma_start3A = tpu.memref_slice %arg2[%mul3A_26] : memref<163840xi32, #tpu.memory_space<hbm>> -> memref<5120xi32, #tpu.memory_space<hbm>>
      %dma_start3A_38 = tpu.memref_slice %arg2[%mul3A_26] : memref<163840xi32, #tpu.memory_space<hbm>> -> memref<5120xi32, #tpu.memory_space<hbm>>
      tpu.enqueue_dma source(%dma_start3A_38 : memref<5120xi32, #tpu.memory_space<hbm>>) target(%arg4 : memref<5120xi32, #tpu.memory_space<vmem>>) target_semaphore(%run_scoped3A : memref<!tpu.dma_semaphore, #tpu.memory_space<semaphore_mem>>)
      %dma_wait3A = tpu.memref_slice %arg2[%mul3A_26] : memref<163840xi32, #tpu.memory_space<hbm>> -> memref<5120xi32, #tpu.memory_space<hbm>>
      %dma_wait3A_39 = tpu.memref_slice %arg2[%mul3A_26] : memref<163840xi32, #tpu.memory_space<hbm>> -> memref<5120xi32, #tpu.memory_space<hbm>>
      tpu.wait_dma2 semaphore(%run_scoped3A : memref<!tpu.dma_semaphore, #tpu.memory_space<semaphore_mem>>) src(%dma_wait3A_39 : memref<5120xi32, #tpu.memory_space<hbm>>) dst(%arg4 : memref<5120xi32, #tpu.memory_space<vmem>>)
      tpu.yield
    }) : () -> ()
    %barrier3A = arith.constant 0 : index
    tpu.barrier barrier_id(%barrier3A)
    %scan3A_27 = arith.constant 0 : i32
    %scan3A_28 = arith.constant 0 : i32
    %scan3A_29 = arith.constant 40 : i32
    %scan3A_30 = arith.addi %scan3A_28, %scan3A_29 : i32
    %scan3A_31 = arith.constant 1 : i32
    %scan3A_32 = scf.for %scan3A_38 = %scan3A_28 to %scan3A_30 step %scan3A_31 iter_args(%scan3A_39 = %scan3A_27) -> (i32)  : i32 {
      %mul3A_40 = arith.constant 128 : i32
      %mul3A_41 = arith.muli %scan3A_38, %mul3A_40 : i32
      %add3A_42 = arith.constant 0 : i32
      %add3A_43 = arith.addi %mul3A_41, %add3A_42 : i32
      %get3A = arith.index_cast %add3A_43 : i32 to index
      %get3A_44 = tpu.vector_load %arg4[%get3A] {strides = array<i32>} : memref<5120xi32, #tpu.memory_space<vmem>>, vector<16xi32>,
      %get3A_45 = vector.shape_cast %get3A_44 : vector<16xi32> to vector<16xi32>
      %swap3A = arith.constant 0 : index
      %swap3A_46 = tpu.vector_load %arg5[%swap3A] {strides = array<i32>} : memref<128xi32, #tpu.memory_space<vmem>>, vector<16xi32>,
      %swap3A_47 = vector.shape_cast %swap3A_46 : vector<16xi32> to vector<16xi32>
      %swap3A_48 = vector.shape_cast %get3A_45 : vector<16xi32> to vector<16xi32>
      tpu.vector_store %arg5[%swap3A], %swap3A_48 {strides = array<i32>} : memref<128xi32, #tpu.memory_space<vmem>>, vector<16xi32>,
      %mul3A_49 = arith.constant 128 : i32
      %mul3A_50 = arith.muli %scan3A_38, %mul3A_49 : i32
      %add3A_51 = arith.constant 16 : i32
      %add3A_52 = arith.addi %mul3A_50, %add3A_51 : i32
      %get3A_53 = arith.index_cast %add3A_52 : i32 to index
      %get3A_54 = tpu.vector_load %arg4[%get3A_53] {strides = array<i32>} : memref<5120xi32, #tpu.memory_space<vmem>>, vector<16xi32>,
      %get3A_55 = vector.shape_cast %get3A_54 : vector<16xi32> to vector<16xi32>
      %swap3A_56 = arith.constant 16 : index
      %swap3A_57 = tpu.vector_load %arg5[%swap3A_56] {strides = array<i32>} : memref<128xi32, #tpu.memory_space<vmem>>, vector<16xi32>,
      %swap3A_58 = vector.shape_cast %swap3A_57 : vector<16xi32> to vector<16xi32>
      %swap3A_59 = vector.shape_cast %get3A_55 : vector<16xi32> to vector<16xi32>
      tpu.vector_store %arg5[%swap3A_56], %swap3A_59 {strides = array<i32>} : memref<128xi32, #tpu.memory_space<vmem>>, vector<16xi32>,
      %mul3A_60 = arith.constant 128 : i32
      %mul3A_61 = arith.muli %scan3A_38, %mul3A_60 : i32
      %add3A_62 = arith.constant 32 : i32
      %add3A_63 = arith.addi %mul3A_61, %add3A_62 : i32
      %get3A_64 = arith.index_cast %add3A_63 : i32 to index
      %get3A_65 = tpu.vector_load %arg4[%get3A_64] {strides = array<i32>} : memref<5120xi32, #tpu.memory_space<vmem>>, vector<16xi32>,
      %get3A_66 = vector.shape_cast %get3A_65 : vector<16xi32> to vector<16xi32>
      %swap3A_67 = arith.constant 32 : index
      %swap3A_68 = tpu.vector_load %arg5[%swap3A_67] {strides = array<i32>} : memref<128xi32, #tpu.memory_space<vmem>>, vector<16xi32>,
      %swap3A_69 = vector.shape_cast %swap3A_68 : vector<16xi32> to vector<16xi32>
      %swap3A_70 = vector.shape_cast %get3A_66 : vector<16xi32> to vector<16xi32>
      tpu.vector_store %arg5[%swap3A_67], %swap3A_70 {strides = array<i32>} : memref<128xi32, #tpu.memory_space<vmem>>, vector<16xi32>,
      %mul3A_71 = arith.constant 128 : i32
      %mul3A_72 = arith.muli %scan3A_38, %mul3A_71 : i32
      %add3A_73 = arith.constant 48 : i32
      %add3A_74 = arith.addi %mul3A_72, %add3A_73 : i32
      %get3A_75 = arith.index_cast %add3A_74 : i32 to index
      %get3A_76 = tpu.vector_load %arg4[%get3A_75] {strides = array<i32>} : memref<5120xi32, #tpu.memory_space<vmem>>, vector<16xi32>,
      %get3A_77 = vector.shape_cast %get3A_76 : vector<16xi32> to vector<16xi32>
      %swap3A_78 = arith.constant 48 : index
      %swap3A_79 = tpu.vector_load %arg5[%swap3A_78] {strides = array<i32>} : memref<128xi32, #tpu.memory_space<vmem>>, vector<16xi32>,
      %swap3A_80 = vector.shape_cast %swap3A_79 : vector<16xi32> to vector<16xi32>
      %swap3A_81 = vector.shape_cast %get3A_77 : vector<16xi32> to vector<16xi32>
      tpu.vector_store %arg5[%swap3A_78], %swap3A_81 {strides = array<i32>} : memref<128xi32, #tpu.memory_space<vmem>>, vector<16xi32>,
      %mul3A_82 = arith.constant 128 : i32
      %mul3A_83 = arith.muli %scan3A_38, %mul3A_82 : i32
      %add3A_84 = arith.constant 64 : i32
      %add3A_85 = arith.addi %mul3A_83, %add3A_84 : i32
      %get3A_86 = arith.index_cast %add3A_85 : i32 to index
      %get3A_87 = tpu.vector_load %arg4[%get3A_86] {strides = array<i32>} : memref<5120xi32, #tpu.memory_space<vmem>>, vector<16xi32>,
      %get3A_88 = vector.shape_cast %get3A_87 : vector<16xi32> to vector<16xi32>
      %swap3A_89 = arith.constant 64 : index
      %swap3A_90 = tpu.vector_load %arg5[%swap3A_89] {strides = array<i32>} : memref<128xi32, #tpu.memory_space<vmem>>, vector<16xi32>,
      %swap3A_91 = vector.shape_cast %swap3A_90 : vector<16xi32> to vector<16xi32>
      %swap3A_92 = vector.shape_cast %get3A_88 : vector<16xi32> to vector<16xi32>
      tpu.vector_store %arg5[%swap3A_89], %swap3A_92 {strides = array<i32>} : memref<128xi32, #tpu.memory_space<vmem>>, vector<16xi32>,
      %mul3A_93 = arith.constant 128 : i32
      %mul3A_94 = arith.muli %scan3A_38, %mul3A_93 : i32
      %add3A_95 = arith.constant 80 : i32
      %add3A_96 = arith.addi %mul3A_94, %add3A_95 : i32
      %get3A_97 = arith.index_cast %add3A_96 : i32 to index
      %get3A_98 = tpu.vector_load %arg4[%get3A_97] {strides = array<i32>} : memref<5120xi32, #tpu.memory_space<vmem>>, vector<16xi32>,
      %get3A_99 = vector.shape_cast %get3A_98 : vector<16xi32> to vector<16xi32>
      %swap3A_100 = arith.constant 80 : index
      %swap3A_101 = tpu.vector_load %arg5[%swap3A_100] {strides = array<i32>} : memref<128xi32, #tpu.memory_space<vmem>>, vector<16xi32>,
      %swap3A_102 = vector.shape_cast %swap3A_101 : vector<16xi32> to vector<16xi32>
      %swap3A_103 = vector.shape_cast %get3A_99 : vector<16xi32> to vector<16xi32>
      tpu.vector_store %arg5[%swap3A_100], %swap3A_103 {strides = array<i32>} : memref<128xi32, #tpu.memory_space<vmem>>, vector<16xi32>,
      %mul3A_104 = arith.constant 128 : i32
      %mul3A_105 = arith.muli %scan3A_38, %mul3A_104 : i32
      %add3A_106 = arith.constant 96 : i32
      %add3A_107 = arith.addi %mul3A_105, %add3A_106 : i32
      %get3A_108 = arith.index_cast %add3A_107 : i32 to index
      %get3A_109 = tpu.vector_load %arg4[%get3A_108] {strides = array<i32>} : memref<5120xi32, #tpu.memory_space<vmem>>, vector<16xi32>,
      %get3A_110 = vector.shape_cast %get3A_109 : vector<16xi32> to vector<16xi32>
      %swap3A_111 = arith.constant 96 : index
      %swap3A_112 = tpu.vector_load %arg5[%swap3A_111] {strides = array<i32>} : memref<128xi32, #tpu.memory_space<vmem>>, vector<16xi32>,
      %swap3A_113 = vector.shape_cast %swap3A_112 : vector<16xi32> to vector<16xi32>
      %swap3A_114 = vector.shape_cast %get3A_110 : vector<16xi32> to vector<16xi32>
      tpu.vector_store %arg5[%swap3A_111], %swap3A_114 {strides = array<i32>} : memref<128xi32, #tpu.memory_space<vmem>>, vector<16xi32>,
      %mul3A_115 = arith.constant 128 : i32
      %mul3A_116 = arith.muli %scan3A_38, %mul3A_115 : i32
      %add3A_117 = arith.constant 112 : i32
      %add3A_118 = arith.addi %mul3A_116, %add3A_117 : i32
      %get3A_119 = arith.index_cast %add3A_118 : i32 to index
      %get3A_120 = tpu.vector_load %arg4[%get3A_119] {strides = array<i32>} : memref<5120xi32, #tpu.memory_space<vmem>>, vector<16xi32>,
      %get3A_121 = vector.shape_cast %get3A_120 : vector<16xi32> to vector<16xi32>
      %swap3A_122 = arith.constant 112 : index
      %swap3A_123 = tpu.vector_load %arg5[%swap3A_122] {strides = array<i32>} : memref<128xi32, #tpu.memory_space<vmem>>, vector<16xi32>,
      %swap3A_124 = vector.shape_cast %swap3A_123 : vector<16xi32> to vector<16xi32>
      %swap3A_125 = vector.shape_cast %get3A_121 : vector<16xi32> to vector<16xi32>
      tpu.vector_store %arg5[%swap3A_122], %swap3A_125 {strides = array<i32>} : memref<128xi32, #tpu.memory_space<vmem>>, vector<16xi32>,
      "tpu.region"() ({
        %run_scoped3A = tpu.sem_alloc : memref<!tpu.dma_semaphore, #tpu.memory_space<semaphore_mem>>
        %dma_start3A = arith.constant 0 : i32
        %dma_start3A_127 = arith.constant 0 : i32
        %dma_start3A_128 = tpu.memref_slice %arg8[%dma_start3A, %dma_start3A_127] : memref<10016x128xf32, #tpu.memory_space<vmem_shared>> -> memref<10016x128xf32, #tpu.memory_space<vmem_shared>>
        tpu.enqueue_indirect_dma source(%arg6 : memref<128x128xf32, #tpu.memory_space<vmem>>) target(%dma_start3A_128 : memref<10016x128xf32, #tpu.memory_space<vmem_shared>>) offsets(%arg5 : memref<128xi32, #tpu.memory_space<vmem>>) semaphore(%run_scoped3A : memref<!tpu.dma_semaphore, #tpu.memory_space<semaphore_mem>>) {add = true}
        %dma_wait3A = arith.constant 0 : i32
        %dma_wait3A_129 = arith.constant 0 : i32
        %dma_wait3A_130 = tpu.memref_slice %arg8[%dma_wait3A, %dma_wait3A_129] : memref<10016x128xf32, #tpu.memory_space<vmem_shared>> -> memref<10016x128xf32, #tpu.memory_space<vmem_shared>>
        tpu.wait_indirect_dma semaphore(%run_scoped3A : memref<!tpu.dma_semaphore, #tpu.memory_space<semaphore_mem>>) src(%arg6 : memref<128x128xf32, #tpu.memory_space<vmem>>) dst(%dma_wait3A_130 : memref<10016x128xf32, #tpu.memory_space<vmem_shared>>)
        tpu.yield
      }) : () -> ()
      %scan3A_126 = arith.constant 0 : i32
      scf.yield %scan3A_126 : i32
    }
    %scan3A_33 = arith.constant 40 : i32
    %barrier3A_34 = arith.constant 0 : index
    tpu.barrier barrier_id(%barrier3A_34)
    "tpu.region"() ({
      %run_scoped3A = tpu.sem_alloc : memref<!tpu.dma_semaphore, #tpu.memory_space<semaphore_mem>>
      %dma_start3A = arith.constant 0 : i32
      %dma_start3A_38 = tpu.memref_slice %arg3[%arg0, %mul3A_13, %dma_start3A] : memref<2x10000x128xf32, #tpu.memory_space<hbm>> -> memref<1x624x128xf32, #tpu.memory_space<hbm>>
      %dma_start3A_39 = tpu.memref_squeeze %dma_start3A_38 : memref<1x624x128xf32, #tpu.memory_space<hbm>> -> memref<624x128xf32, #tpu.memory_space<hbm>>
      %dma_start3A_40 = arith.constant 0 : i32
      %dma_start3A_41 = tpu.memref_slice %arg8[%mul3A_13, %dma_start3A_40] : memref<10016x128xf32, #tpu.memory_space<vmem_shared>> -> memref<624x128xf32, #tpu.memory_space<vmem_shared>>
      tpu.enqueue_dma source(%dma_start3A_41 : memref<624x128xf32, #tpu.memory_space<vmem_shared>>) target(%dma_start3A_39 : memref<624x128xf32, #tpu.memory_space<hbm>>) target_semaphore(%run_scoped3A : memref<!tpu.dma_semaphore, #tpu.memory_space<semaphore_mem>>)
      %dma_wait3A = arith.constant 0 : i32
      %dma_wait3A_42 = tpu.memref_slice %arg3[%arg0, %mul3A_13, %dma_wait3A] : memref<2x10000x128xf32, #tpu.memory_space<hbm>> -> memref<1x624x128xf32, #tpu.memory_space<hbm>>
      %dma_wait3A_43 = tpu.memref_squeeze %dma_wait3A_42 : memref<1x624x128xf32, #tpu.memory_space<hbm>> -> memref<624x128xf32, #tpu.memory_space<hbm>>
      %dma_wait3A_44 = arith.constant 0 : i32
      %dma_wait3A_45 = tpu.memref_slice %arg8[%mul3A_13, %dma_wait3A_44] : memref<10016x128xf32, #tpu.memory_space<vmem_shared>> -> memref<624x128xf32, #tpu.memory_space<vmem_shared>>
      tpu.wait_dma2 semaphore(%run_scoped3A : memref<!tpu.dma_semaphore, #tpu.memory_space<semaphore_mem>>) src(%dma_wait3A_45 : memref<624x128xf32, #tpu.memory_space<vmem_shared>>) dst(%dma_wait3A_43 : memref<624x128xf32, #tpu.memory_space<hbm>>)
      tpu.yield
    }) : () -> ()
    %convert_element_type3A_35 = arith.extui %eq3A_14 : i1 to i32
    %cond3A_36 = arith.constant 0 : i32
    %cond3A_37 = arith.cmpi ne, %convert_element_type3A_35, %cond3A_36 : i32
    scf.if %cond3A_37 {
      "tpu.region"() ({
        %run_scoped3A = tpu.sem_alloc : memref<!tpu.dma_semaphore, #tpu.memory_space<semaphore_mem>>
        %dma_start3A = arith.constant 9984 : i32
        %dma_start3A_38 = arith.constant 0 : i32
        %dma_start3A_39 = tpu.memref_slice %arg3[%arg0, %dma_start3A, %dma_start3A_38] : memref<2x10000x128xf32, #tpu.memory_space<hbm>> -> memref<1x16x128xf32, #tpu.memory_space<hbm>>
        %dma_start3A_40 = tpu.memref_squeeze %dma_start3A_39 : memref<1x16x128xf32, #tpu.memory_space<hbm>> -> memref<16x128xf32, #tpu.memory_space<hbm>>
        %dma_start3A_41 = arith.constant 9984 : i32
        %dma_start3A_42 = arith.constant 0 : i32
        %dma_start3A_43 = tpu.memref_slice %arg8[%dma_start3A_41, %dma_start3A_42] : memref<10016x128xf32, #tpu.memory_space<vmem_shared>> -> memref<16x128xf32, #tpu.memory_space<vmem_shared>>
        tpu.enqueue_dma source(%dma_start3A_43 : memref<16x128xf32, #tpu.memory_space<vmem_shared>>) target(%dma_start3A_40 : memref<16x128xf32, #tpu.memory_space<hbm>>) target_semaphore(%run_scoped3A : memref<!tpu.dma_semaphore, #tpu.memory_space<semaphore_mem>>)
        %dma_wait3A = arith.constant 9984 : i32
        %dma_wait3A_44 = arith.constant 0 : i32
        %dma_wait3A_45 = tpu.memref_slice %arg3[%arg0, %dma_wait3A, %dma_wait3A_44] : memref<2x10000x128xf32, #tpu.memory_space<hbm>> -> memref<1x16x128xf32, #tpu.memory_space<hbm>>
        %dma_wait3A_46 = tpu.memref_squeeze %dma_wait3A_45 : memref<1x16x128xf32, #tpu.memory_space<hbm>> -> memref<16x128xf32, #tpu.memory_space<hbm>>
        %dma_wait3A_47 = arith.constant 9984 : i32
        %dma_wait3A_48 = arith.constant 0 : i32
        %dma_wait3A_49 = tpu.memref_slice %arg8[%dma_wait3A_47, %dma_wait3A_48] : memref<10016x128xf32, #tpu.memory_space<vmem_shared>> -> memref<16x128xf32, #tpu.memory_space<vmem_shared>>
        tpu.wait_dma2 semaphore(%run_scoped3A : memref<!tpu.dma_semaphore, #tpu.memory_space<semaphore_mem>>) src(%dma_wait3A_49 : memref<16x128xf32, #tpu.memory_space<vmem_shared>>) dst(%dma_wait3A_46 : memref<16x128xf32, #tpu.memory_space<hbm>>)
        tpu.yield
      }) : () -> ()
    } else {
    }
    return
  }
}

#map = affine_map<(d0, d1) -> (0, 0)>
#map1 = affine_map<(d0, d1) -> (0)>
module attributes {stable_mosaic.version = 14 : i64} {
  func.func @_sc_agg_body(%arg0: i32, %arg1: i32, %arg2: memref<20000x128xf32, #tpu.memory_space<hbm>>, %arg3: memref<320000xi32, #tpu.memory_space<hbm>>, %arg4: memref<160000xi32, #tpu.memory_space<hbm>>, %arg5: memref<20000x128xf32, #tpu.memory_space<hbm>>, %arg6: memref<128xi32, #tpu.memory_space<vmem>>, %arg7: memref<128xi32, #tpu.memory_space<vmem>>, %arg8: memref<128xi32, #tpu.memory_space<vmem>>, %arg9: memref<128xi32, #tpu.memory_space<vmem>>, %arg10: memref<128x128xf32, #tpu.memory_space<vmem>>, %arg11: memref<128x128xf32, #tpu.memory_space<vmem>>, %arg12: memref<16xi32, #tpu.memory_space<vmem>>, %arg13: memref<8x128xf32, #tpu.memory_space<vmem>>, %arg14: memref<10000x128xf32, #tpu.memory_space<vmem_shared>>, %arg15: memref<!tpu.dma_semaphore, #tpu.memory_space<semaphore_mem>>, %arg16: memref<!tpu.dma_semaphore, #tpu.memory_space<semaphore_mem>>, %arg17: memref<!tpu.dma_semaphore, #tpu.memory_space<semaphore_mem>>, %arg18: memref<!tpu.dma_semaphore, #tpu.memory_space<semaphore_mem>>) attributes {dimension_semantics = [#tpu.dimension_semantics<core_parallel>, #tpu.dimension_semantics<subcore_parallel>], iteration_bounds = array<i64: 2, 16>, scalar_prefetch = 0 : i64, scratch_operands = 13 : i64, tpu.core_type = #tpu.core_type<sc_vector_subcore>, window_params = [{transform_indices = #map}, {transform_indices = #map1}, {transform_indices = #map1}, {transform_indices = #map}]} {
    %mul3A = arith.constant 160000 : i32
    %mul3A_0 = arith.muli %arg0, %mul3A : i32
    %mul3A_1 = arith.constant 10000 : i32
    %mul3A_2 = arith.muli %arg1, %mul3A_1 : i32
    %add3A = arith.addi %mul3A_0, %mul3A_2 : i32
    %mul3A_3 = arith.constant 10000 : i32
    %mul3A_4 = arith.muli %arg1, %mul3A_3 : i32
    %add3A_5 = arith.constant 0 : i32
    %add3A_6 = arith.addi %add3A, %add3A_5 : i32
    %dma_start3A = tpu.memref_slice %arg3[%add3A_6] : memref<320000xi32, #tpu.memory_space<hbm>> -> memref<128xi32, #tpu.memory_space<hbm>>
    %dma_start3A_7 = tpu.memref_slice %arg3[%add3A_6] : memref<320000xi32, #tpu.memory_space<hbm>> -> memref<128xi32, #tpu.memory_space<hbm>>
    tpu.enqueue_dma source(%dma_start3A_7 : memref<128xi32, #tpu.memory_space<hbm>>) target(%arg6 : memref<128xi32, #tpu.memory_space<vmem>>) target_semaphore(%arg17 : memref<!tpu.dma_semaphore, #tpu.memory_space<semaphore_mem>>)
    %add3A_8 = arith.constant 0 : i32
    %add3A_9 = arith.addi %mul3A_4, %add3A_8 : i32
    %dma_start3A_10 = tpu.memref_slice %arg4[%add3A_9] : memref<160000xi32, #tpu.memory_space<hbm>> -> memref<128xi32, #tpu.memory_space<hbm>>
    %dma_start3A_11 = tpu.memref_slice %arg4[%add3A_9] : memref<160000xi32, #tpu.memory_space<hbm>> -> memref<128xi32, #tpu.memory_space<hbm>>
    tpu.enqueue_dma source(%dma_start3A_11 : memref<128xi32, #tpu.memory_space<hbm>>) target(%arg8 : memref<128xi32, #tpu.memory_space<vmem>>) target_semaphore(%arg17 : memref<!tpu.dma_semaphore, #tpu.memory_space<semaphore_mem>>)
    %scan3A = arith.constant 0 : i32
    %scan3A_12 = arith.constant 0 : i32
    %scan3A_13 = arith.constant 8 : i32
    %scan3A_14 = arith.addi %scan3A_12, %scan3A_13 : i32
    %scan3A_15 = arith.constant 1 : i32
    %scan3A_16 = scf.for %scan3A_92 = %scan3A_12 to %scan3A_14 step %scan3A_15 iter_args(%scan3A_93 = %scan3A) -> (i32)  : i32 {
      %broadcast_in_dim3A = arith.constant 0.000000e+00 : f32
      %broadcast_in_dim3A_94 = vector.broadcast %broadcast_in_dim3A : f32 to vector<16xf32>
      %swap3A = arith.index_cast %scan3A_92 : i32 to index
      %swap3A_95 = arith.constant 0 : index
      %swap3A_96 = tpu.vector_load %arg13[%swap3A, %swap3A_95] {strides = array<i32>} : memref<8x128xf32, #tpu.memory_space<vmem>>, vector<1x16xf32>,
      %swap3A_97 = vector.shape_cast %swap3A_96 : vector<1x16xf32> to vector<16xf32>
      %swap3A_98 = vector.shape_cast %broadcast_in_dim3A_94 : vector<16xf32> to vector<1x16xf32>
      tpu.vector_store %arg13[%swap3A, %swap3A_95], %swap3A_98 {strides = array<i32>} : memref<8x128xf32, #tpu.memory_space<vmem>>, vector<1x16xf32>,
      %broadcast_in_dim3A_99 = arith.constant 0.000000e+00 : f32
      %broadcast_in_dim3A_100 = vector.broadcast %broadcast_in_dim3A_99 : f32 to vector<16xf32>
      %swap3A_101 = arith.index_cast %scan3A_92 : i32 to index
      %swap3A_102 = arith.constant 16 : index
      %swap3A_103 = tpu.vector_load %arg13[%swap3A_101, %swap3A_102] {strides = array<i32>} : memref<8x128xf32, #tpu.memory_space<vmem>>, vector<1x16xf32>,
      %swap3A_104 = vector.shape_cast %swap3A_103 : vector<1x16xf32> to vector<16xf32>
      %swap3A_105 = vector.shape_cast %broadcast_in_dim3A_100 : vector<16xf32> to vector<1x16xf32>
      tpu.vector_store %arg13[%swap3A_101, %swap3A_102], %swap3A_105 {strides = array<i32>} : memref<8x128xf32, #tpu.memory_space<vmem>>, vector<1x16xf32>,
      %broadcast_in_dim3A_106 = arith.constant 0.000000e+00 : f32
      %broadcast_in_dim3A_107 = vector.broadcast %broadcast_in_dim3A_106 : f32 to vector<16xf32>
      %swap3A_108 = arith.index_cast %scan3A_92 : i32 to index
      %swap3A_109 = arith.constant 32 : index
      %swap3A_110 = tpu.vector_load %arg13[%swap3A_108, %swap3A_109] {strides = array<i32>} : memref<8x128xf32, #tpu.memory_space<vmem>>, vector<1x16xf32>,
      %swap3A_111 = vector.shape_cast %swap3A_110 : vector<1x16xf32> to vector<16xf32>
      %swap3A_112 = vector.shape_cast %broadcast_in_dim3A_107 : vector<16xf32> to vector<1x16xf32>
      tpu.vector_store %arg13[%swap3A_108, %swap3A_109], %swap3A_112 {strides = array<i32>} : memref<8x128xf32, #tpu.memory_space<vmem>>, vector<1x16xf32>,
      %broadcast_in_dim3A_113 = arith.constant 0.000000e+00 : f32
      %broadcast_in_dim3A_114 = vector.broadcast %broadcast_in_dim3A_113 : f32 to vector<16xf32>
      %swap3A_115 = arith.index_cast %scan3A_92 : i32 to index
      %swap3A_116 = arith.constant 48 : index
      %swap3A_117 = tpu.vector_load %arg13[%swap3A_115, %swap3A_116] {strides = array<i32>} : memref<8x128xf32, #tpu.memory_space<vmem>>, vector<1x16xf32>,
      %swap3A_118 = vector.shape_cast %swap3A_117 : vector<1x16xf32> to vector<16xf32>
      %swap3A_119 = vector.shape_cast %broadcast_in_dim3A_114 : vector<16xf32> to vector<1x16xf32>
      tpu.vector_store %arg13[%swap3A_115, %swap3A_116], %swap3A_119 {strides = array<i32>} : memref<8x128xf32, #tpu.memory_space<vmem>>, vector<1x16xf32>,
      %broadcast_in_dim3A_120 = arith.constant 0.000000e+00 : f32
      %broadcast_in_dim3A_121 = vector.broadcast %broadcast_in_dim3A_120 : f32 to vector<16xf32>
      %swap3A_122 = arith.index_cast %scan3A_92 : i32 to index
      %swap3A_123 = arith.constant 64 : index
      %swap3A_124 = tpu.vector_load %arg13[%swap3A_122, %swap3A_123] {strides = array<i32>} : memref<8x128xf32, #tpu.memory_space<vmem>>, vector<1x16xf32>,
      %swap3A_125 = vector.shape_cast %swap3A_124 : vector<1x16xf32> to vector<16xf32>
      %swap3A_126 = vector.shape_cast %broadcast_in_dim3A_121 : vector<16xf32> to vector<1x16xf32>
      tpu.vector_store %arg13[%swap3A_122, %swap3A_123], %swap3A_126 {strides = array<i32>} : memref<8x128xf32, #tpu.memory_space<vmem>>, vector<1x16xf32>,
      %broadcast_in_dim3A_127 = arith.constant 0.000000e+00 : f32
      %broadcast_in_dim3A_128 = vector.broadcast %broadcast_in_dim3A_127 : f32 to vector<16xf32>
      %swap3A_129 = arith.index_cast %scan3A_92 : i32 to index
      %swap3A_130 = arith.constant 80 : index
      %swap3A_131 = tpu.vector_load %arg13[%swap3A_129, %swap3A_130] {strides = array<i32>} : memref<8x128xf32, #tpu.memory_space<vmem>>, vector<1x16xf32>,
      %swap3A_132 = vector.shape_cast %swap3A_131 : vector<1x16xf32> to vector<16xf32>
      %swap3A_133 = vector.shape_cast %broadcast_in_dim3A_128 : vector<16xf32> to vector<1x16xf32>
      tpu.vector_store %arg13[%swap3A_129, %swap3A_130], %swap3A_133 {strides = array<i32>} : memref<8x128xf32, #tpu.memory_space<vmem>>, vector<1x16xf32>,
      %broadcast_in_dim3A_134 = arith.constant 0.000000e+00 : f32
      %broadcast_in_dim3A_135 = vector.broadcast %broadcast_in_dim3A_134 : f32 to vector<16xf32>
      %swap3A_136 = arith.index_cast %scan3A_92 : i32 to index
      %swap3A_137 = arith.constant 96 : index
      %swap3A_138 = tpu.vector_load %arg13[%swap3A_136, %swap3A_137] {strides = array<i32>} : memref<8x128xf32, #tpu.memory_space<vmem>>, vector<1x16xf32>,
      %swap3A_139 = vector.shape_cast %swap3A_138 : vector<1x16xf32> to vector<16xf32>
      %swap3A_140 = vector.shape_cast %broadcast_in_dim3A_135 : vector<16xf32> to vector<1x16xf32>
      tpu.vector_store %arg13[%swap3A_136, %swap3A_137], %swap3A_140 {strides = array<i32>} : memref<8x128xf32, #tpu.memory_space<vmem>>, vector<1x16xf32>,
      %broadcast_in_dim3A_141 = arith.constant 0.000000e+00 : f32
      %broadcast_in_dim3A_142 = vector.broadcast %broadcast_in_dim3A_141 : f32 to vector<16xf32>
      %swap3A_143 = arith.index_cast %scan3A_92 : i32 to index
      %swap3A_144 = arith.constant 112 : index
      %swap3A_145 = tpu.vector_load %arg13[%swap3A_143, %swap3A_144] {strides = array<i32>} : memref<8x128xf32, #tpu.memory_space<vmem>>, vector<1x16xf32>,
      %swap3A_146 = vector.shape_cast %swap3A_145 : vector<1x16xf32> to vector<16xf32>
      %swap3A_147 = vector.shape_cast %broadcast_in_dim3A_142 : vector<16xf32> to vector<1x16xf32>
      tpu.vector_store %arg13[%swap3A_143, %swap3A_144], %swap3A_147 {strides = array<i32>} : memref<8x128xf32, #tpu.memory_space<vmem>>, vector<1x16xf32>,
      %scan3A_148 = arith.constant 0 : i32
      scf.yield %scan3A_148 : i32
    }
    %scan3A_17 = arith.constant 8 : i32
    %mul3A_18 = arith.constant 624 : i32
    %mul3A_19 = arith.muli %arg1, %mul3A_18 : i32
    %eq3A = arith.constant 15 : i32
    %eq3A_20 = arith.cmpi eq, %arg1, %eq3A : i32
    %scan3A_21 = arith.constant 0 : i32
    %scan3A_22 = arith.constant 0 : i32
    %scan3A_23 = arith.constant 78 : i32
    %scan3A_24 = arith.addi %scan3A_22, %scan3A_23 : i32
    %scan3A_25 = arith.constant 1 : i32
    %scan3A_26 = scf.for %scan3A_92 = %scan3A_22 to %scan3A_24 step %scan3A_25 iter_args(%scan3A_93 = %scan3A_21) -> (i32)  : i32 {
      %mul3A_94 = arith.constant 8 : i32
      %mul3A_95 = arith.muli %scan3A_92, %mul3A_94 : i32
      %add3A_96 = arith.addi %mul3A_19, %mul3A_95 : i32
      "tpu.region"() ({
        %run_scoped3A = tpu.sem_alloc : memref<!tpu.dma_semaphore, #tpu.memory_space<semaphore_mem>>
        %dma_start3A_98 = arith.constant 0 : i32
        %dma_start3A_99 = tpu.memref_slice %arg14[%add3A_96, %dma_start3A_98] : memref<10000x128xf32, #tpu.memory_space<vmem_shared>> -> memref<8x128xf32, #tpu.memory_space<vmem_shared>>
        %dma_start3A_100 = arith.constant 0 : i32
        %dma_start3A_101 = tpu.memref_slice %arg14[%add3A_96, %dma_start3A_100] : memref<10000x128xf32, #tpu.memory_space<vmem_shared>> -> memref<8x128xf32, #tpu.memory_space<vmem_shared>>
        tpu.enqueue_dma source(%arg13 : memref<8x128xf32, #tpu.memory_space<vmem>>) target(%dma_start3A_101 : memref<8x128xf32, #tpu.memory_space<vmem_shared>>) target_semaphore(%run_scoped3A : memref<!tpu.dma_semaphore, #tpu.memory_space<semaphore_mem>>)
        %dma_wait3A_102 = arith.constant 0 : i32
        %dma_wait3A_103 = tpu.memref_slice %arg14[%add3A_96, %dma_wait3A_102] : memref<10000x128xf32, #tpu.memory_space<vmem_shared>> -> memref<8x128xf32, #tpu.memory_space<vmem_shared>>
        %dma_wait3A_104 = arith.constant 0 : i32
        %dma_wait3A_105 = tpu.memref_slice %arg14[%add3A_96, %dma_wait3A_104] : memref<10000x128xf32, #tpu.memory_space<vmem_shared>> -> memref<8x128xf32, #tpu.memory_space<vmem_shared>>
        tpu.wait_dma2 semaphore(%run_scoped3A : memref<!tpu.dma_semaphore, #tpu.memory_space<semaphore_mem>>) src(%arg13 : memref<8x128xf32, #tpu.memory_space<vmem>>) dst(%dma_wait3A_105 : memref<8x128xf32, #tpu.memory_space<vmem_shared>>)
        tpu.yield
      }) : () -> ()
      %scan3A_97 = arith.constant 0 : i32
      scf.yield %scan3A_97 : i32
    }
    %scan3A_27 = arith.constant 78 : i32
    %convert_element_type3A = arith.extui %eq3A_20 : i1 to i32
    %cond3A = arith.constant 0 : i32
    %cond3A_28 = arith.cmpi ne, %convert_element_type3A, %cond3A : i32
    scf.if %cond3A_28 {
      "tpu.region"() ({
        %run_scoped3A = tpu.sem_alloc : memref<!tpu.dma_semaphore, #tpu.memory_space<semaphore_mem>>
        %dma_start3A_92 = arith.constant 9984 : i32
        %dma_start3A_93 = arith.constant 0 : i32
        %dma_start3A_94 = tpu.memref_slice %arg14[%dma_start3A_92, %dma_start3A_93] : memref<10000x128xf32, #tpu.memory_space<vmem_shared>> -> memref<8x128xf32, #tpu.memory_space<vmem_shared>>
        %dma_start3A_95 = arith.constant 9984 : i32
        %dma_start3A_96 = arith.constant 0 : i32
        %dma_start3A_97 = tpu.memref_slice %arg14[%dma_start3A_95, %dma_start3A_96] : memref<10000x128xf32, #tpu.memory_space<vmem_shared>> -> memref<8x128xf32, #tpu.memory_space<vmem_shared>>
        tpu.enqueue_dma source(%arg13 : memref<8x128xf32, #tpu.memory_space<vmem>>) target(%dma_start3A_97 : memref<8x128xf32, #tpu.memory_space<vmem_shared>>) target_semaphore(%run_scoped3A : memref<!tpu.dma_semaphore, #tpu.memory_space<semaphore_mem>>)
        %dma_wait3A_98 = arith.constant 9984 : i32
        %dma_wait3A_99 = arith.constant 0 : i32
        %dma_wait3A_100 = tpu.memref_slice %arg14[%dma_wait3A_98, %dma_wait3A_99] : memref<10000x128xf32, #tpu.memory_space<vmem_shared>> -> memref<8x128xf32, #tpu.memory_space<vmem_shared>>
        %dma_wait3A_101 = arith.constant 9984 : i32
        %dma_wait3A_102 = arith.constant 0 : i32
        %dma_wait3A_103 = tpu.memref_slice %arg14[%dma_wait3A_101, %dma_wait3A_102] : memref<10000x128xf32, #tpu.memory_space<vmem_shared>> -> memref<8x128xf32, #tpu.memory_space<vmem_shared>>
        tpu.wait_dma2 semaphore(%run_scoped3A : memref<!tpu.dma_semaphore, #tpu.memory_space<semaphore_mem>>) src(%arg13 : memref<8x128xf32, #tpu.memory_space<vmem>>) dst(%dma_wait3A_103 : memref<8x128xf32, #tpu.memory_space<vmem_shared>>)
        tpu.yield
      }) : () -> ()
      "tpu.region"() ({
        %run_scoped3A = tpu.sem_alloc : memref<!tpu.dma_semaphore, #tpu.memory_space<semaphore_mem>>
        %dma_start3A_92 = arith.constant 9992 : i32
        %dma_start3A_93 = arith.constant 0 : i32
        %dma_start3A_94 = tpu.memref_slice %arg14[%dma_start3A_92, %dma_start3A_93] : memref<10000x128xf32, #tpu.memory_space<vmem_shared>> -> memref<8x128xf32, #tpu.memory_space<vmem_shared>>
        %dma_start3A_95 = arith.constant 9992 : i32
        %dma_start3A_96 = arith.constant 0 : i32
        %dma_start3A_97 = tpu.memref_slice %arg14[%dma_start3A_95, %dma_start3A_96] : memref<10000x128xf32, #tpu.memory_space<vmem_shared>> -> memref<8x128xf32, #tpu.memory_space<vmem_shared>>
        tpu.enqueue_dma source(%arg13 : memref<8x128xf32, #tpu.memory_space<vmem>>) target(%dma_start3A_97 : memref<8x128xf32, #tpu.memory_space<vmem_shared>>) target_semaphore(%run_scoped3A : memref<!tpu.dma_semaphore, #tpu.memory_space<semaphore_mem>>)
        %dma_wait3A_98 = arith.constant 9992 : i32
        %dma_wait3A_99 = arith.constant 0 : i32
        %dma_wait3A_100 = tpu.memref_slice %arg14[%dma_wait3A_98, %dma_wait3A_99] : memref<10000x128xf32, #tpu.memory_space<vmem_shared>> -> memref<8x128xf32, #tpu.memory_space<vmem_shared>>
        %dma_wait3A_101 = arith.constant 9992 : i32
        %dma_wait3A_102 = arith.constant 0 : i32
        %dma_wait3A_103 = tpu.memref_slice %arg14[%dma_wait3A_101, %dma_wait3A_102] : memref<10000x128xf32, #tpu.memory_space<vmem_shared>> -> memref<8x128xf32, #tpu.memory_space<vmem_shared>>
        tpu.wait_dma2 semaphore(%run_scoped3A : memref<!tpu.dma_semaphore, #tpu.memory_space<semaphore_mem>>) src(%arg13 : memref<8x128xf32, #tpu.memory_space<vmem>>) dst(%dma_wait3A_103 : memref<8x128xf32, #tpu.memory_space<vmem_shared>>)
        tpu.yield
      }) : () -> ()
    } else {
    }
    %barrier3A = arith.constant 0 : index
    tpu.barrier barrier_id(%barrier3A)
    %dma_wait3A = tpu.memref_slice %arg3[%add3A] : memref<320000xi32, #tpu.memory_space<hbm>> -> memref<128xi32, #tpu.memory_space<hbm>>
    %dma_wait3A_29 = tpu.memref_slice %arg3[%add3A] : memref<320000xi32, #tpu.memory_space<hbm>> -> memref<128xi32, #tpu.memory_space<hbm>>
    tpu.wait_dma2 semaphore(%arg17 : memref<!tpu.dma_semaphore, #tpu.memory_space<semaphore_mem>>) src(%dma_wait3A_29 : memref<128xi32, #tpu.memory_space<hbm>>) dst(%arg6 : memref<128xi32, #tpu.memory_space<vmem>>)
    %dma_wait3A_30 = tpu.memref_slice %arg4[%mul3A_4] : memref<160000xi32, #tpu.memory_space<hbm>> -> memref<128xi32, #tpu.memory_space<hbm>>
    %dma_wait3A_31 = tpu.memref_slice %arg4[%mul3A_4] : memref<160000xi32, #tpu.memory_space<hbm>> -> memref<128xi32, #tpu.memory_space<hbm>>
    tpu.wait_dma2 semaphore(%arg17 : memref<!tpu.dma_semaphore, #tpu.memory_space<semaphore_mem>>) src(%dma_wait3A_31 : memref<128xi32, #tpu.memory_space<hbm>>) dst(%arg8 : memref<128xi32, #tpu.memory_space<vmem>>)
    %dma_start3A_32 = arith.constant 0 : i32
    %dma_start3A_33 = arith.constant 0 : i32
    %dma_start3A_34 = tpu.memref_slice %arg2[%dma_start3A_32, %dma_start3A_33] : memref<20000x128xf32, #tpu.memory_space<hbm>> -> memref<20000x128xf32, #tpu.memory_space<hbm>>
    tpu.enqueue_indirect_dma source(%dma_start3A_34 : memref<20000x128xf32, #tpu.memory_space<hbm>>) target(%arg10 : memref<128x128xf32, #tpu.memory_space<vmem>>) offsets(%arg6 : memref<128xi32, #tpu.memory_space<vmem>>) semaphore(%arg15 : memref<!tpu.dma_semaphore, #tpu.memory_space<semaphore_mem>>)
    %add3A_35 = arith.constant 128 : i32
    %add3A_36 = arith.addi %add3A, %add3A_35 : i32
    %dma_start3A_37 = tpu.memref_slice %arg3[%add3A_36] : memref<320000xi32, #tpu.memory_space<hbm>> -> memref<128xi32, #tpu.memory_space<hbm>>
    %dma_start3A_38 = tpu.memref_slice %arg3[%add3A_36] : memref<320000xi32, #tpu.memory_space<hbm>> -> memref<128xi32, #tpu.memory_space<hbm>>
    tpu.enqueue_dma source(%dma_start3A_38 : memref<128xi32, #tpu.memory_space<hbm>>) target(%arg7 : memref<128xi32, #tpu.memory_space<vmem>>) target_semaphore(%arg18 : memref<!tpu.dma_semaphore, #tpu.memory_space<semaphore_mem>>)
    %add3A_39 = arith.constant 128 : i32
    %add3A_40 = arith.addi %mul3A_4, %add3A_39 : i32
    %dma_start3A_41 = tpu.memref_slice %arg4[%add3A_40] : memref<160000xi32, #tpu.memory_space<hbm>> -> memref<128xi32, #tpu.memory_space<hbm>>
    %dma_start3A_42 = tpu.memref_slice %arg4[%add3A_40] : memref<160000xi32, #tpu.memory_space<hbm>> -> memref<128xi32, #tpu.memory_space<hbm>>
    tpu.enqueue_dma source(%dma_start3A_42 : memref<128xi32, #tpu.memory_space<hbm>>) target(%arg9 : memref<128xi32, #tpu.memory_space<vmem>>) target_semaphore(%arg18 : memref<!tpu.dma_semaphore, #tpu.memory_space<semaphore_mem>>)
    %scan3A_43 = arith.constant 0 : i32
    %scan3A_44 = arith.constant 0 : i32
    %scan3A_45 = arith.constant 38 : i32
    %scan3A_46 = arith.addi %scan3A_44, %scan3A_45 : i32
    %scan3A_47 = arith.constant 1 : i32
    %scan3A_48 = scf.for %scan3A_92 = %scan3A_44 to %scan3A_46 step %scan3A_47 iter_args(%scan3A_93 = %scan3A_43) -> (i32)  : i32 {
      %mul3A_94 = arith.constant 2 : i32
      %mul3A_95 = arith.muli %scan3A_92, %mul3A_94 : i32
      %add3A_96 = arith.constant 1 : i32
      %add3A_97 = arith.addi %mul3A_95, %add3A_96 : i32
      %dma_wait3A_98 = tpu.memref_slice %arg3[%add3A] : memref<320000xi32, #tpu.memory_space<hbm>> -> memref<128xi32, #tpu.memory_space<hbm>>
      %dma_wait3A_99 = tpu.memref_slice %arg3[%add3A] : memref<320000xi32, #tpu.memory_space<hbm>> -> memref<128xi32, #tpu.memory_space<hbm>>
      tpu.wait_dma2 semaphore(%arg18 : memref<!tpu.dma_semaphore, #tpu.memory_space<semaphore_mem>>) src(%dma_wait3A_99 : memref<128xi32, #tpu.memory_space<hbm>>) dst(%arg7 : memref<128xi32, #tpu.memory_space<vmem>>)
      %dma_wait3A_100 = tpu.memref_slice %arg4[%mul3A_4] : memref<160000xi32, #tpu.memory_space<hbm>> -> memref<128xi32, #tpu.memory_space<hbm>>
      %dma_wait3A_101 = tpu.memref_slice %arg4[%mul3A_4] : memref<160000xi32, #tpu.memory_space<hbm>> -> memref<128xi32, #tpu.memory_space<hbm>>
      tpu.wait_dma2 semaphore(%arg18 : memref<!tpu.dma_semaphore, #tpu.memory_space<semaphore_mem>>) src(%dma_wait3A_101 : memref<128xi32, #tpu.memory_space<hbm>>) dst(%arg9 : memref<128xi32, #tpu.memory_space<vmem>>)
      %dma_start3A_102 = arith.constant 0 : i32
      %dma_start3A_103 = arith.constant 0 : i32
      %dma_start3A_104 = tpu.memref_slice %arg2[%dma_start3A_102, %dma_start3A_103] : memref<20000x128xf32, #tpu.memory_space<hbm>> -> memref<20000x128xf32, #tpu.memory_space<hbm>>
      tpu.enqueue_indirect_dma source(%dma_start3A_104 : memref<20000x128xf32, #tpu.memory_space<hbm>>) target(%arg11 : memref<128x128xf32, #tpu.memory_space<vmem>>) offsets(%arg7 : memref<128xi32, #tpu.memory_space<vmem>>) semaphore(%arg16 : memref<!tpu.dma_semaphore, #tpu.memory_space<semaphore_mem>>)
      %dma_wait3A_105 = arith.constant 0 : i32
      %dma_wait3A_106 = arith.constant 0 : i32
      %dma_wait3A_107 = tpu.memref_slice %arg2[%dma_wait3A_105, %dma_wait3A_106] : memref<20000x128xf32, #tpu.memory_space<hbm>> -> memref<20000x128xf32, #tpu.memory_space<hbm>>
      tpu.wait_indirect_dma semaphore(%arg15 : memref<!tpu.dma_semaphore, #tpu.memory_space<semaphore_mem>>) src(%dma_wait3A_107 : memref<20000x128xf32, #tpu.memory_space<hbm>>) dst(%arg10 : memref<128x128xf32, #tpu.memory_space<vmem>>)
      "tpu.region"() ({
        %run_scoped3A = tpu.sem_alloc : memref<!tpu.dma_semaphore, #tpu.memory_space<semaphore_mem>>
        %dma_start3A_147 = arith.constant 0 : i32
        %dma_start3A_148 = arith.constant 0 : i32
        %dma_start3A_149 = tpu.memref_slice %arg14[%dma_start3A_147, %dma_start3A_148] : memref<10000x128xf32, #tpu.memory_space<vmem_shared>> -> memref<10000x128xf32, #tpu.memory_space<vmem_shared>>
        tpu.enqueue_indirect_dma source(%arg10 : memref<128x128xf32, #tpu.memory_space<vmem>>) target(%dma_start3A_149 : memref<10000x128xf32, #tpu.memory_space<vmem_shared>>) offsets(%arg8 : memref<128xi32, #tpu.memory_space<vmem>>) semaphore(%run_scoped3A : memref<!tpu.dma_semaphore, #tpu.memory_space<semaphore_mem>>) {add = true}
        %dma_wait3A_150 = arith.constant 0 : i32
        %dma_wait3A_151 = arith.constant 0 : i32
        %dma_wait3A_152 = tpu.memref_slice %arg14[%dma_wait3A_150, %dma_wait3A_151] : memref<10000x128xf32, #tpu.memory_space<vmem_shared>> -> memref<10000x128xf32, #tpu.memory_space<vmem_shared>>
        tpu.wait_indirect_dma semaphore(%run_scoped3A : memref<!tpu.dma_semaphore, #tpu.memory_space<semaphore_mem>>) src(%arg10 : memref<128x128xf32, #tpu.memory_space<vmem>>) dst(%dma_wait3A_152 : memref<10000x128xf32, #tpu.memory_space<vmem_shared>>)
        tpu.yield
      }) : () -> ()
      %add3A_108 = arith.constant 1 : i32
      %add3A_109 = arith.addi %add3A_97, %add3A_108 : i32
      %mul3A_110 = arith.constant 128 : i32
      %mul3A_111 = arith.muli %add3A_109, %mul3A_110 : i32
      %add3A_112 = arith.addi %add3A, %mul3A_111 : i32
      %dma_start3A_113 = tpu.memref_slice %arg3[%add3A_112] : memref<320000xi32, #tpu.memory_space<hbm>> -> memref<128xi32, #tpu.memory_space<hbm>>
      %dma_start3A_114 = tpu.memref_slice %arg3[%add3A_112] : memref<320000xi32, #tpu.memory_space<hbm>> -> memref<128xi32, #tpu.memory_space<hbm>>
      tpu.enqueue_dma source(%dma_start3A_114 : memref<128xi32, #tpu.memory_space<hbm>>) target(%arg6 : memref<128xi32, #tpu.memory_space<vmem>>) target_semaphore(%arg17 : memref<!tpu.dma_semaphore, #tpu.memory_space<semaphore_mem>>)
      %mul3A_115 = arith.constant 128 : i32
      %mul3A_116 = arith.muli %add3A_109, %mul3A_115 : i32
      %add3A_117 = arith.addi %mul3A_4, %mul3A_116 : i32
      %dma_start3A_118 = tpu.memref_slice %arg4[%add3A_117] : memref<160000xi32, #tpu.memory_space<hbm>> -> memref<128xi32, #tpu.memory_space<hbm>>
      %dma_start3A_119 = tpu.memref_slice %arg4[%add3A_117] : memref<160000xi32, #tpu.memory_space<hbm>> -> memref<128xi32, #tpu.memory_space<hbm>>
      tpu.enqueue_dma source(%dma_start3A_119 : memref<128xi32, #tpu.memory_space<hbm>>) target(%arg8 : memref<128xi32, #tpu.memory_space<vmem>>) target_semaphore(%arg17 : memref<!tpu.dma_semaphore, #tpu.memory_space<semaphore_mem>>)
      %mul3A_120 = arith.constant 2 : i32
      %mul3A_121 = arith.muli %scan3A_92, %mul3A_120 : i32
      %add3A_122 = arith.constant 2 : i32
      %add3A_123 = arith.addi %mul3A_121, %add3A_122 : i32
      %dma_wait3A_124 = tpu.memref_slice %arg3[%add3A] : memref<320000xi32, #tpu.memory_space<hbm>> -> memref<128xi32, #tpu.memory_space<hbm>>
      %dma_wait3A_125 = tpu.memref_slice %arg3[%add3A] : memref<320000xi32, #tpu.memory_space<hbm>> -> memref<128xi32, #tpu.memory_space<hbm>>
      tpu.wait_dma2 semaphore(%arg17 : memref<!tpu.dma_semaphore, #tpu.memory_space<semaphore_mem>>) src(%dma_wait3A_125 : memref<128xi32, #tpu.memory_space<hbm>>) dst(%arg6 : memref<128xi32, #tpu.memory_space<vmem>>)
      %dma_wait3A_126 = tpu.memref_slice %arg4[%mul3A_4] : memref<160000xi32, #tpu.memory_space<hbm>> -> memref<128xi32, #tpu.memory_space<hbm>>
      %dma_wait3A_127 = tpu.memref_slice %arg4[%mul3A_4] : memref<160000xi32, #tpu.memory_space<hbm>> -> memref<128xi32, #tpu.memory_space<hbm>>
      tpu.wait_dma2 semaphore(%arg17 : memref<!tpu.dma_semaphore, #tpu.memory_space<semaphore_mem>>) src(%dma_wait3A_127 : memref<128xi32, #tpu.memory_space<hbm>>) dst(%arg8 : memref<128xi32, #tpu.memory_space<vmem>>)
      %dma_start3A_128 = arith.constant 0 : i32
      %dma_start3A_129 = arith.constant 0 : i32
      %dma_start3A_130 = tpu.memref_slice %arg2[%dma_start3A_128, %dma_start3A_129] : memref<20000x128xf32, #tpu.memory_space<hbm>> -> memref<20000x128xf32, #tpu.memory_space<hbm>>
      tpu.enqueue_indirect_dma source(%dma_start3A_130 : memref<20000x128xf32, #tpu.memory_space<hbm>>) target(%arg10 : memref<128x128xf32, #tpu.memory_space<vmem>>) offsets(%arg6 : memref<128xi32, #tpu.memory_space<vmem>>) semaphore(%arg15 : memref<!tpu.dma_semaphore, #tpu.memory_space<semaphore_mem>>)
      %dma_wait3A_131 = arith.constant 0 : i32
      %dma_wait3A_132 = arith.constant 0 : i32
      %dma_wait3A_133 = tpu.memref_slice %arg2[%dma_wait3A_131, %dma_wait3A_132] : memref<20000x128xf32, #tpu.memory_space<hbm>> -> memref<20000x128xf32, #tpu.memory_space<hbm>>
      tpu.wait_indirect_dma semaphore(%arg16 : memref<!tpu.dma_semaphore, #tpu.memory_space<semaphore_mem>>) src(%dma_wait3A_133 : memref<20000x128xf32, #tpu.memory_space<hbm>>) dst(%arg11 : memref<128x128xf32, #tpu.memory_space<vmem>>)
      "tpu.region"() ({
        %run_scoped3A = tpu.sem_alloc : memref<!tpu.dma_semaphore, #tpu.memory_space<semaphore_mem>>
        %dma_start3A_147 = arith.constant 0 : i32
        %dma_start3A_148 = arith.constant 0 : i32
        %dma_start3A_149 = tpu.memref_slice %arg14[%dma_start3A_147, %dma_start3A_148] : memref<10000x128xf32, #tpu.memory_space<vmem_shared>> -> memref<10000x128xf32, #tpu.memory_space<vmem_shared>>
        tpu.enqueue_indirect_dma source(%arg11 : memref<128x128xf32, #tpu.memory_space<vmem>>) target(%dma_start3A_149 : memref<10000x128xf32, #tpu.memory_space<vmem_shared>>) offsets(%arg9 : memref<128xi32, #tpu.memory_space<vmem>>) semaphore(%run_scoped3A : memref<!tpu.dma_semaphore, #tpu.memory_space<semaphore_mem>>) {add = true}
        %dma_wait3A_150 = arith.constant 0 : i32
        %dma_wait3A_151 = arith.constant 0 : i32
        %dma_wait3A_152 = tpu.memref_slice %arg14[%dma_wait3A_150, %dma_wait3A_151] : memref<10000x128xf32, #tpu.memory_space<vmem_shared>> -> memref<10000x128xf32, #tpu.memory_space<vmem_shared>>
        tpu.wait_indirect_dma semaphore(%run_scoped3A : memref<!tpu.dma_semaphore, #tpu.memory_space<semaphore_mem>>) src(%arg11 : memref<128x128xf32, #tpu.memory_space<vmem>>) dst(%dma_wait3A_152 : memref<10000x128xf32, #tpu.memory_space<vmem_shared>>)
        tpu.yield
      }) : () -> ()
      %add3A_134 = arith.constant 1 : i32
      %add3A_135 = arith.addi %add3A_123, %add3A_134 : i32
      %mul3A_136 = arith.constant 128 : i32
      %mul3A_137 = arith.muli %add3A_135, %mul3A_136 : i32
      %add3A_138 = arith.addi %add3A, %mul3A_137 : i32
      %dma_start3A_139 = tpu.memref_slice %arg3[%add3A_138] : memref<320000xi32, #tpu.memory_space<hbm>> -> memref<128xi32, #tpu.memory_space<hbm>>
      %dma_start3A_140 = tpu.memref_slice %arg3[%add3A_138] : memref<320000xi32, #tpu.memory_space<hbm>> -> memref<128xi32, #tpu.memory_space<hbm>>
      tpu.enqueue_dma source(%dma_start3A_140 : memref<128xi32, #tpu.memory_space<hbm>>) target(%arg7 : memref<128xi32, #tpu.memory_space<vmem>>) target_semaphore(%arg18 : memref<!tpu.dma_semaphore, #tpu.memory_space<semaphore_mem>>)
      %mul3A_141 = arith.constant 128 : i32
      %mul3A_142 = arith.muli %add3A_135, %mul3A_141 : i32
      %add3A_143 = arith.addi %mul3A_4, %mul3A_142 : i32
      %dma_start3A_144 = tpu.memref_slice %arg4[%add3A_143] : memref<160000xi32, #tpu.memory_space<hbm>> -> memref<128xi32, #tpu.memory_space<hbm>>
      %dma_start3A_145 = tpu.memref_slice %arg4[%add3A_143] : memref<160000xi32, #tpu.memory_space<hbm>> -> memref<128xi32, #tpu.memory_space<hbm>>
      tpu.enqueue_dma source(%dma_start3A_145 : memref<128xi32, #tpu.memory_space<hbm>>) target(%arg9 : memref<128xi32, #tpu.memory_space<vmem>>) target_semaphore(%arg18 : memref<!tpu.dma_semaphore, #tpu.memory_space<semaphore_mem>>)
      %scan3A_146 = arith.constant 0 : i32
      scf.yield %scan3A_146 : i32
    }
    %scan3A_49 = arith.constant 38 : i32
    %dma_wait3A_50 = tpu.memref_slice %arg3[%add3A] : memref<320000xi32, #tpu.memory_space<hbm>> -> memref<128xi32, #tpu.memory_space<hbm>>
    %dma_wait3A_51 = tpu.memref_slice %arg3[%add3A] : memref<320000xi32, #tpu.memory_space<hbm>> -> memref<128xi32, #tpu.memory_space<hbm>>
    tpu.wait_dma2 semaphore(%arg18 : memref<!tpu.dma_semaphore, #tpu.memory_space<semaphore_mem>>) src(%dma_wait3A_51 : memref<128xi32, #tpu.memory_space<hbm>>) dst(%arg7 : memref<128xi32, #tpu.memory_space<vmem>>)
    %dma_wait3A_52 = tpu.memref_slice %arg4[%mul3A_4] : memref<160000xi32, #tpu.memory_space<hbm>> -> memref<128xi32, #tpu.memory_space<hbm>>
    %dma_wait3A_53 = tpu.memref_slice %arg4[%mul3A_4] : memref<160000xi32, #tpu.memory_space<hbm>> -> memref<128xi32, #tpu.memory_space<hbm>>
    tpu.wait_dma2 semaphore(%arg18 : memref<!tpu.dma_semaphore, #tpu.memory_space<semaphore_mem>>) src(%dma_wait3A_53 : memref<128xi32, #tpu.memory_space<hbm>>) dst(%arg9 : memref<128xi32, #tpu.memory_space<vmem>>)
    %dma_start3A_54 = arith.constant 0 : i32
    %dma_start3A_55 = arith.constant 0 : i32
    %dma_start3A_56 = tpu.memref_slice %arg2[%dma_start3A_54, %dma_start3A_55] : memref<20000x128xf32, #tpu.memory_space<hbm>> -> memref<20000x128xf32, #tpu.memory_space<hbm>>
    tpu.enqueue_indirect_dma source(%dma_start3A_56 : memref<20000x128xf32, #tpu.memory_space<hbm>>) target(%arg11 : memref<128x128xf32, #tpu.memory_space<vmem>>) offsets(%arg7 : memref<128xi32, #tpu.memory_space<vmem>>) semaphore(%arg16 : memref<!tpu.dma_semaphore, #tpu.memory_space<semaphore_mem>>)
    %dma_wait3A_57 = arith.constant 0 : i32
    %dma_wait3A_58 = arith.constant 0 : i32
    %dma_wait3A_59 = tpu.memref_slice %arg2[%dma_wait3A_57, %dma_wait3A_58] : memref<20000x128xf32, #tpu.memory_space<hbm>> -> memref<20000x128xf32, #tpu.memory_space<hbm>>
    tpu.wait_indirect_dma semaphore(%arg15 : memref<!tpu.dma_semaphore, #tpu.memory_space<semaphore_mem>>) src(%dma_wait3A_59 : memref<20000x128xf32, #tpu.memory_space<hbm>>) dst(%arg10 : memref<128x128xf32, #tpu.memory_space<vmem>>)
    "tpu.region"() ({
      %run_scoped3A = tpu.sem_alloc : memref<!tpu.dma_semaphore, #tpu.memory_space<semaphore_mem>>
      %dma_start3A_92 = arith.constant 0 : i32
      %dma_start3A_93 = arith.constant 0 : i32
      %dma_start3A_94 = tpu.memref_slice %arg14[%dma_start3A_92, %dma_start3A_93] : memref<10000x128xf32, #tpu.memory_space<vmem_shared>> -> memref<10000x128xf32, #tpu.memory_space<vmem_shared>>
      tpu.enqueue_indirect_dma source(%arg10 : memref<128x128xf32, #tpu.memory_space<vmem>>) target(%dma_start3A_94 : memref<10000x128xf32, #tpu.memory_space<vmem_shared>>) offsets(%arg8 : memref<128xi32, #tpu.memory_space<vmem>>) semaphore(%run_scoped3A : memref<!tpu.dma_semaphore, #tpu.memory_space<semaphore_mem>>) {add = true}
      %dma_wait3A_95 = arith.constant 0 : i32
      %dma_wait3A_96 = arith.constant 0 : i32
      %dma_wait3A_97 = tpu.memref_slice %arg14[%dma_wait3A_95, %dma_wait3A_96] : memref<10000x128xf32, #tpu.memory_space<vmem_shared>> -> memref<10000x128xf32, #tpu.memory_space<vmem_shared>>
      tpu.wait_indirect_dma semaphore(%run_scoped3A : memref<!tpu.dma_semaphore, #tpu.memory_space<semaphore_mem>>) src(%arg10 : memref<128x128xf32, #tpu.memory_space<vmem>>) dst(%dma_wait3A_97 : memref<10000x128xf32, #tpu.memory_space<vmem_shared>>)
      tpu.yield
    }) : () -> ()
    %dma_wait3A_60 = arith.constant 0 : i32
    %dma_wait3A_61 = arith.constant 0 : i32
    %dma_wait3A_62 = tpu.memref_slice %arg2[%dma_wait3A_60, %dma_wait3A_61] : memref<20000x128xf32, #tpu.memory_space<hbm>> -> memref<20000x128xf32, #tpu.memory_space<hbm>>
    tpu.wait_indirect_dma semaphore(%arg16 : memref<!tpu.dma_semaphore, #tpu.memory_space<semaphore_mem>>) src(%dma_wait3A_62 : memref<20000x128xf32, #tpu.memory_space<hbm>>) dst(%arg11 : memref<128x128xf32, #tpu.memory_space<vmem>>)
    "tpu.region"() ({
      %run_scoped3A = tpu.sem_alloc : memref<!tpu.dma_semaphore, #tpu.memory_space<semaphore_mem>>
      %dma_start3A_92 = arith.constant 0 : i32
      %dma_start3A_93 = arith.constant 0 : i32
      %dma_start3A_94 = tpu.memref_slice %arg14[%dma_start3A_92, %dma_start3A_93] : memref<10000x128xf32, #tpu.memory_space<vmem_shared>> -> memref<10000x128xf32, #tpu.memory_space<vmem_shared>>
      tpu.enqueue_indirect_dma source(%arg11 : memref<128x128xf32, #tpu.memory_space<vmem>>) target(%dma_start3A_94 : memref<10000x128xf32, #tpu.memory_space<vmem_shared>>) offsets(%arg9 : memref<128xi32, #tpu.memory_space<vmem>>) semaphore(%run_scoped3A : memref<!tpu.dma_semaphore, #tpu.memory_space<semaphore_mem>>) {add = true}
      %dma_wait3A_95 = arith.constant 0 : i32
      %dma_wait3A_96 = arith.constant 0 : i32
      %dma_wait3A_97 = tpu.memref_slice %arg14[%dma_wait3A_95, %dma_wait3A_96] : memref<10000x128xf32, #tpu.memory_space<vmem_shared>> -> memref<10000x128xf32, #tpu.memory_space<vmem_shared>>
      tpu.wait_indirect_dma semaphore(%run_scoped3A : memref<!tpu.dma_semaphore, #tpu.memory_space<semaphore_mem>>) src(%arg11 : memref<128x128xf32, #tpu.memory_space<vmem>>) dst(%dma_wait3A_97 : memref<10000x128xf32, #tpu.memory_space<vmem_shared>>)
      tpu.yield
    }) : () -> ()
    %add3A_63 = arith.constant 9984 : i32
    %add3A_64 = arith.addi %add3A, %add3A_63 : i32
    %dma_start3A_65 = tpu.memref_slice %arg3[%add3A_64] : memref<320000xi32, #tpu.memory_space<hbm>> -> memref<16xi32, #tpu.memory_space<hbm>>
    %dma_start3A_66 = tpu.memref_slice %arg3[%add3A_64] : memref<320000xi32, #tpu.memory_space<hbm>> -> memref<16xi32, #tpu.memory_space<hbm>>
    tpu.enqueue_dma source(%dma_start3A_66 : memref<16xi32, #tpu.memory_space<hbm>>) target(%arg12 : memref<16xi32, #tpu.memory_space<vmem>>) target_semaphore(%arg17 : memref<!tpu.dma_semaphore, #tpu.memory_space<semaphore_mem>>)
    %add3A_67 = arith.constant 9984 : i32
    %add3A_68 = arith.addi %add3A, %add3A_67 : i32
    %dma_wait3A_69 = tpu.memref_slice %arg3[%add3A_68] : memref<320000xi32, #tpu.memory_space<hbm>> -> memref<16xi32, #tpu.memory_space<hbm>>
    %dma_wait3A_70 = tpu.memref_slice %arg3[%add3A_68] : memref<320000xi32, #tpu.memory_space<hbm>> -> memref<16xi32, #tpu.memory_space<hbm>>
    tpu.wait_dma2 semaphore(%arg17 : memref<!tpu.dma_semaphore, #tpu.memory_space<semaphore_mem>>) src(%dma_wait3A_70 : memref<16xi32, #tpu.memory_space<hbm>>) dst(%arg12 : memref<16xi32, #tpu.memory_space<vmem>>)
    %dma_start3A_71 = arith.constant 0 : i32
    %dma_start3A_72 = arith.constant 0 : i32
    %dma_start3A_73 = tpu.memref_slice %arg10[%dma_start3A_71, %dma_start3A_72] : memref<128x128xf32, #tpu.memory_space<vmem>> -> memref<16x128xf32, #tpu.memory_space<vmem>>
    %dma_start3A_74 = arith.constant 0 : i32
    %dma_start3A_75 = arith.constant 0 : i32
    %dma_start3A_76 = tpu.memref_slice %arg2[%dma_start3A_74, %dma_start3A_75] : memref<20000x128xf32, #tpu.memory_space<hbm>> -> memref<20000x128xf32, #tpu.memory_space<hbm>>
    tpu.enqueue_indirect_dma source(%dma_start3A_76 : memref<20000x128xf32, #tpu.memory_space<hbm>>) target(%dma_start3A_73 : memref<16x128xf32, #tpu.memory_space<vmem>>) offsets(%arg12 : memref<16xi32, #tpu.memory_space<vmem>>) semaphore(%arg15 : memref<!tpu.dma_semaphore, #tpu.memory_space<semaphore_mem>>)
    %dma_wait3A_77 = arith.constant 0 : i32
    %dma_wait3A_78 = arith.constant 0 : i32
    %dma_wait3A_79 = tpu.memref_slice %arg10[%dma_wait3A_77, %dma_wait3A_78] : memref<128x128xf32, #tpu.memory_space<vmem>> -> memref<16x128xf32, #tpu.memory_space<vmem>>
    %dma_wait3A_80 = arith.constant 0 : i32
    %dma_wait3A_81 = arith.constant 0 : i32
    %dma_wait3A_82 = tpu.memref_slice %arg2[%dma_wait3A_80, %dma_wait3A_81] : memref<20000x128xf32, #tpu.memory_space<hbm>> -> memref<20000x128xf32, #tpu.memory_space<hbm>>
    tpu.wait_indirect_dma semaphore(%arg15 : memref<!tpu.dma_semaphore, #tpu.memory_space<semaphore_mem>>) src(%dma_wait3A_82 : memref<20000x128xf32, #tpu.memory_space<hbm>>) dst(%dma_wait3A_79 : memref<16x128xf32, #tpu.memory_space<vmem>>)
    %add3A_83 = arith.constant 9984 : i32
    %add3A_84 = arith.addi %mul3A_4, %add3A_83 : i32
    "tpu.region"() ({
      %run_scoped3A = tpu.sem_alloc : memref<!tpu.dma_semaphore, #tpu.memory_space<semaphore_mem>>
      %dma_start3A_92 = tpu.memref_slice %arg4[%add3A_84] : memref<160000xi32, #tpu.memory_space<hbm>> -> memref<16xi32, #tpu.memory_space<hbm>>
      %dma_start3A_93 = tpu.memref_slice %arg4[%add3A_84] : memref<160000xi32, #tpu.memory_space<hbm>> -> memref<16xi32, #tpu.memory_space<hbm>>
      tpu.enqueue_dma source(%dma_start3A_93 : memref<16xi32, #tpu.memory_space<hbm>>) target(%arg12 : memref<16xi32, #tpu.memory_space<vmem>>) target_semaphore(%run_scoped3A : memref<!tpu.dma_semaphore, #tpu.memory_space<semaphore_mem>>)
      %dma_wait3A_94 = tpu.memref_slice %arg4[%add3A_84] : memref<160000xi32, #tpu.memory_space<hbm>> -> memref<16xi32, #tpu.memory_space<hbm>>
      %dma_wait3A_95 = tpu.memref_slice %arg4[%add3A_84] : memref<160000xi32, #tpu.memory_space<hbm>> -> memref<16xi32, #tpu.memory_space<hbm>>
      tpu.wait_dma2 semaphore(%run_scoped3A : memref<!tpu.dma_semaphore, #tpu.memory_space<semaphore_mem>>) src(%dma_wait3A_95 : memref<16xi32, #tpu.memory_space<hbm>>) dst(%arg12 : memref<16xi32, #tpu.memory_space<vmem>>)
      tpu.yield
    }) : () -> ()
    "tpu.region"() ({
      %run_scoped3A = tpu.sem_alloc : memref<!tpu.dma_semaphore, #tpu.memory_space<semaphore_mem>>
      %dma_start3A_92 = arith.constant 0 : i32
      %dma_start3A_93 = arith.constant 0 : i32
      %dma_start3A_94 = tpu.memref_slice %arg10[%dma_start3A_92, %dma_start3A_93] : memref<128x128xf32, #tpu.memory_space<vmem>> -> memref<16x128xf32, #tpu.memory_space<vmem>>
      %dma_start3A_95 = arith.constant 0 : i32
      %dma_start3A_96 = arith.constant 0 : i32
      %dma_start3A_97 = tpu.memref_slice %arg14[%dma_start3A_95, %dma_start3A_96] : memref<10000x128xf32, #tpu.memory_space<vmem_shared>> -> memref<10000x128xf32, #tpu.memory_space<vmem_shared>>
      tpu.enqueue_indirect_dma source(%dma_start3A_94 : memref<16x128xf32, #tpu.memory_space<vmem>>) target(%dma_start3A_97 : memref<10000x128xf32, #tpu.memory_space<vmem_shared>>) offsets(%arg12 : memref<16xi32, #tpu.memory_space<vmem>>) semaphore(%run_scoped3A : memref<!tpu.dma_semaphore, #tpu.memory_space<semaphore_mem>>) {add = true}
      %dma_wait3A_98 = arith.constant 0 : i32
      %dma_wait3A_99 = arith.constant 0 : i32
      %dma_wait3A_100 = tpu.memref_slice %arg10[%dma_wait3A_98, %dma_wait3A_99] : memref<128x128xf32, #tpu.memory_space<vmem>> -> memref<16x128xf32, #tpu.memory_space<vmem>>
      %dma_wait3A_101 = arith.constant 0 : i32
      %dma_wait3A_102 = arith.constant 0 : i32
      %dma_wait3A_103 = tpu.memref_slice %arg14[%dma_wait3A_101, %dma_wait3A_102] : memref<10000x128xf32, #tpu.memory_space<vmem_shared>> -> memref<10000x128xf32, #tpu.memory_space<vmem_shared>>
      tpu.wait_indirect_dma semaphore(%run_scoped3A : memref<!tpu.dma_semaphore, #tpu.memory_space<semaphore_mem>>) src(%dma_wait3A_100 : memref<16x128xf32, #tpu.memory_space<vmem>>) dst(%dma_wait3A_103 : memref<10000x128xf32, #tpu.memory_space<vmem_shared>>)
      tpu.yield
    }) : () -> ()
    %barrier3A_85 = arith.constant 0 : index
    tpu.barrier barrier_id(%barrier3A_85)
    %mul3A_86 = arith.constant 10000 : i32
    %mul3A_87 = arith.muli %arg0, %mul3A_86 : i32
    %add3A_88 = arith.addi %mul3A_87, %mul3A_19 : i32
    "tpu.region"() ({
      %run_scoped3A = tpu.sem_alloc : memref<!tpu.dma_semaphore, #tpu.memory_space<semaphore_mem>>
      %dma_start3A_92 = arith.constant 0 : i32
      %dma_start3A_93 = tpu.memref_slice %arg5[%add3A_88, %dma_start3A_92] : memref<20000x128xf32, #tpu.memory_space<hbm>> -> memref<624x128xf32, #tpu.memory_space<hbm>>
      %dma_start3A_94 = arith.constant 0 : i32
      %dma_start3A_95 = tpu.memref_slice %arg14[%mul3A_19, %dma_start3A_94] : memref<10000x128xf32, #tpu.memory_space<vmem_shared>> -> memref<624x128xf32, #tpu.memory_space<vmem_shared>>
      tpu.enqueue_dma source(%dma_start3A_95 : memref<624x128xf32, #tpu.memory_space<vmem_shared>>) target(%dma_start3A_93 : memref<624x128xf32, #tpu.memory_space<hbm>>) target_semaphore(%run_scoped3A : memref<!tpu.dma_semaphore, #tpu.memory_space<semaphore_mem>>)
      %dma_wait3A_96 = arith.constant 0 : i32
      %dma_wait3A_97 = tpu.memref_slice %arg5[%add3A_88, %dma_wait3A_96] : memref<20000x128xf32, #tpu.memory_space<hbm>> -> memref<624x128xf32, #tpu.memory_space<hbm>>
      %dma_wait3A_98 = arith.constant 0 : i32
      %dma_wait3A_99 = tpu.memref_slice %arg14[%mul3A_19, %dma_wait3A_98] : memref<10000x128xf32, #tpu.memory_space<vmem_shared>> -> memref<624x128xf32, #tpu.memory_space<vmem_shared>>
      tpu.wait_dma2 semaphore(%run_scoped3A : memref<!tpu.dma_semaphore, #tpu.memory_space<semaphore_mem>>) src(%dma_wait3A_99 : memref<624x128xf32, #tpu.memory_space<vmem_shared>>) dst(%dma_wait3A_97 : memref<624x128xf32, #tpu.memory_space<hbm>>)
      tpu.yield
    }) : () -> ()
    %convert_element_type3A_89 = arith.extui %eq3A_20 : i1 to i32
    %cond3A_90 = arith.constant 0 : i32
    %cond3A_91 = arith.cmpi ne, %convert_element_type3A_89, %cond3A_90 : i32
    scf.if %cond3A_91 {
      %mul3A_92 = arith.constant 10000 : i32
      %mul3A_93 = arith.muli %arg0, %mul3A_92 : i32
      %add3A_94 = arith.constant 9984 : i32
      %add3A_95 = arith.addi %mul3A_93, %add3A_94 : i32
      "tpu.region"() ({
        %run_scoped3A = tpu.sem_alloc : memref<!tpu.dma_semaphore, #tpu.memory_space<semaphore_mem>>
        %dma_start3A_96 = arith.constant 0 : i32
        %dma_start3A_97 = tpu.memref_slice %arg5[%add3A_95, %dma_start3A_96] : memref<20000x128xf32, #tpu.memory_space<hbm>> -> memref<16x128xf32, #tpu.memory_space<hbm>>
        %dma_start3A_98 = arith.constant 9984 : i32
        %dma_start3A_99 = arith.constant 0 : i32
        %dma_start3A_100 = tpu.memref_slice %arg14[%dma_start3A_98, %dma_start3A_99] : memref<10000x128xf32, #tpu.memory_space<vmem_shared>> -> memref<16x128xf32, #tpu.memory_space<vmem_shared>>
        tpu.enqueue_dma source(%dma_start3A_100 : memref<16x128xf32, #tpu.memory_space<vmem_shared>>) target(%dma_start3A_97 : memref<16x128xf32, #tpu.memory_space<hbm>>) target_semaphore(%run_scoped3A : memref<!tpu.dma_semaphore, #tpu.memory_space<semaphore_mem>>)
        %dma_wait3A_101 = arith.constant 0 : i32
        %dma_wait3A_102 = tpu.memref_slice %arg5[%add3A_95, %dma_wait3A_101] : memref<20000x128xf32, #tpu.memory_space<hbm>> -> memref<16x128xf32, #tpu.memory_space<hbm>>
        %dma_wait3A_103 = arith.constant 9984 : i32
        %dma_wait3A_104 = arith.constant 0 : i32
        %dma_wait3A_105 = tpu.memref_slice %arg14[%dma_wait3A_103, %dma_wait3A_104] : memref<10000x128xf32, #tpu.memory_space<vmem_shared>> -> memref<16x128xf32, #tpu.memory_space<vmem_shared>>
        tpu.wait_dma2 semaphore(%run_scoped3A : memref<!tpu.dma_semaphore, #tpu.memory_space<semaphore_mem>>) src(%dma_wait3A_105 : memref<16x128xf32, #tpu.memory_space<vmem_shared>>) dst(%dma_wait3A_102 : memref<16x128xf32, #tpu.memory_space<hbm>>)
        tpu.yield
      }) : () -> ()
    } else {
    }
    return
  }
}

#map = affine_map<(d0, d1) -> (0, 0)>
#map1 = affine_map<(d0, d1) -> (0)>
module attributes {stable_mosaic.version = 14 : i64} {
  func.func @_sc_agg_body(%arg0: i32, %arg1: i32, %arg2: memref<20000x128xf32, #tpu.memory_space<hbm>>, %arg3: memref<320000xi32, #tpu.memory_space<hbm>>, %arg4: memref<160000xi32, #tpu.memory_space<hbm>>, %arg5: memref<20000x128xf32, #tpu.memory_space<hbm>>, %arg6: memref<128xi32, #tpu.memory_space<vmem>>, %arg7: memref<128xi32, #tpu.memory_space<vmem>>, %arg8: memref<128xi32, #tpu.memory_space<vmem>>, %arg9: memref<128xi32, #tpu.memory_space<vmem>>, %arg10: memref<128x128xf32, #tpu.memory_space<vmem>>, %arg11: memref<128x128xf32, #tpu.memory_space<vmem>>, %arg12: memref<16xi32, #tpu.memory_space<vmem>>, %arg13: memref<8x128xf32, #tpu.memory_space<vmem>>, %arg14: memref<10000x128xf32, #tpu.memory_space<vmem_shared>>, %arg15: memref<!tpu.dma_semaphore, #tpu.memory_space<semaphore_mem>>, %arg16: memref<!tpu.dma_semaphore, #tpu.memory_space<semaphore_mem>>, %arg17: memref<!tpu.dma_semaphore, #tpu.memory_space<semaphore_mem>>, %arg18: memref<!tpu.dma_semaphore, #tpu.memory_space<semaphore_mem>>) attributes {dimension_semantics = [#tpu.dimension_semantics<core_parallel>, #tpu.dimension_semantics<subcore_parallel>], iteration_bounds = array<i64: 2, 16>, scalar_prefetch = 0 : i64, scratch_operands = 13 : i64, tpu.core_type = #tpu.core_type<sc_vector_subcore>, window_params = [{transform_indices = #map}, {transform_indices = #map1}, {transform_indices = #map1}, {transform_indices = #map}]} {
    %mul3A = arith.constant 160000 : i32
    %mul3A_0 = arith.muli %arg0, %mul3A : i32
    %mul3A_1 = arith.constant 10000 : i32
    %mul3A_2 = arith.muli %arg1, %mul3A_1 : i32
    %add3A = arith.addi %mul3A_0, %mul3A_2 : i32
    %mul3A_3 = arith.constant 10000 : i32
    %mul3A_4 = arith.muli %arg1, %mul3A_3 : i32
    %add3A_5 = arith.constant 0 : i32
    %add3A_6 = arith.addi %add3A, %add3A_5 : i32
    %dma_start3A = tpu.memref_slice %arg3[%add3A_6] : memref<320000xi32, #tpu.memory_space<hbm>> -> memref<128xi32, #tpu.memory_space<hbm>>
    %dma_start3A_7 = tpu.memref_slice %arg3[%add3A_6] : memref<320000xi32, #tpu.memory_space<hbm>> -> memref<128xi32, #tpu.memory_space<hbm>>
    tpu.enqueue_dma source(%dma_start3A_7 : memref<128xi32, #tpu.memory_space<hbm>>) target(%arg6 : memref<128xi32, #tpu.memory_space<vmem>>) target_semaphore(%arg17 : memref<!tpu.dma_semaphore, #tpu.memory_space<semaphore_mem>>)
    %add3A_8 = arith.constant 0 : i32
    %add3A_9 = arith.addi %mul3A_4, %add3A_8 : i32
    %dma_start3A_10 = tpu.memref_slice %arg4[%add3A_9] : memref<160000xi32, #tpu.memory_space<hbm>> -> memref<128xi32, #tpu.memory_space<hbm>>
    %dma_start3A_11 = tpu.memref_slice %arg4[%add3A_9] : memref<160000xi32, #tpu.memory_space<hbm>> -> memref<128xi32, #tpu.memory_space<hbm>>
    tpu.enqueue_dma source(%dma_start3A_11 : memref<128xi32, #tpu.memory_space<hbm>>) target(%arg8 : memref<128xi32, #tpu.memory_space<vmem>>) target_semaphore(%arg17 : memref<!tpu.dma_semaphore, #tpu.memory_space<semaphore_mem>>)
    %scan3A = arith.constant 0 : i32
    %scan3A_12 = arith.constant 0 : i32
    %scan3A_13 = arith.constant 8 : i32
    %scan3A_14 = arith.addi %scan3A_12, %scan3A_13 : i32
    %scan3A_15 = arith.constant 1 : i32
    %scan3A_16 = scf.for %scan3A_92 = %scan3A_12 to %scan3A_14 step %scan3A_15 iter_args(%scan3A_93 = %scan3A) -> (i32)  : i32 {
      %broadcast_in_dim3A = arith.constant 0.000000e+00 : f32
      %broadcast_in_dim3A_94 = vector.broadcast %broadcast_in_dim3A : f32 to vector<16xf32>
      %swap3A = arith.index_cast %scan3A_92 : i32 to index
      %swap3A_95 = arith.constant 0 : index
      %swap3A_96 = tpu.vector_load %arg13[%swap3A, %swap3A_95] {strides = array<i32>} : memref<8x128xf32, #tpu.memory_space<vmem>>, vector<1x16xf32>,
      %swap3A_97 = vector.shape_cast %swap3A_96 : vector<1x16xf32> to vector<16xf32>
      %swap3A_98 = vector.shape_cast %broadcast_in_dim3A_94 : vector<16xf32> to vector<1x16xf32>
      tpu.vector_store %arg13[%swap3A, %swap3A_95], %swap3A_98 {strides = array<i32>} : memref<8x128xf32, #tpu.memory_space<vmem>>, vector<1x16xf32>,
      %broadcast_in_dim3A_99 = arith.constant 0.000000e+00 : f32
      %broadcast_in_dim3A_100 = vector.broadcast %broadcast_in_dim3A_99 : f32 to vector<16xf32>
      %swap3A_101 = arith.index_cast %scan3A_92 : i32 to index
      %swap3A_102 = arith.constant 16 : index
      %swap3A_103 = tpu.vector_load %arg13[%swap3A_101, %swap3A_102] {strides = array<i32>} : memref<8x128xf32, #tpu.memory_space<vmem>>, vector<1x16xf32>,
      %swap3A_104 = vector.shape_cast %swap3A_103 : vector<1x16xf32> to vector<16xf32>
      %swap3A_105 = vector.shape_cast %broadcast_in_dim3A_100 : vector<16xf32> to vector<1x16xf32>
      tpu.vector_store %arg13[%swap3A_101, %swap3A_102], %swap3A_105 {strides = array<i32>} : memref<8x128xf32, #tpu.memory_space<vmem>>, vector<1x16xf32>,
      %broadcast_in_dim3A_106 = arith.constant 0.000000e+00 : f32
      %broadcast_in_dim3A_107 = vector.broadcast %broadcast_in_dim3A_106 : f32 to vector<16xf32>
      %swap3A_108 = arith.index_cast %scan3A_92 : i32 to index
      %swap3A_109 = arith.constant 32 : index
      %swap3A_110 = tpu.vector_load %arg13[%swap3A_108, %swap3A_109] {strides = array<i32>} : memref<8x128xf32, #tpu.memory_space<vmem>>, vector<1x16xf32>,
      %swap3A_111 = vector.shape_cast %swap3A_110 : vector<1x16xf32> to vector<16xf32>
      %swap3A_112 = vector.shape_cast %broadcast_in_dim3A_107 : vector<16xf32> to vector<1x16xf32>
      tpu.vector_store %arg13[%swap3A_108, %swap3A_109], %swap3A_112 {strides = array<i32>} : memref<8x128xf32, #tpu.memory_space<vmem>>, vector<1x16xf32>,
      %broadcast_in_dim3A_113 = arith.constant 0.000000e+00 : f32
      %broadcast_in_dim3A_114 = vector.broadcast %broadcast_in_dim3A_113 : f32 to vector<16xf32>
      %swap3A_115 = arith.index_cast %scan3A_92 : i32 to index
      %swap3A_116 = arith.constant 48 : index
      %swap3A_117 = tpu.vector_load %arg13[%swap3A_115, %swap3A_116] {strides = array<i32>} : memref<8x128xf32, #tpu.memory_space<vmem>>, vector<1x16xf32>,
      %swap3A_118 = vector.shape_cast %swap3A_117 : vector<1x16xf32> to vector<16xf32>
      %swap3A_119 = vector.shape_cast %broadcast_in_dim3A_114 : vector<16xf32> to vector<1x16xf32>
      tpu.vector_store %arg13[%swap3A_115, %swap3A_116], %swap3A_119 {strides = array<i32>} : memref<8x128xf32, #tpu.memory_space<vmem>>, vector<1x16xf32>,
      %broadcast_in_dim3A_120 = arith.constant 0.000000e+00 : f32
      %broadcast_in_dim3A_121 = vector.broadcast %broadcast_in_dim3A_120 : f32 to vector<16xf32>
      %swap3A_122 = arith.index_cast %scan3A_92 : i32 to index
      %swap3A_123 = arith.constant 64 : index
      %swap3A_124 = tpu.vector_load %arg13[%swap3A_122, %swap3A_123] {strides = array<i32>} : memref<8x128xf32, #tpu.memory_space<vmem>>, vector<1x16xf32>,
      %swap3A_125 = vector.shape_cast %swap3A_124 : vector<1x16xf32> to vector<16xf32>
      %swap3A_126 = vector.shape_cast %broadcast_in_dim3A_121 : vector<16xf32> to vector<1x16xf32>
      tpu.vector_store %arg13[%swap3A_122, %swap3A_123], %swap3A_126 {strides = array<i32>} : memref<8x128xf32, #tpu.memory_space<vmem>>, vector<1x16xf32>,
      %broadcast_in_dim3A_127 = arith.constant 0.000000e+00 : f32
      %broadcast_in_dim3A_128 = vector.broadcast %broadcast_in_dim3A_127 : f32 to vector<16xf32>
      %swap3A_129 = arith.index_cast %scan3A_92 : i32 to index
      %swap3A_130 = arith.constant 80 : index
      %swap3A_131 = tpu.vector_load %arg13[%swap3A_129, %swap3A_130] {strides = array<i32>} : memref<8x128xf32, #tpu.memory_space<vmem>>, vector<1x16xf32>,
      %swap3A_132 = vector.shape_cast %swap3A_131 : vector<1x16xf32> to vector<16xf32>
      %swap3A_133 = vector.shape_cast %broadcast_in_dim3A_128 : vector<16xf32> to vector<1x16xf32>
      tpu.vector_store %arg13[%swap3A_129, %swap3A_130], %swap3A_133 {strides = array<i32>} : memref<8x128xf32, #tpu.memory_space<vmem>>, vector<1x16xf32>,
      %broadcast_in_dim3A_134 = arith.constant 0.000000e+00 : f32
      %broadcast_in_dim3A_135 = vector.broadcast %broadcast_in_dim3A_134 : f32 to vector<16xf32>
      %swap3A_136 = arith.index_cast %scan3A_92 : i32 to index
      %swap3A_137 = arith.constant 96 : index
      %swap3A_138 = tpu.vector_load %arg13[%swap3A_136, %swap3A_137] {strides = array<i32>} : memref<8x128xf32, #tpu.memory_space<vmem>>, vector<1x16xf32>,
      %swap3A_139 = vector.shape_cast %swap3A_138 : vector<1x16xf32> to vector<16xf32>
      %swap3A_140 = vector.shape_cast %broadcast_in_dim3A_135 : vector<16xf32> to vector<1x16xf32>
      tpu.vector_store %arg13[%swap3A_136, %swap3A_137], %swap3A_140 {strides = array<i32>} : memref<8x128xf32, #tpu.memory_space<vmem>>, vector<1x16xf32>,
      %broadcast_in_dim3A_141 = arith.constant 0.000000e+00 : f32
      %broadcast_in_dim3A_142 = vector.broadcast %broadcast_in_dim3A_141 : f32 to vector<16xf32>
      %swap3A_143 = arith.index_cast %scan3A_92 : i32 to index
      %swap3A_144 = arith.constant 112 : index
      %swap3A_145 = tpu.vector_load %arg13[%swap3A_143, %swap3A_144] {strides = array<i32>} : memref<8x128xf32, #tpu.memory_space<vmem>>, vector<1x16xf32>,
      %swap3A_146 = vector.shape_cast %swap3A_145 : vector<1x16xf32> to vector<16xf32>
      %swap3A_147 = vector.shape_cast %broadcast_in_dim3A_142 : vector<16xf32> to vector<1x16xf32>
      tpu.vector_store %arg13[%swap3A_143, %swap3A_144], %swap3A_147 {strides = array<i32>} : memref<8x128xf32, #tpu.memory_space<vmem>>, vector<1x16xf32>,
      %scan3A_148 = arith.constant 0 : i32
      scf.yield %scan3A_148 : i32
    }
    %scan3A_17 = arith.constant 8 : i32
    %mul3A_18 = arith.constant 624 : i32
    %mul3A_19 = arith.muli %arg1, %mul3A_18 : i32
    %eq3A = arith.constant 15 : i32
    %eq3A_20 = arith.cmpi eq, %arg1, %eq3A : i32
    %scan3A_21 = arith.constant 0 : i32
    %scan3A_22 = arith.constant 0 : i32
    %scan3A_23 = arith.constant 78 : i32
    %scan3A_24 = arith.addi %scan3A_22, %scan3A_23 : i32
    %scan3A_25 = arith.constant 1 : i32
    %scan3A_26 = scf.for %scan3A_92 = %scan3A_22 to %scan3A_24 step %scan3A_25 iter_args(%scan3A_93 = %scan3A_21) -> (i32)  : i32 {
      %mul3A_94 = arith.constant 8 : i32
      %mul3A_95 = arith.muli %scan3A_92, %mul3A_94 : i32
      %add3A_96 = arith.addi %mul3A_19, %mul3A_95 : i32
      "tpu.region"() ({
        %run_scoped3A = tpu.sem_alloc : memref<!tpu.dma_semaphore, #tpu.memory_space<semaphore_mem>>
        %dma_start3A_98 = arith.constant 0 : i32
        %dma_start3A_99 = tpu.memref_slice %arg14[%add3A_96, %dma_start3A_98] : memref<10000x128xf32, #tpu.memory_space<vmem_shared>> -> memref<8x128xf32, #tpu.memory_space<vmem_shared>>
        %dma_start3A_100 = arith.constant 0 : i32
        %dma_start3A_101 = tpu.memref_slice %arg14[%add3A_96, %dma_start3A_100] : memref<10000x128xf32, #tpu.memory_space<vmem_shared>> -> memref<8x128xf32, #tpu.memory_space<vmem_shared>>
        tpu.enqueue_dma source(%arg13 : memref<8x128xf32, #tpu.memory_space<vmem>>) target(%dma_start3A_101 : memref<8x128xf32, #tpu.memory_space<vmem_shared>>) target_semaphore(%run_scoped3A : memref<!tpu.dma_semaphore, #tpu.memory_space<semaphore_mem>>)
        %dma_wait3A_102 = arith.constant 0 : i32
        %dma_wait3A_103 = tpu.memref_slice %arg14[%add3A_96, %dma_wait3A_102] : memref<10000x128xf32, #tpu.memory_space<vmem_shared>> -> memref<8x128xf32, #tpu.memory_space<vmem_shared>>
        %dma_wait3A_104 = arith.constant 0 : i32
        %dma_wait3A_105 = tpu.memref_slice %arg14[%add3A_96, %dma_wait3A_104] : memref<10000x128xf32, #tpu.memory_space<vmem_shared>> -> memref<8x128xf32, #tpu.memory_space<vmem_shared>>
        tpu.wait_dma2 semaphore(%run_scoped3A : memref<!tpu.dma_semaphore, #tpu.memory_space<semaphore_mem>>) src(%arg13 : memref<8x128xf32, #tpu.memory_space<vmem>>) dst(%dma_wait3A_105 : memref<8x128xf32, #tpu.memory_space<vmem_shared>>)
        tpu.yield
      }) : () -> ()
      %scan3A_97 = arith.constant 0 : i32
      scf.yield %scan3A_97 : i32
    }
    %scan3A_27 = arith.constant 78 : i32
    %convert_element_type3A = arith.extui %eq3A_20 : i1 to i32
    %cond3A = arith.constant 0 : i32
    %cond3A_28 = arith.cmpi ne, %convert_element_type3A, %cond3A : i32
    scf.if %cond3A_28 {
      "tpu.region"() ({
        %run_scoped3A = tpu.sem_alloc : memref<!tpu.dma_semaphore, #tpu.memory_space<semaphore_mem>>
        %dma_start3A_92 = arith.constant 9984 : i32
        %dma_start3A_93 = arith.constant 0 : i32
        %dma_start3A_94 = tpu.memref_slice %arg14[%dma_start3A_92, %dma_start3A_93] : memref<10000x128xf32, #tpu.memory_space<vmem_shared>> -> memref<8x128xf32, #tpu.memory_space<vmem_shared>>
        %dma_start3A_95 = arith.constant 9984 : i32
        %dma_start3A_96 = arith.constant 0 : i32
        %dma_start3A_97 = tpu.memref_slice %arg14[%dma_start3A_95, %dma_start3A_96] : memref<10000x128xf32, #tpu.memory_space<vmem_shared>> -> memref<8x128xf32, #tpu.memory_space<vmem_shared>>
        tpu.enqueue_dma source(%arg13 : memref<8x128xf32, #tpu.memory_space<vmem>>) target(%dma_start3A_97 : memref<8x128xf32, #tpu.memory_space<vmem_shared>>) target_semaphore(%run_scoped3A : memref<!tpu.dma_semaphore, #tpu.memory_space<semaphore_mem>>)
        %dma_wait3A_98 = arith.constant 9984 : i32
        %dma_wait3A_99 = arith.constant 0 : i32
        %dma_wait3A_100 = tpu.memref_slice %arg14[%dma_wait3A_98, %dma_wait3A_99] : memref<10000x128xf32, #tpu.memory_space<vmem_shared>> -> memref<8x128xf32, #tpu.memory_space<vmem_shared>>
        %dma_wait3A_101 = arith.constant 9984 : i32
        %dma_wait3A_102 = arith.constant 0 : i32
        %dma_wait3A_103 = tpu.memref_slice %arg14[%dma_wait3A_101, %dma_wait3A_102] : memref<10000x128xf32, #tpu.memory_space<vmem_shared>> -> memref<8x128xf32, #tpu.memory_space<vmem_shared>>
        tpu.wait_dma2 semaphore(%run_scoped3A : memref<!tpu.dma_semaphore, #tpu.memory_space<semaphore_mem>>) src(%arg13 : memref<8x128xf32, #tpu.memory_space<vmem>>) dst(%dma_wait3A_103 : memref<8x128xf32, #tpu.memory_space<vmem_shared>>)
        tpu.yield
      }) : () -> ()
      "tpu.region"() ({
        %run_scoped3A = tpu.sem_alloc : memref<!tpu.dma_semaphore, #tpu.memory_space<semaphore_mem>>
        %dma_start3A_92 = arith.constant 9992 : i32
        %dma_start3A_93 = arith.constant 0 : i32
        %dma_start3A_94 = tpu.memref_slice %arg14[%dma_start3A_92, %dma_start3A_93] : memref<10000x128xf32, #tpu.memory_space<vmem_shared>> -> memref<8x128xf32, #tpu.memory_space<vmem_shared>>
        %dma_start3A_95 = arith.constant 9992 : i32
        %dma_start3A_96 = arith.constant 0 : i32
        %dma_start3A_97 = tpu.memref_slice %arg14[%dma_start3A_95, %dma_start3A_96] : memref<10000x128xf32, #tpu.memory_space<vmem_shared>> -> memref<8x128xf32, #tpu.memory_space<vmem_shared>>
        tpu.enqueue_dma source(%arg13 : memref<8x128xf32, #tpu.memory_space<vmem>>) target(%dma_start3A_97 : memref<8x128xf32, #tpu.memory_space<vmem_shared>>) target_semaphore(%run_scoped3A : memref<!tpu.dma_semaphore, #tpu.memory_space<semaphore_mem>>)
        %dma_wait3A_98 = arith.constant 9992 : i32
        %dma_wait3A_99 = arith.constant 0 : i32
        %dma_wait3A_100 = tpu.memref_slice %arg14[%dma_wait3A_98, %dma_wait3A_99] : memref<10000x128xf32, #tpu.memory_space<vmem_shared>> -> memref<8x128xf32, #tpu.memory_space<vmem_shared>>
        %dma_wait3A_101 = arith.constant 9992 : i32
        %dma_wait3A_102 = arith.constant 0 : i32
        %dma_wait3A_103 = tpu.memref_slice %arg14[%dma_wait3A_101, %dma_wait3A_102] : memref<10000x128xf32, #tpu.memory_space<vmem_shared>> -> memref<8x128xf32, #tpu.memory_space<vmem_shared>>
        tpu.wait_dma2 semaphore(%run_scoped3A : memref<!tpu.dma_semaphore, #tpu.memory_space<semaphore_mem>>) src(%arg13 : memref<8x128xf32, #tpu.memory_space<vmem>>) dst(%dma_wait3A_103 : memref<8x128xf32, #tpu.memory_space<vmem_shared>>)
        tpu.yield
      }) : () -> ()
    } else {
    }
    %barrier3A = arith.constant 0 : index
    tpu.barrier barrier_id(%barrier3A)
    %dma_wait3A = tpu.memref_slice %arg3[%add3A] : memref<320000xi32, #tpu.memory_space<hbm>> -> memref<128xi32, #tpu.memory_space<hbm>>
    %dma_wait3A_29 = tpu.memref_slice %arg3[%add3A] : memref<320000xi32, #tpu.memory_space<hbm>> -> memref<128xi32, #tpu.memory_space<hbm>>
    tpu.wait_dma2 semaphore(%arg17 : memref<!tpu.dma_semaphore, #tpu.memory_space<semaphore_mem>>) src(%dma_wait3A_29 : memref<128xi32, #tpu.memory_space<hbm>>) dst(%arg6 : memref<128xi32, #tpu.memory_space<vmem>>)
    %dma_wait3A_30 = tpu.memref_slice %arg4[%mul3A_4] : memref<160000xi32, #tpu.memory_space<hbm>> -> memref<128xi32, #tpu.memory_space<hbm>>
    %dma_wait3A_31 = tpu.memref_slice %arg4[%mul3A_4] : memref<160000xi32, #tpu.memory_space<hbm>> -> memref<128xi32, #tpu.memory_space<hbm>>
    tpu.wait_dma2 semaphore(%arg17 : memref<!tpu.dma_semaphore, #tpu.memory_space<semaphore_mem>>) src(%dma_wait3A_31 : memref<128xi32, #tpu.memory_space<hbm>>) dst(%arg8 : memref<128xi32, #tpu.memory_space<vmem>>)
    %dma_start3A_32 = arith.constant 0 : i32
    %dma_start3A_33 = arith.constant 0 : i32
    %dma_start3A_34 = tpu.memref_slice %arg2[%dma_start3A_32, %dma_start3A_33] : memref<20000x128xf32, #tpu.memory_space<hbm>> -> memref<20000x128xf32, #tpu.memory_space<hbm>>
    tpu.enqueue_indirect_dma source(%dma_start3A_34 : memref<20000x128xf32, #tpu.memory_space<hbm>>) target(%arg10 : memref<128x128xf32, #tpu.memory_space<vmem>>) offsets(%arg6 : memref<128xi32, #tpu.memory_space<vmem>>) semaphore(%arg15 : memref<!tpu.dma_semaphore, #tpu.memory_space<semaphore_mem>>)
    %add3A_35 = arith.constant 128 : i32
    %add3A_36 = arith.addi %add3A, %add3A_35 : i32
    %dma_start3A_37 = tpu.memref_slice %arg3[%add3A_36] : memref<320000xi32, #tpu.memory_space<hbm>> -> memref<128xi32, #tpu.memory_space<hbm>>
    %dma_start3A_38 = tpu.memref_slice %arg3[%add3A_36] : memref<320000xi32, #tpu.memory_space<hbm>> -> memref<128xi32, #tpu.memory_space<hbm>>
    tpu.enqueue_dma source(%dma_start3A_38 : memref<128xi32, #tpu.memory_space<hbm>>) target(%arg7 : memref<128xi32, #tpu.memory_space<vmem>>) target_semaphore(%arg18 : memref<!tpu.dma_semaphore, #tpu.memory_space<semaphore_mem>>)
    %add3A_39 = arith.constant 128 : i32
    %add3A_40 = arith.addi %mul3A_4, %add3A_39 : i32
    %dma_start3A_41 = tpu.memref_slice %arg4[%add3A_40] : memref<160000xi32, #tpu.memory_space<hbm>> -> memref<128xi32, #tpu.memory_space<hbm>>
    %dma_start3A_42 = tpu.memref_slice %arg4[%add3A_40] : memref<160000xi32, #tpu.memory_space<hbm>> -> memref<128xi32, #tpu.memory_space<hbm>>
    tpu.enqueue_dma source(%dma_start3A_42 : memref<128xi32, #tpu.memory_space<hbm>>) target(%arg9 : memref<128xi32, #tpu.memory_space<vmem>>) target_semaphore(%arg18 : memref<!tpu.dma_semaphore, #tpu.memory_space<semaphore_mem>>)
    %scan3A_43 = arith.constant 0 : i32
    %scan3A_44 = arith.constant 0 : i32
    %scan3A_45 = arith.constant 38 : i32
    %scan3A_46 = arith.addi %scan3A_44, %scan3A_45 : i32
    %scan3A_47 = arith.constant 1 : i32
    %scan3A_48 = scf.for %scan3A_92 = %scan3A_44 to %scan3A_46 step %scan3A_47 iter_args(%scan3A_93 = %scan3A_43) -> (i32)  : i32 {
      %mul3A_94 = arith.constant 2 : i32
      %mul3A_95 = arith.muli %scan3A_92, %mul3A_94 : i32
      %add3A_96 = arith.constant 1 : i32
      %add3A_97 = arith.addi %mul3A_95, %add3A_96 : i32
      %dma_wait3A_98 = tpu.memref_slice %arg3[%add3A] : memref<320000xi32, #tpu.memory_space<hbm>> -> memref<128xi32, #tpu.memory_space<hbm>>
      %dma_wait3A_99 = tpu.memref_slice %arg3[%add3A] : memref<320000xi32, #tpu.memory_space<hbm>> -> memref<128xi32, #tpu.memory_space<hbm>>
      tpu.wait_dma2 semaphore(%arg18 : memref<!tpu.dma_semaphore, #tpu.memory_space<semaphore_mem>>) src(%dma_wait3A_99 : memref<128xi32, #tpu.memory_space<hbm>>) dst(%arg7 : memref<128xi32, #tpu.memory_space<vmem>>)
      %dma_wait3A_100 = tpu.memref_slice %arg4[%mul3A_4] : memref<160000xi32, #tpu.memory_space<hbm>> -> memref<128xi32, #tpu.memory_space<hbm>>
      %dma_wait3A_101 = tpu.memref_slice %arg4[%mul3A_4] : memref<160000xi32, #tpu.memory_space<hbm>> -> memref<128xi32, #tpu.memory_space<hbm>>
      tpu.wait_dma2 semaphore(%arg18 : memref<!tpu.dma_semaphore, #tpu.memory_space<semaphore_mem>>) src(%dma_wait3A_101 : memref<128xi32, #tpu.memory_space<hbm>>) dst(%arg9 : memref<128xi32, #tpu.memory_space<vmem>>)
      %dma_start3A_102 = arith.constant 0 : i32
      %dma_start3A_103 = arith.constant 0 : i32
      %dma_start3A_104 = tpu.memref_slice %arg2[%dma_start3A_102, %dma_start3A_103] : memref<20000x128xf32, #tpu.memory_space<hbm>> -> memref<20000x128xf32, #tpu.memory_space<hbm>>
      tpu.enqueue_indirect_dma source(%dma_start3A_104 : memref<20000x128xf32, #tpu.memory_space<hbm>>) target(%arg11 : memref<128x128xf32, #tpu.memory_space<vmem>>) offsets(%arg7 : memref<128xi32, #tpu.memory_space<vmem>>) semaphore(%arg16 : memref<!tpu.dma_semaphore, #tpu.memory_space<semaphore_mem>>)
      %dma_wait3A_105 = arith.constant 0 : i32
      %dma_wait3A_106 = arith.constant 0 : i32
      %dma_wait3A_107 = tpu.memref_slice %arg2[%dma_wait3A_105, %dma_wait3A_106] : memref<20000x128xf32, #tpu.memory_space<hbm>> -> memref<20000x128xf32, #tpu.memory_space<hbm>>
      tpu.wait_indirect_dma semaphore(%arg15 : memref<!tpu.dma_semaphore, #tpu.memory_space<semaphore_mem>>) src(%dma_wait3A_107 : memref<20000x128xf32, #tpu.memory_space<hbm>>) dst(%arg10 : memref<128x128xf32, #tpu.memory_space<vmem>>)
      "tpu.region"() ({
        %run_scoped3A = tpu.sem_alloc : memref<!tpu.dma_semaphore, #tpu.memory_space<semaphore_mem>>
        %dma_start3A_147 = arith.constant 0 : i32
        %dma_start3A_148 = arith.constant 0 : i32
        %dma_start3A_149 = tpu.memref_slice %arg14[%dma_start3A_147, %dma_start3A_148] : memref<10000x128xf32, #tpu.memory_space<vmem_shared>> -> memref<10000x128xf32, #tpu.memory_space<vmem_shared>>
        tpu.enqueue_indirect_dma source(%arg10 : memref<128x128xf32, #tpu.memory_space<vmem>>) target(%dma_start3A_149 : memref<10000x128xf32, #tpu.memory_space<vmem_shared>>) offsets(%arg8 : memref<128xi32, #tpu.memory_space<vmem>>) semaphore(%run_scoped3A : memref<!tpu.dma_semaphore, #tpu.memory_space<semaphore_mem>>) {add = true}
        %dma_wait3A_150 = arith.constant 0 : i32
        %dma_wait3A_151 = arith.constant 0 : i32
        %dma_wait3A_152 = tpu.memref_slice %arg14[%dma_wait3A_150, %dma_wait3A_151] : memref<10000x128xf32, #tpu.memory_space<vmem_shared>> -> memref<10000x128xf32, #tpu.memory_space<vmem_shared>>
        tpu.wait_indirect_dma semaphore(%run_scoped3A : memref<!tpu.dma_semaphore, #tpu.memory_space<semaphore_mem>>) src(%arg10 : memref<128x128xf32, #tpu.memory_space<vmem>>) dst(%dma_wait3A_152 : memref<10000x128xf32, #tpu.memory_space<vmem_shared>>)
        tpu.yield
      }) : () -> ()
      %add3A_108 = arith.constant 1 : i32
      %add3A_109 = arith.addi %add3A_97, %add3A_108 : i32
      %mul3A_110 = arith.constant 128 : i32
      %mul3A_111 = arith.muli %add3A_109, %mul3A_110 : i32
      %add3A_112 = arith.addi %add3A, %mul3A_111 : i32
      %dma_start3A_113 = tpu.memref_slice %arg3[%add3A_112] : memref<320000xi32, #tpu.memory_space<hbm>> -> memref<128xi32, #tpu.memory_space<hbm>>
      %dma_start3A_114 = tpu.memref_slice %arg3[%add3A_112] : memref<320000xi32, #tpu.memory_space<hbm>> -> memref<128xi32, #tpu.memory_space<hbm>>
      tpu.enqueue_dma source(%dma_start3A_114 : memref<128xi32, #tpu.memory_space<hbm>>) target(%arg6 : memref<128xi32, #tpu.memory_space<vmem>>) target_semaphore(%arg17 : memref<!tpu.dma_semaphore, #tpu.memory_space<semaphore_mem>>)
      %mul3A_115 = arith.constant 128 : i32
      %mul3A_116 = arith.muli %add3A_109, %mul3A_115 : i32
      %add3A_117 = arith.addi %mul3A_4, %mul3A_116 : i32
      %dma_start3A_118 = tpu.memref_slice %arg4[%add3A_117] : memref<160000xi32, #tpu.memory_space<hbm>> -> memref<128xi32, #tpu.memory_space<hbm>>
      %dma_start3A_119 = tpu.memref_slice %arg4[%add3A_117] : memref<160000xi32, #tpu.memory_space<hbm>> -> memref<128xi32, #tpu.memory_space<hbm>>
      tpu.enqueue_dma source(%dma_start3A_119 : memref<128xi32, #tpu.memory_space<hbm>>) target(%arg8 : memref<128xi32, #tpu.memory_space<vmem>>) target_semaphore(%arg17 : memref<!tpu.dma_semaphore, #tpu.memory_space<semaphore_mem>>)
      %mul3A_120 = arith.constant 2 : i32
      %mul3A_121 = arith.muli %scan3A_92, %mul3A_120 : i32
      %add3A_122 = arith.constant 2 : i32
      %add3A_123 = arith.addi %mul3A_121, %add3A_122 : i32
      %dma_wait3A_124 = tpu.memref_slice %arg3[%add3A] : memref<320000xi32, #tpu.memory_space<hbm>> -> memref<128xi32, #tpu.memory_space<hbm>>
      %dma_wait3A_125 = tpu.memref_slice %arg3[%add3A] : memref<320000xi32, #tpu.memory_space<hbm>> -> memref<128xi32, #tpu.memory_space<hbm>>
      tpu.wait_dma2 semaphore(%arg17 : memref<!tpu.dma_semaphore, #tpu.memory_space<semaphore_mem>>) src(%dma_wait3A_125 : memref<128xi32, #tpu.memory_space<hbm>>) dst(%arg6 : memref<128xi32, #tpu.memory_space<vmem>>)
      %dma_wait3A_126 = tpu.memref_slice %arg4[%mul3A_4] : memref<160000xi32, #tpu.memory_space<hbm>> -> memref<128xi32, #tpu.memory_space<hbm>>
      %dma_wait3A_127 = tpu.memref_slice %arg4[%mul3A_4] : memref<160000xi32, #tpu.memory_space<hbm>> -> memref<128xi32, #tpu.memory_space<hbm>>
      tpu.wait_dma2 semaphore(%arg17 : memref<!tpu.dma_semaphore, #tpu.memory_space<semaphore_mem>>) src(%dma_wait3A_127 : memref<128xi32, #tpu.memory_space<hbm>>) dst(%arg8 : memref<128xi32, #tpu.memory_space<vmem>>)
      %dma_start3A_128 = arith.constant 0 : i32
      %dma_start3A_129 = arith.constant 0 : i32
      %dma_start3A_130 = tpu.memref_slice %arg2[%dma_start3A_128, %dma_start3A_129] : memref<20000x128xf32, #tpu.memory_space<hbm>> -> memref<20000x128xf32, #tpu.memory_space<hbm>>
      tpu.enqueue_indirect_dma source(%dma_start3A_130 : memref<20000x128xf32, #tpu.memory_space<hbm>>) target(%arg10 : memref<128x128xf32, #tpu.memory_space<vmem>>) offsets(%arg6 : memref<128xi32, #tpu.memory_space<vmem>>) semaphore(%arg15 : memref<!tpu.dma_semaphore, #tpu.memory_space<semaphore_mem>>)
      %dma_wait3A_131 = arith.constant 0 : i32
      %dma_wait3A_132 = arith.constant 0 : i32
      %dma_wait3A_133 = tpu.memref_slice %arg2[%dma_wait3A_131, %dma_wait3A_132] : memref<20000x128xf32, #tpu.memory_space<hbm>> -> memref<20000x128xf32, #tpu.memory_space<hbm>>
      tpu.wait_indirect_dma semaphore(%arg16 : memref<!tpu.dma_semaphore, #tpu.memory_space<semaphore_mem>>) src(%dma_wait3A_133 : memref<20000x128xf32, #tpu.memory_space<hbm>>) dst(%arg11 : memref<128x128xf32, #tpu.memory_space<vmem>>)
      "tpu.region"() ({
        %run_scoped3A = tpu.sem_alloc : memref<!tpu.dma_semaphore, #tpu.memory_space<semaphore_mem>>
        %dma_start3A_147 = arith.constant 0 : i32
        %dma_start3A_148 = arith.constant 0 : i32
        %dma_start3A_149 = tpu.memref_slice %arg14[%dma_start3A_147, %dma_start3A_148] : memref<10000x128xf32, #tpu.memory_space<vmem_shared>> -> memref<10000x128xf32, #tpu.memory_space<vmem_shared>>
        tpu.enqueue_indirect_dma source(%arg11 : memref<128x128xf32, #tpu.memory_space<vmem>>) target(%dma_start3A_149 : memref<10000x128xf32, #tpu.memory_space<vmem_shared>>) offsets(%arg9 : memref<128xi32, #tpu.memory_space<vmem>>) semaphore(%run_scoped3A : memref<!tpu.dma_semaphore, #tpu.memory_space<semaphore_mem>>) {add = true}
        %dma_wait3A_150 = arith.constant 0 : i32
        %dma_wait3A_151 = arith.constant 0 : i32
        %dma_wait3A_152 = tpu.memref_slice %arg14[%dma_wait3A_150, %dma_wait3A_151] : memref<10000x128xf32, #tpu.memory_space<vmem_shared>> -> memref<10000x128xf32, #tpu.memory_space<vmem_shared>>
        tpu.wait_indirect_dma semaphore(%run_scoped3A : memref<!tpu.dma_semaphore, #tpu.memory_space<semaphore_mem>>) src(%arg11 : memref<128x128xf32, #tpu.memory_space<vmem>>) dst(%dma_wait3A_152 : memref<10000x128xf32, #tpu.memory_space<vmem_shared>>)
        tpu.yield
      }) : () -> ()
      %add3A_134 = arith.constant 1 : i32
      %add3A_135 = arith.addi %add3A_123, %add3A_134 : i32
      %mul3A_136 = arith.constant 128 : i32
      %mul3A_137 = arith.muli %add3A_135, %mul3A_136 : i32
      %add3A_138 = arith.addi %add3A, %mul3A_137 : i32
      %dma_start3A_139 = tpu.memref_slice %arg3[%add3A_138] : memref<320000xi32, #tpu.memory_space<hbm>> -> memref<128xi32, #tpu.memory_space<hbm>>
      %dma_start3A_140 = tpu.memref_slice %arg3[%add3A_138] : memref<320000xi32, #tpu.memory_space<hbm>> -> memref<128xi32, #tpu.memory_space<hbm>>
      tpu.enqueue_dma source(%dma_start3A_140 : memref<128xi32, #tpu.memory_space<hbm>>) target(%arg7 : memref<128xi32, #tpu.memory_space<vmem>>) target_semaphore(%arg18 : memref<!tpu.dma_semaphore, #tpu.memory_space<semaphore_mem>>)
      %mul3A_141 = arith.constant 128 : i32
      %mul3A_142 = arith.muli %add3A_135, %mul3A_141 : i32
      %add3A_143 = arith.addi %mul3A_4, %mul3A_142 : i32
      %dma_start3A_144 = tpu.memref_slice %arg4[%add3A_143] : memref<160000xi32, #tpu.memory_space<hbm>> -> memref<128xi32, #tpu.memory_space<hbm>>
      %dma_start3A_145 = tpu.memref_slice %arg4[%add3A_143] : memref<160000xi32, #tpu.memory_space<hbm>> -> memref<128xi32, #tpu.memory_space<hbm>>
      tpu.enqueue_dma source(%dma_start3A_145 : memref<128xi32, #tpu.memory_space<hbm>>) target(%arg9 : memref<128xi32, #tpu.memory_space<vmem>>) target_semaphore(%arg18 : memref<!tpu.dma_semaphore, #tpu.memory_space<semaphore_mem>>)
      %scan3A_146 = arith.constant 0 : i32
      scf.yield %scan3A_146 : i32
    }
    %scan3A_49 = arith.constant 38 : i32
    %dma_wait3A_50 = tpu.memref_slice %arg3[%add3A] : memref<320000xi32, #tpu.memory_space<hbm>> -> memref<128xi32, #tpu.memory_space<hbm>>
    %dma_wait3A_51 = tpu.memref_slice %arg3[%add3A] : memref<320000xi32, #tpu.memory_space<hbm>> -> memref<128xi32, #tpu.memory_space<hbm>>
    tpu.wait_dma2 semaphore(%arg18 : memref<!tpu.dma_semaphore, #tpu.memory_space<semaphore_mem>>) src(%dma_wait3A_51 : memref<128xi32, #tpu.memory_space<hbm>>) dst(%arg7 : memref<128xi32, #tpu.memory_space<vmem>>)
    %dma_wait3A_52 = tpu.memref_slice %arg4[%mul3A_4] : memref<160000xi32, #tpu.memory_space<hbm>> -> memref<128xi32, #tpu.memory_space<hbm>>
    %dma_wait3A_53 = tpu.memref_slice %arg4[%mul3A_4] : memref<160000xi32, #tpu.memory_space<hbm>> -> memref<128xi32, #tpu.memory_space<hbm>>
    tpu.wait_dma2 semaphore(%arg18 : memref<!tpu.dma_semaphore, #tpu.memory_space<semaphore_mem>>) src(%dma_wait3A_53 : memref<128xi32, #tpu.memory_space<hbm>>) dst(%arg9 : memref<128xi32, #tpu.memory_space<vmem>>)
    %dma_start3A_54 = arith.constant 0 : i32
    %dma_start3A_55 = arith.constant 0 : i32
    %dma_start3A_56 = tpu.memref_slice %arg2[%dma_start3A_54, %dma_start3A_55] : memref<20000x128xf32, #tpu.memory_space<hbm>> -> memref<20000x128xf32, #tpu.memory_space<hbm>>
    tpu.enqueue_indirect_dma source(%dma_start3A_56 : memref<20000x128xf32, #tpu.memory_space<hbm>>) target(%arg11 : memref<128x128xf32, #tpu.memory_space<vmem>>) offsets(%arg7 : memref<128xi32, #tpu.memory_space<vmem>>) semaphore(%arg16 : memref<!tpu.dma_semaphore, #tpu.memory_space<semaphore_mem>>)
    %dma_wait3A_57 = arith.constant 0 : i32
    %dma_wait3A_58 = arith.constant 0 : i32
    %dma_wait3A_59 = tpu.memref_slice %arg2[%dma_wait3A_57, %dma_wait3A_58] : memref<20000x128xf32, #tpu.memory_space<hbm>> -> memref<20000x128xf32, #tpu.memory_space<hbm>>
    tpu.wait_indirect_dma semaphore(%arg15 : memref<!tpu.dma_semaphore, #tpu.memory_space<semaphore_mem>>) src(%dma_wait3A_59 : memref<20000x128xf32, #tpu.memory_space<hbm>>) dst(%arg10 : memref<128x128xf32, #tpu.memory_space<vmem>>)
    "tpu.region"() ({
      %run_scoped3A = tpu.sem_alloc : memref<!tpu.dma_semaphore, #tpu.memory_space<semaphore_mem>>
      %dma_start3A_92 = arith.constant 0 : i32
      %dma_start3A_93 = arith.constant 0 : i32
      %dma_start3A_94 = tpu.memref_slice %arg14[%dma_start3A_92, %dma_start3A_93] : memref<10000x128xf32, #tpu.memory_space<vmem_shared>> -> memref<10000x128xf32, #tpu.memory_space<vmem_shared>>
      tpu.enqueue_indirect_dma source(%arg10 : memref<128x128xf32, #tpu.memory_space<vmem>>) target(%dma_start3A_94 : memref<10000x128xf32, #tpu.memory_space<vmem_shared>>) offsets(%arg8 : memref<128xi32, #tpu.memory_space<vmem>>) semaphore(%run_scoped3A : memref<!tpu.dma_semaphore, #tpu.memory_space<semaphore_mem>>) {add = true}
      %dma_wait3A_95 = arith.constant 0 : i32
      %dma_wait3A_96 = arith.constant 0 : i32
      %dma_wait3A_97 = tpu.memref_slice %arg14[%dma_wait3A_95, %dma_wait3A_96] : memref<10000x128xf32, #tpu.memory_space<vmem_shared>> -> memref<10000x128xf32, #tpu.memory_space<vmem_shared>>
      tpu.wait_indirect_dma semaphore(%run_scoped3A : memref<!tpu.dma_semaphore, #tpu.memory_space<semaphore_mem>>) src(%arg10 : memref<128x128xf32, #tpu.memory_space<vmem>>) dst(%dma_wait3A_97 : memref<10000x128xf32, #tpu.memory_space<vmem_shared>>)
      tpu.yield
    }) : () -> ()
    %dma_wait3A_60 = arith.constant 0 : i32
    %dma_wait3A_61 = arith.constant 0 : i32
    %dma_wait3A_62 = tpu.memref_slice %arg2[%dma_wait3A_60, %dma_wait3A_61] : memref<20000x128xf32, #tpu.memory_space<hbm>> -> memref<20000x128xf32, #tpu.memory_space<hbm>>
    tpu.wait_indirect_dma semaphore(%arg16 : memref<!tpu.dma_semaphore, #tpu.memory_space<semaphore_mem>>) src(%dma_wait3A_62 : memref<20000x128xf32, #tpu.memory_space<hbm>>) dst(%arg11 : memref<128x128xf32, #tpu.memory_space<vmem>>)
    "tpu.region"() ({
      %run_scoped3A = tpu.sem_alloc : memref<!tpu.dma_semaphore, #tpu.memory_space<semaphore_mem>>
      %dma_start3A_92 = arith.constant 0 : i32
      %dma_start3A_93 = arith.constant 0 : i32
      %dma_start3A_94 = tpu.memref_slice %arg14[%dma_start3A_92, %dma_start3A_93] : memref<10000x128xf32, #tpu.memory_space<vmem_shared>> -> memref<10000x128xf32, #tpu.memory_space<vmem_shared>>
      tpu.enqueue_indirect_dma source(%arg11 : memref<128x128xf32, #tpu.memory_space<vmem>>) target(%dma_start3A_94 : memref<10000x128xf32, #tpu.memory_space<vmem_shared>>) offsets(%arg9 : memref<128xi32, #tpu.memory_space<vmem>>) semaphore(%run_scoped3A : memref<!tpu.dma_semaphore, #tpu.memory_space<semaphore_mem>>) {add = true}
      %dma_wait3A_95 = arith.constant 0 : i32
      %dma_wait3A_96 = arith.constant 0 : i32
      %dma_wait3A_97 = tpu.memref_slice %arg14[%dma_wait3A_95, %dma_wait3A_96] : memref<10000x128xf32, #tpu.memory_space<vmem_shared>> -> memref<10000x128xf32, #tpu.memory_space<vmem_shared>>
      tpu.wait_indirect_dma semaphore(%run_scoped3A : memref<!tpu.dma_semaphore, #tpu.memory_space<semaphore_mem>>) src(%arg11 : memref<128x128xf32, #tpu.memory_space<vmem>>) dst(%dma_wait3A_97 : memref<10000x128xf32, #tpu.memory_space<vmem_shared>>)
      tpu.yield
    }) : () -> ()
    %add3A_63 = arith.constant 9984 : i32
    %add3A_64 = arith.addi %add3A, %add3A_63 : i32
    %dma_start3A_65 = tpu.memref_slice %arg3[%add3A_64] : memref<320000xi32, #tpu.memory_space<hbm>> -> memref<16xi32, #tpu.memory_space<hbm>>
    %dma_start3A_66 = tpu.memref_slice %arg3[%add3A_64] : memref<320000xi32, #tpu.memory_space<hbm>> -> memref<16xi32, #tpu.memory_space<hbm>>
    tpu.enqueue_dma source(%dma_start3A_66 : memref<16xi32, #tpu.memory_space<hbm>>) target(%arg12 : memref<16xi32, #tpu.memory_space<vmem>>) target_semaphore(%arg17 : memref<!tpu.dma_semaphore, #tpu.memory_space<semaphore_mem>>)
    %add3A_67 = arith.constant 9984 : i32
    %add3A_68 = arith.addi %add3A, %add3A_67 : i32
    %dma_wait3A_69 = tpu.memref_slice %arg3[%add3A_68] : memref<320000xi32, #tpu.memory_space<hbm>> -> memref<16xi32, #tpu.memory_space<hbm>>
    %dma_wait3A_70 = tpu.memref_slice %arg3[%add3A_68] : memref<320000xi32, #tpu.memory_space<hbm>> -> memref<16xi32, #tpu.memory_space<hbm>>
    tpu.wait_dma2 semaphore(%arg17 : memref<!tpu.dma_semaphore, #tpu.memory_space<semaphore_mem>>) src(%dma_wait3A_70 : memref<16xi32, #tpu.memory_space<hbm>>) dst(%arg12 : memref<16xi32, #tpu.memory_space<vmem>>)
    %dma_start3A_71 = arith.constant 0 : i32
    %dma_start3A_72 = arith.constant 0 : i32
    %dma_start3A_73 = tpu.memref_slice %arg10[%dma_start3A_71, %dma_start3A_72] : memref<128x128xf32, #tpu.memory_space<vmem>> -> memref<16x128xf32, #tpu.memory_space<vmem>>
    %dma_start3A_74 = arith.constant 0 : i32
    %dma_start3A_75 = arith.constant 0 : i32
    %dma_start3A_76 = tpu.memref_slice %arg2[%dma_start3A_74, %dma_start3A_75] : memref<20000x128xf32, #tpu.memory_space<hbm>> -> memref<20000x128xf32, #tpu.memory_space<hbm>>
    tpu.enqueue_indirect_dma source(%dma_start3A_76 : memref<20000x128xf32, #tpu.memory_space<hbm>>) target(%dma_start3A_73 : memref<16x128xf32, #tpu.memory_space<vmem>>) offsets(%arg12 : memref<16xi32, #tpu.memory_space<vmem>>) semaphore(%arg15 : memref<!tpu.dma_semaphore, #tpu.memory_space<semaphore_mem>>)
    %dma_wait3A_77 = arith.constant 0 : i32
    %dma_wait3A_78 = arith.constant 0 : i32
    %dma_wait3A_79 = tpu.memref_slice %arg10[%dma_wait3A_77, %dma_wait3A_78] : memref<128x128xf32, #tpu.memory_space<vmem>> -> memref<16x128xf32, #tpu.memory_space<vmem>>
    %dma_wait3A_80 = arith.constant 0 : i32
    %dma_wait3A_81 = arith.constant 0 : i32
    %dma_wait3A_82 = tpu.memref_slice %arg2[%dma_wait3A_80, %dma_wait3A_81] : memref<20000x128xf32, #tpu.memory_space<hbm>> -> memref<20000x128xf32, #tpu.memory_space<hbm>>
    tpu.wait_indirect_dma semaphore(%arg15 : memref<!tpu.dma_semaphore, #tpu.memory_space<semaphore_mem>>) src(%dma_wait3A_82 : memref<20000x128xf32, #tpu.memory_space<hbm>>) dst(%dma_wait3A_79 : memref<16x128xf32, #tpu.memory_space<vmem>>)
    %add3A_83 = arith.constant 9984 : i32
    %add3A_84 = arith.addi %mul3A_4, %add3A_83 : i32
    "tpu.region"() ({
      %run_scoped3A = tpu.sem_alloc : memref<!tpu.dma_semaphore, #tpu.memory_space<semaphore_mem>>
      %dma_start3A_92 = tpu.memref_slice %arg4[%add3A_84] : memref<160000xi32, #tpu.memory_space<hbm>> -> memref<16xi32, #tpu.memory_space<hbm>>
      %dma_start3A_93 = tpu.memref_slice %arg4[%add3A_84] : memref<160000xi32, #tpu.memory_space<hbm>> -> memref<16xi32, #tpu.memory_space<hbm>>
      tpu.enqueue_dma source(%dma_start3A_93 : memref<16xi32, #tpu.memory_space<hbm>>) target(%arg12 : memref<16xi32, #tpu.memory_space<vmem>>) target_semaphore(%run_scoped3A : memref<!tpu.dma_semaphore, #tpu.memory_space<semaphore_mem>>)
      %dma_wait3A_94 = tpu.memref_slice %arg4[%add3A_84] : memref<160000xi32, #tpu.memory_space<hbm>> -> memref<16xi32, #tpu.memory_space<hbm>>
      %dma_wait3A_95 = tpu.memref_slice %arg4[%add3A_84] : memref<160000xi32, #tpu.memory_space<hbm>> -> memref<16xi32, #tpu.memory_space<hbm>>
      tpu.wait_dma2 semaphore(%run_scoped3A : memref<!tpu.dma_semaphore, #tpu.memory_space<semaphore_mem>>) src(%dma_wait3A_95 : memref<16xi32, #tpu.memory_space<hbm>>) dst(%arg12 : memref<16xi32, #tpu.memory_space<vmem>>)
      tpu.yield
    }) : () -> ()
    "tpu.region"() ({
      %run_scoped3A = tpu.sem_alloc : memref<!tpu.dma_semaphore, #tpu.memory_space<semaphore_mem>>
      %dma_start3A_92 = arith.constant 0 : i32
      %dma_start3A_93 = arith.constant 0 : i32
      %dma_start3A_94 = tpu.memref_slice %arg10[%dma_start3A_92, %dma_start3A_93] : memref<128x128xf32, #tpu.memory_space<vmem>> -> memref<16x128xf32, #tpu.memory_space<vmem>>
      %dma_start3A_95 = arith.constant 0 : i32
      %dma_start3A_96 = arith.constant 0 : i32
      %dma_start3A_97 = tpu.memref_slice %arg14[%dma_start3A_95, %dma_start3A_96] : memref<10000x128xf32, #tpu.memory_space<vmem_shared>> -> memref<10000x128xf32, #tpu.memory_space<vmem_shared>>
      tpu.enqueue_indirect_dma source(%dma_start3A_94 : memref<16x128xf32, #tpu.memory_space<vmem>>) target(%dma_start3A_97 : memref<10000x128xf32, #tpu.memory_space<vmem_shared>>) offsets(%arg12 : memref<16xi32, #tpu.memory_space<vmem>>) semaphore(%run_scoped3A : memref<!tpu.dma_semaphore, #tpu.memory_space<semaphore_mem>>) {add = true}
      %dma_wait3A_98 = arith.constant 0 : i32
      %dma_wait3A_99 = arith.constant 0 : i32
      %dma_wait3A_100 = tpu.memref_slice %arg10[%dma_wait3A_98, %dma_wait3A_99] : memref<128x128xf32, #tpu.memory_space<vmem>> -> memref<16x128xf32, #tpu.memory_space<vmem>>
      %dma_wait3A_101 = arith.constant 0 : i32
      %dma_wait3A_102 = arith.constant 0 : i32
      %dma_wait3A_103 = tpu.memref_slice %arg14[%dma_wait3A_101, %dma_wait3A_102] : memref<10000x128xf32, #tpu.memory_space<vmem_shared>> -> memref<10000x128xf32, #tpu.memory_space<vmem_shared>>
      tpu.wait_indirect_dma semaphore(%run_scoped3A : memref<!tpu.dma_semaphore, #tpu.memory_space<semaphore_mem>>) src(%dma_wait3A_100 : memref<16x128xf32, #tpu.memory_space<vmem>>) dst(%dma_wait3A_103 : memref<10000x128xf32, #tpu.memory_space<vmem_shared>>)
      tpu.yield
    }) : () -> ()
    %barrier3A_85 = arith.constant 0 : index
    tpu.barrier barrier_id(%barrier3A_85)
    %mul3A_86 = arith.constant 10000 : i32
    %mul3A_87 = arith.muli %arg0, %mul3A_86 : i32
    %add3A_88 = arith.addi %mul3A_87, %mul3A_19 : i32
    "tpu.region"() ({
      %run_scoped3A = tpu.sem_alloc : memref<!tpu.dma_semaphore, #tpu.memory_space<semaphore_mem>>
      %dma_start3A_92 = arith.constant 0 : i32
      %dma_start3A_93 = tpu.memref_slice %arg5[%add3A_88, %dma_start3A_92] : memref<20000x128xf32, #tpu.memory_space<hbm>> -> memref<624x128xf32, #tpu.memory_space<hbm>>
      %dma_start3A_94 = arith.constant 0 : i32
      %dma_start3A_95 = tpu.memref_slice %arg14[%mul3A_19, %dma_start3A_94] : memref<10000x128xf32, #tpu.memory_space<vmem_shared>> -> memref<624x128xf32, #tpu.memory_space<vmem_shared>>
      tpu.enqueue_dma source(%dma_start3A_95 : memref<624x128xf32, #tpu.memory_space<vmem_shared>>) target(%dma_start3A_93 : memref<624x128xf32, #tpu.memory_space<hbm>>) target_semaphore(%run_scoped3A : memref<!tpu.dma_semaphore, #tpu.memory_space<semaphore_mem>>)
      %dma_wait3A_96 = arith.constant 0 : i32
      %dma_wait3A_97 = tpu.memref_slice %arg5[%add3A_88, %dma_wait3A_96] : memref<20000x128xf32, #tpu.memory_space<hbm>> -> memref<624x128xf32, #tpu.memory_space<hbm>>
      %dma_wait3A_98 = arith.constant 0 : i32
      %dma_wait3A_99 = tpu.memref_slice %arg14[%mul3A_19, %dma_wait3A_98] : memref<10000x128xf32, #tpu.memory_space<vmem_shared>> -> memref<624x128xf32, #tpu.memory_space<vmem_shared>>
      tpu.wait_dma2 semaphore(%run_scoped3A : memref<!tpu.dma_semaphore, #tpu.memory_space<semaphore_mem>>) src(%dma_wait3A_99 : memref<624x128xf32, #tpu.memory_space<vmem_shared>>) dst(%dma_wait3A_97 : memref<624x128xf32, #tpu.memory_space<hbm>>)
      tpu.yield
    }) : () -> ()
    %convert_element_type3A_89 = arith.extui %eq3A_20 : i1 to i32
    %cond3A_90 = arith.constant 0 : i32
    %cond3A_91 = arith.cmpi ne, %convert_element_type3A_89, %cond3A_90 : i32
    scf.if %cond3A_91 {
      %mul3A_92 = arith.constant 10000 : i32
      %mul3A_93 = arith.muli %arg0, %mul3A_92 : i32
      %add3A_94 = arith.constant 9984 : i32
      %add3A_95 = arith.addi %mul3A_93, %add3A_94 : i32
      "tpu.region"() ({
        %run_scoped3A = tpu.sem_alloc : memref<!tpu.dma_semaphore, #tpu.memory_space<semaphore_mem>>
        %dma_start3A_96 = arith.constant 0 : i32
        %dma_start3A_97 = tpu.memref_slice %arg5[%add3A_95, %dma_start3A_96] : memref<20000x128xf32, #tpu.memory_space<hbm>> -> memref<16x128xf32, #tpu.memory_space<hbm>>
        %dma_start3A_98 = arith.constant 9984 : i32
        %dma_start3A_99 = arith.constant 0 : i32
        %dma_start3A_100 = tpu.memref_slice %arg14[%dma_start3A_98, %dma_start3A_99] : memref<10000x128xf32, #tpu.memory_space<vmem_shared>> -> memref<16x128xf32, #tpu.memory_space<vmem_shared>>
        tpu.enqueue_dma source(%dma_start3A_100 : memref<16x128xf32, #tpu.memory_space<vmem_shared>>) target(%dma_start3A_97 : memref<16x128xf32, #tpu.memory_space<hbm>>) target_semaphore(%run_scoped3A : memref<!tpu.dma_semaphore, #tpu.memory_space<semaphore_mem>>)
        %dma_wait3A_101 = arith.constant 0 : i32
        %dma_wait3A_102 = tpu.memref_slice %arg5[%add3A_95, %dma_wait3A_101] : memref<20000x128xf32, #tpu.memory_space<hbm>> -> memref<16x128xf32, #tpu.memory_space<hbm>>
        %dma_wait3A_103 = arith.constant 9984 : i32
        %dma_wait3A_104 = arith.constant 0 : i32
        %dma_wait3A_105 = tpu.memref_slice %arg14[%dma_wait3A_103, %dma_wait3A_104] : memref<10000x128xf32, #tpu.memory_space<vmem_shared>> -> memref<16x128xf32, #tpu.memory_space<vmem_shared>>
        tpu.wait_dma2 semaphore(%run_scoped3A : memref<!tpu.dma_semaphore, #tpu.memory_space<semaphore_mem>>) src(%dma_wait3A_105 : memref<16x128xf32, #tpu.memory_space<vmem_shared>>) dst(%dma_wait3A_102 : memref<16x128xf32, #tpu.memory_space<hbm>>)
        tpu.yield
      }) : () -> ()
    } else {
    }
    return
  }
}

module attributes {stable_mosaic.version = 14 : i64} {
  func.func @_dense0_body(%arg0: i32, %arg1: memref<2x1000x128xf32, #tpu.memory_space<vmem>>, %arg2: memref<2x1000x128xf32, #tpu.memory_space<vmem>>, %arg3: memref<1000x256xf32, #tpu.memory_space<vmem>>, %arg4: memref<256x256xf32, #tpu.memory_space<vmem>>, %arg5: memref<1x256xf32, #tpu.memory_space<vmem>>, %arg6: memref<256x256xf32, #tpu.memory_space<vmem>>, %arg7: memref<1000x256xf32, #tpu.memory_space<vmem>>, %arg8: memref<32x256xf32, #tpu.memory_space<vmem>>, %arg9: memref<1x32xf32, #tpu.memory_space<vmem>>, %arg10: memref<2x32xf32, #tpu.memory_space<vmem>>, %arg11: memref<1x2xf32, #tpu.memory_space<vmem>>, %arg12: memref<1000x256xf32, #tpu.memory_space<vmem>>, %arg13: memref<1000x2xf32, #tpu.memory_space<vmem>>) attributes {dimension_semantics = [#tpu.dimension_semantics<arbitrary>], iteration_bounds = array<i64: 10>, scalar_prefetch = 0 : i64, scratch_operands = 0 : i64, tpu.core_type = #tpu.core_type<tc>, window_params = [{transform_indices = @transform_0, window_bounds = array<i64: 2, 1000, 128>}, {transform_indices = @transform_1, window_bounds = array<i64: 2, 1000, 128>}, {transform_indices = @transform_2, window_bounds = array<i64: 1000, 256>}, {pipeline_mode = #tpu.pipeline_mode<synchronous>, transform_indices = @transform_3, window_bounds = array<i64: 256, 256>}, {pipeline_mode = #tpu.pipeline_mode<synchronous>, transform_indices = @transform_4, window_bounds = array<i64: 1, 256>}, {pipeline_mode = #tpu.pipeline_mode<synchronous>, transform_indices = @transform_5, window_bounds = array<i64: 256, 256>}, {transform_indices = @transform_6, window_bounds = array<i64: 1000, 256>}, {pipeline_mode = #tpu.pipeline_mode<synchronous>, transform_indices = @transform_7, window_bounds = array<i64: 32, 256>}, {pipeline_mode = #tpu.pipeline_mode<synchronous>, transform_indices = @transform_8, window_bounds = array<i64: 1, 32>}, {pipeline_mode = #tpu.pipeline_mode<synchronous>, transform_indices = @transform_9, window_bounds = array<i64: 2, 32>}, {pipeline_mode = #tpu.pipeline_mode<synchronous>, transform_indices = @transform_10, window_bounds = array<i64: 1, 2>}, {transform_indices = @transform_11, window_bounds = array<i64: 1000, 256>}, {transform_indices = @transform_12, window_bounds = array<i64: 1000, 2>}]} {
    %get3A = arith.constant 0 : index
    %get3A_0 = arith.constant 0 : index
    %get3A_1 = arith.constant 0 : index
    %get3A_2 = vector.load %arg1[%get3A, %get3A_0, %get3A_1] : memref<2x1000x128xf32, #tpu.memory_space<vmem>>, vector<1x1000x128xf32>
    %get3A_3 = vector.shape_cast %get3A_2 : vector<1x1000x128xf32> to vector<1000x128xf32>
    %get3A_4 = arith.constant 1 : index
    %get3A_5 = arith.constant 0 : index
    %get3A_6 = arith.constant 0 : index
    %get3A_7 = vector.load %arg1[%get3A_4, %get3A_5, %get3A_6] : memref<2x1000x128xf32, #tpu.memory_space<vmem>>, vector<1x1000x128xf32>
    %get3A_8 = vector.shape_cast %get3A_7 : vector<1x1000x128xf32> to vector<1000x128xf32>
    %concatenate3A = tpu.concatenate %get3A_3, %get3A_8 in 1 : vector<1000x128xf32>, vector<1000x128xf32> -> vector<1000x256xf32>
    %get3A_9 = arith.constant 0 : index
    %get3A_10 = arith.constant 0 : index
    %get3A_11 = arith.constant 0 : index
    %get3A_12 = vector.load %arg2[%get3A_9, %get3A_10, %get3A_11] : memref<2x1000x128xf32, #tpu.memory_space<vmem>>, vector<1x1000x1xf32>
    %get3A_13 = vector.shape_cast %get3A_12 : vector<1x1000x1xf32> to vector<1000x1xf32>
    %get3A_14 = arith.constant 1 : index
    %get3A_15 = arith.constant 0 : index
    %get3A_16 = arith.constant 0 : index
    %get3A_17 = vector.load %arg2[%get3A_14, %get3A_15, %get3A_16] : memref<2x1000x128xf32, #tpu.memory_space<vmem>>, vector<1x1000x1xf32>
    %get3A_18 = vector.shape_cast %get3A_17 : vector<1x1000x1xf32> to vector<1000x1xf32>
    %add3A = arith.addf %get3A_13, %get3A_18 : vector<1000x1xf32>
    %max3A = arith.constant 1.000000e+00 : f32
    %max3A_19 = vector.broadcast %max3A : f32 to vector<1000x1xf32>
    %max3A_20 = arith.maximumf %add3A, %max3A_19 : vector<1000x1xf32>
    %div3A = arith.constant 1.000000e+00 : f32
    %div3A_21 = vector.broadcast %div3A : f32 to vector<1000x1xf32>
    %div3A_22 = arith.divf %div3A_21, %max3A_20 : vector<1000x1xf32>
    %mul3A = vector.broadcast %div3A_22 : vector<1000x1xf32> to vector<1000x256xf32>
    %mul3A_23 = arith.mulf %concatenate3A, %mul3A : vector<1000x256xf32>
    %get3A_24 = arith.constant 0 : index
    %get3A_25 = arith.constant 0 : index
    %get3A_26 = vector.load %arg4[%get3A_24, %get3A_25] : memref<256x256xf32, #tpu.memory_space<vmem>>, vector<256x256xf32>
    %dot_general3A = arith.constant dense<0.000000e+00> : vector<1000x256xf32>
    %dot_general3A_27 = tpu.matmul %mul3A_23, %get3A_26, %dot_general3A {dimension_numbers = #tpu.dot_dimension_numbers<[1], [1], [0], [0], [0, 0, 1, 0], [], []>, transpose_lhs_hint = false} : vector<1000x256xf32>, vector<256x256xf32>, vector<1000x256xf32> -> vector<1000x256xf32>
    %get3A_28 = arith.constant 0 : index
    %get3A_29 = arith.constant 0 : index
    %get3A_30 = vector.load %arg5[%get3A_28, %get3A_29] : memref<1x256xf32, #tpu.memory_space<vmem>>, vector<1x256xf32>
    %get3A_31 = vector.shape_cast %get3A_30 : vector<1x256xf32> to vector<256xf32>
    %broadcast_in_dim3A = vector.shape_cast %get3A_31 : vector<256xf32> to vector<1x256xf32>
    %add3A_32 = vector.broadcast %broadcast_in_dim3A : vector<1x256xf32> to vector<1000x256xf32>
    %add3A_33 = arith.addf %dot_general3A_27, %add3A_32 : vector<1000x256xf32>
    %get3A_34 = arith.constant 0 : index
    %get3A_35 = arith.constant 0 : index
    %get3A_36 = vector.load %arg3[%get3A_34, %get3A_35] : memref<1000x256xf32, #tpu.memory_space<vmem>>, vector<1000x256xf32>
    %get3A_37 = arith.constant 0 : index
    %get3A_38 = arith.constant 0 : index
    %get3A_39 = vector.load %arg6[%get3A_37, %get3A_38] : memref<256x256xf32, #tpu.memory_space<vmem>>, vector<256x256xf32>
    %dot_general3A_40 = arith.constant dense<0.000000e+00> : vector<1000x256xf32>
    %dot_general3A_41 = tpu.matmul %get3A_36, %get3A_39, %dot_general3A_40 {dimension_numbers = #tpu.dot_dimension_numbers<[1], [1], [0], [0], [0, 0, 1, 0], [], []>, transpose_lhs_hint = false} : vector<1000x256xf32>, vector<256x256xf32>, vector<1000x256xf32> -> vector<1000x256xf32>
    %add3A_42 = arith.addf %add3A_33, %dot_general3A_41 : vector<1000x256xf32>
    %mul3A_43 = arith.mulf %add3A_42, %add3A_42 : vector<1000x256xf32>
    %reduce_sum3A = arith.constant dense<0.000000e+00> : vector<1000xf32>
    %reduce_sum3A_44 = vector.multi_reduction <add>, %mul3A_43, %reduce_sum3A [1] : vector<1000x256xf32> to vector<1000xf32>
    %broadcast_in_dim3A_45 = vector.shape_cast %reduce_sum3A_44 : vector<1000xf32> to vector<1000x1xf32>
    %sqrt3A = math.sqrt %broadcast_in_dim3A_45 : vector<1000x1xf32>
    %max3A_46 = arith.constant 9.99999996E-13 : f32
    %max3A_47 = vector.broadcast %max3A_46 : f32 to vector<1000x1xf32>
    %max3A_48 = arith.maximumf %sqrt3A, %max3A_47 : vector<1000x1xf32>
    %div3A_49 = vector.broadcast %max3A_48 : vector<1000x1xf32> to vector<1000x256xf32>
    %div3A_50 = arith.divf %add3A_42, %div3A_49 : vector<1000x256xf32>
    %swap3A = arith.constant 0 : index
    %swap3A_51 = arith.constant 0 : index
    %swap3A_52 = vector.load %arg12[%swap3A, %swap3A_51] : memref<1000x256xf32, #tpu.memory_space<vmem>>, vector<1000x256xf32>
    tpu.vector_store %arg12[%swap3A, %swap3A_51], %div3A_50 {strides = array<i32>} : memref<1000x256xf32, #tpu.memory_space<vmem>>, vector<1000x256xf32>,
    %get3A_53 = arith.constant 0 : index
    %get3A_54 = arith.constant 0 : index
    %get3A_55 = vector.load %arg7[%get3A_53, %get3A_54] : memref<1000x256xf32, #tpu.memory_space<vmem>>, vector<1000x256xf32>
    %get3A_56 = arith.constant 0 : index
    %get3A_57 = arith.constant 0 : index
    %get3A_58 = vector.load %arg8[%get3A_56, %get3A_57] : memref<32x256xf32, #tpu.memory_space<vmem>>, vector<32x256xf32>
    %dot_general3A_59 = arith.constant dense<0.000000e+00> : vector<1000x32xf32>
    %dot_general3A_60 = tpu.matmul %get3A_55, %get3A_58, %dot_general3A_59 {dimension_numbers = #tpu.dot_dimension_numbers<[1], [1], [0], [0], [0, 0, 1, 0], [], []>, transpose_lhs_hint = false} : vector<1000x256xf32>, vector<32x256xf32>, vector<1000x32xf32> -> vector<1000x32xf32>
    %get3A_61 = arith.constant 0 : index
    %get3A_62 = arith.constant 0 : index
    %get3A_63 = vector.load %arg9[%get3A_61, %get3A_62] : memref<1x32xf32, #tpu.memory_space<vmem>>, vector<1x32xf32>
    %get3A_64 = vector.shape_cast %get3A_63 : vector<1x32xf32> to vector<32xf32>
    %broadcast_in_dim3A_65 = vector.shape_cast %get3A_64 : vector<32xf32> to vector<1x32xf32>
    %add3A_66 = vector.broadcast %broadcast_in_dim3A_65 : vector<1x32xf32> to vector<1000x32xf32>
    %add3A_67 = arith.addf %dot_general3A_60, %add3A_66 : vector<1000x32xf32>
    %max3A_68 = arith.constant 0.000000e+00 : f32
    %max3A_69 = vector.broadcast %max3A_68 : f32 to vector<1000x32xf32>
    %max3A_70 = arith.maximumf %add3A_67, %max3A_69 : vector<1000x32xf32>
    %get3A_71 = arith.constant 0 : index
    %get3A_72 = arith.constant 0 : index
    %get3A_73 = vector.load %arg10[%get3A_71, %get3A_72] : memref<2x32xf32, #tpu.memory_space<vmem>>, vector<2x32xf32>
    %dot_general3A_74 = arith.constant dense<0.000000e+00> : vector<1000x2xf32>
    %dot_general3A_75 = tpu.matmul %max3A_70, %get3A_73, %dot_general3A_74 {dimension_numbers = #tpu.dot_dimension_numbers<[1], [1], [0], [0], [0, 0, 1, 0], [], []>, transpose_lhs_hint = false} : vector<1000x32xf32>, vector<2x32xf32>, vector<1000x2xf32> -> vector<1000x2xf32>
    %get3A_76 = arith.constant 0 : index
    %get3A_77 = arith.constant 0 : index
    %get3A_78 = vector.load %arg11[%get3A_76, %get3A_77] : memref<1x2xf32, #tpu.memory_space<vmem>>, vector<1x2xf32>
    %get3A_79 = vector.shape_cast %get3A_78 : vector<1x2xf32> to vector<2xf32>
    %broadcast_in_dim3A_80 = vector.shape_cast %get3A_79 : vector<2xf32> to vector<1x2xf32>
    %add3A_81 = vector.broadcast %broadcast_in_dim3A_80 : vector<1x2xf32> to vector<1000x2xf32>
    %add3A_82 = arith.addf %dot_general3A_75, %add3A_81 : vector<1000x2xf32>
    %logistic3A = arith.negf %add3A_82 : vector<1000x2xf32>
    %logistic3A_83 = math.exp %logistic3A : vector<1000x2xf32>
    %logistic3A_84 = arith.constant 1.000000e+00 : f32
    %logistic3A_85 = vector.broadcast %logistic3A_84 : f32 to vector<1000x2xf32>
    %logistic3A_86 = arith.addf %logistic3A_85, %logistic3A_83 : vector<1000x2xf32>
    %logistic3A_87 = arith.divf %logistic3A_85, %logistic3A_86 : vector<1000x2xf32>
    %swap3A_88 = arith.constant 0 : index
    %swap3A_89 = arith.constant 0 : index
    %swap3A_90 = vector.load %arg13[%swap3A_88, %swap3A_89] : memref<1000x2xf32, #tpu.memory_space<vmem>>, vector<1000x2xf32>
    tpu.vector_store %arg13[%swap3A_88, %swap3A_89], %logistic3A_87 {strides = array<i32>} : memref<1000x2xf32, #tpu.memory_space<vmem>>, vector<1000x2xf32>,
    return
  }
  func.func @transform_0(%arg0: i32) -> (i32, i32, i32) {
    %c0_i32 = arith.constant 0 : i32
    %c0_i32_0 = arith.constant 0 : i32
    %c0_i32_1 = arith.constant 0 : i32
    return %c0_i32, %arg0, %c0_i32_0 : i32, i32, i32
  }
  func.func @transform_1(%arg0: i32) -> (i32, i32, i32) {
    %c0_i32 = arith.constant 0 : i32
    %c0_i32_0 = arith.constant 0 : i32
    %c0_i32_1 = arith.constant 0 : i32
    return %c0_i32, %arg0, %c0_i32_0 : i32, i32, i32
  }
  func.func @transform_2(%arg0: i32) -> (i32, i32) {
    %c0_i32 = arith.constant 0 : i32
    %c0_i32_0 = arith.constant 0 : i32
    return %arg0, %c0_i32 : i32, i32
  }
  func.func @transform_3(%arg0: i32) -> (i32, i32) {
    %c0_i32 = arith.constant 0 : i32
    %c0_i32_0 = arith.constant 0 : i32
    %c0_i32_1 = arith.constant 0 : i32
    return %c0_i32, %c0_i32_0 : i32, i32
  }
  func.func @transform_4(%arg0: i32) -> (i32, i32) {
    %c0_i32 = arith.constant 0 : i32
    %c0_i32_0 = arith.constant 0 : i32
    %c0_i32_1 = arith.constant 0 : i32
    return %c0_i32, %c0_i32_0 : i32, i32
  }
  func.func @transform_5(%arg0: i32) -> (i32, i32) {
    %c0_i32 = arith.constant 0 : i32
    %c0_i32_0 = arith.constant 0 : i32
    %c0_i32_1 = arith.constant 0 : i32
    return %c0_i32, %c0_i32_0 : i32, i32
  }
  func.func @transform_6(%arg0: i32) -> (i32, i32) {
    %c0_i32 = arith.constant 0 : i32
    %c0_i32_0 = arith.constant 0 : i32
    return %arg0, %c0_i32 : i32, i32
  }
  func.func @transform_7(%arg0: i32) -> (i32, i32) {
    %c0_i32 = arith.constant 0 : i32
    %c0_i32_0 = arith.constant 0 : i32
    %c0_i32_1 = arith.constant 0 : i32
    return %c0_i32, %c0_i32_0 : i32, i32
  }
  func.func @transform_8(%arg0: i32) -> (i32, i32) {
    %c0_i32 = arith.constant 0 : i32
    %c0_i32_0 = arith.constant 0 : i32
    %c0_i32_1 = arith.constant 0 : i32
    return %c0_i32, %c0_i32_0 : i32, i32
  }
  func.func @transform_9(%arg0: i32) -> (i32, i32) {
    %c0_i32 = arith.constant 0 : i32
    %c0_i32_0 = arith.constant 0 : i32
    %c0_i32_1 = arith.constant 0 : i32
    return %c0_i32, %c0_i32_0 : i32, i32
  }
  func.func @transform_10(%arg0: i32) -> (i32, i32) {
    %c0_i32 = arith.constant 0 : i32
    %c0_i32_0 = arith.constant 0 : i32
    %c0_i32_1 = arith.constant 0 : i32
    return %c0_i32, %c0_i32_0 : i32, i32
  }
  func.func @transform_11(%arg0: i32) -> (i32, i32) {
    %c0_i32 = arith.constant 0 : i32
    %c0_i32_0 = arith.constant 0 : i32
    return %arg0, %c0_i32 : i32, i32
  }
  func.func @transform_12(%arg0: i32) -> (i32, i32) {
    %c0_i32 = arith.constant 0 : i32
    %c0_i32_0 = arith.constant 0 : i32
    return %arg0, %c0_i32 : i32, i32
  }
}

module attributes {stable_mosaic.version = 14 : i64} {
  func.func @_dense1_body(%arg0: i32, %arg1: memref<2x1000x128xf32, #tpu.memory_space<vmem>>, %arg2: memref<2x1000x128xf32, #tpu.memory_space<vmem>>, %arg3: memref<1000x256xf32, #tpu.memory_space<vmem>>, %arg4: memref<256x256xf32, #tpu.memory_space<vmem>>, %arg5: memref<1x256xf32, #tpu.memory_space<vmem>>, %arg6: memref<256x256xf32, #tpu.memory_space<vmem>>, %arg7: memref<1000x256xf32, #tpu.memory_space<vmem>>) attributes {dimension_semantics = [#tpu.dimension_semantics<arbitrary>], iteration_bounds = array<i64: 10>, scalar_prefetch = 0 : i64, scratch_operands = 0 : i64, tpu.core_type = #tpu.core_type<tc>, window_params = [{transform_indices = @transform_0, window_bounds = array<i64: 2, 1000, 128>}, {transform_indices = @transform_1, window_bounds = array<i64: 2, 1000, 128>}, {transform_indices = @transform_2, window_bounds = array<i64: 1000, 256>}, {pipeline_mode = #tpu.pipeline_mode<synchronous>, transform_indices = @transform_3, window_bounds = array<i64: 256, 256>}, {pipeline_mode = #tpu.pipeline_mode<synchronous>, transform_indices = @transform_4, window_bounds = array<i64: 1, 256>}, {pipeline_mode = #tpu.pipeline_mode<synchronous>, transform_indices = @transform_5, window_bounds = array<i64: 256, 256>}, {transform_indices = @transform_6, window_bounds = array<i64: 1000, 256>}]} {
    %get3A = arith.constant 0 : index
    %get3A_0 = arith.constant 0 : index
    %get3A_1 = arith.constant 0 : index
    %get3A_2 = vector.load %arg1[%get3A, %get3A_0, %get3A_1] : memref<2x1000x128xf32, #tpu.memory_space<vmem>>, vector<1x1000x128xf32>
    %get3A_3 = vector.shape_cast %get3A_2 : vector<1x1000x128xf32> to vector<1000x128xf32>
    %get3A_4 = arith.constant 1 : index
    %get3A_5 = arith.constant 0 : index
    %get3A_6 = arith.constant 0 : index
    %get3A_7 = vector.load %arg1[%get3A_4, %get3A_5, %get3A_6] : memref<2x1000x128xf32, #tpu.memory_space<vmem>>, vector<1x1000x128xf32>
    %get3A_8 = vector.shape_cast %get3A_7 : vector<1x1000x128xf32> to vector<1000x128xf32>
    %concatenate3A = tpu.concatenate %get3A_3, %get3A_8 in 1 : vector<1000x128xf32>, vector<1000x128xf32> -> vector<1000x256xf32>
    %get3A_9 = arith.constant 0 : index
    %get3A_10 = arith.constant 0 : index
    %get3A_11 = arith.constant 0 : index
    %get3A_12 = vector.load %arg2[%get3A_9, %get3A_10, %get3A_11] : memref<2x1000x128xf32, #tpu.memory_space<vmem>>, vector<1x1000x1xf32>
    %get3A_13 = vector.shape_cast %get3A_12 : vector<1x1000x1xf32> to vector<1000x1xf32>
    %get3A_14 = arith.constant 1 : index
    %get3A_15 = arith.constant 0 : index
    %get3A_16 = arith.constant 0 : index
    %get3A_17 = vector.load %arg2[%get3A_14, %get3A_15, %get3A_16] : memref<2x1000x128xf32, #tpu.memory_space<vmem>>, vector<1x1000x1xf32>
    %get3A_18 = vector.shape_cast %get3A_17 : vector<1x1000x1xf32> to vector<1000x1xf32>
    %add3A = arith.addf %get3A_13, %get3A_18 : vector<1000x1xf32>
    %max3A = arith.constant 1.000000e+00 : f32
    %max3A_19 = vector.broadcast %max3A : f32 to vector<1000x1xf32>
    %max3A_20 = arith.maximumf %add3A, %max3A_19 : vector<1000x1xf32>
    %div3A = arith.constant 1.000000e+00 : f32
    %div3A_21 = vector.broadcast %div3A : f32 to vector<1000x1xf32>
    %div3A_22 = arith.divf %div3A_21, %max3A_20 : vector<1000x1xf32>
    %mul3A = vector.broadcast %div3A_22 : vector<1000x1xf32> to vector<1000x256xf32>
    %mul3A_23 = arith.mulf %concatenate3A, %mul3A : vector<1000x256xf32>
    %get3A_24 = arith.constant 0 : index
    %get3A_25 = arith.constant 0 : index
    %get3A_26 = vector.load %arg4[%get3A_24, %get3A_25] : memref<256x256xf32, #tpu.memory_space<vmem>>, vector<256x256xf32>
    %dot_general3A = arith.constant dense<0.000000e+00> : vector<1000x256xf32>
    %dot_general3A_27 = tpu.matmul %mul3A_23, %get3A_26, %dot_general3A {dimension_numbers = #tpu.dot_dimension_numbers<[1], [1], [0], [0], [0, 0, 1, 0], [], []>, transpose_lhs_hint = false} : vector<1000x256xf32>, vector<256x256xf32>, vector<1000x256xf32> -> vector<1000x256xf32>
    %get3A_28 = arith.constant 0 : index
    %get3A_29 = arith.constant 0 : index
    %get3A_30 = vector.load %arg5[%get3A_28, %get3A_29] : memref<1x256xf32, #tpu.memory_space<vmem>>, vector<1x256xf32>
    %get3A_31 = vector.shape_cast %get3A_30 : vector<1x256xf32> to vector<256xf32>
    %broadcast_in_dim3A = vector.shape_cast %get3A_31 : vector<256xf32> to vector<1x256xf32>
    %add3A_32 = vector.broadcast %broadcast_in_dim3A : vector<1x256xf32> to vector<1000x256xf32>
    %add3A_33 = arith.addf %dot_general3A_27, %add3A_32 : vector<1000x256xf32>
    %get3A_34 = arith.constant 0 : index
    %get3A_35 = arith.constant 0 : index
    %get3A_36 = vector.load %arg3[%get3A_34, %get3A_35] : memref<1000x256xf32, #tpu.memory_space<vmem>>, vector<1000x256xf32>
    %get3A_37 = arith.constant 0 : index
    %get3A_38 = arith.constant 0 : index
    %get3A_39 = vector.load %arg6[%get3A_37, %get3A_38] : memref<256x256xf32, #tpu.memory_space<vmem>>, vector<256x256xf32>
    %dot_general3A_40 = arith.constant dense<0.000000e+00> : vector<1000x256xf32>
    %dot_general3A_41 = tpu.matmul %get3A_36, %get3A_39, %dot_general3A_40 {dimension_numbers = #tpu.dot_dimension_numbers<[1], [1], [0], [0], [0, 0, 1, 0], [], []>, transpose_lhs_hint = false} : vector<1000x256xf32>, vector<256x256xf32>, vector<1000x256xf32> -> vector<1000x256xf32>
    %add3A_42 = arith.addf %add3A_33, %dot_general3A_41 : vector<1000x256xf32>
    %mul3A_43 = arith.mulf %add3A_42, %add3A_42 : vector<1000x256xf32>
    %reduce_sum3A = arith.constant dense<0.000000e+00> : vector<1000xf32>
    %reduce_sum3A_44 = vector.multi_reduction <add>, %mul3A_43, %reduce_sum3A [1] : vector<1000x256xf32> to vector<1000xf32>
    %broadcast_in_dim3A_45 = vector.shape_cast %reduce_sum3A_44 : vector<1000xf32> to vector<1000x1xf32>
    %sqrt3A = math.sqrt %broadcast_in_dim3A_45 : vector<1000x1xf32>
    %max3A_46 = arith.constant 9.99999996E-13 : f32
    %max3A_47 = vector.broadcast %max3A_46 : f32 to vector<1000x1xf32>
    %max3A_48 = arith.maximumf %sqrt3A, %max3A_47 : vector<1000x1xf32>
    %div3A_49 = vector.broadcast %max3A_48 : vector<1000x1xf32> to vector<1000x256xf32>
    %div3A_50 = arith.divf %add3A_42, %div3A_49 : vector<1000x256xf32>
    %swap3A = arith.constant 0 : index
    %swap3A_51 = arith.constant 0 : index
    %swap3A_52 = vector.load %arg7[%swap3A, %swap3A_51] : memref<1000x256xf32, #tpu.memory_space<vmem>>, vector<1000x256xf32>
    tpu.vector_store %arg7[%swap3A, %swap3A_51], %div3A_50 {strides = array<i32>} : memref<1000x256xf32, #tpu.memory_space<vmem>>, vector<1000x256xf32>,
    return
  }
  func.func @transform_0(%arg0: i32) -> (i32, i32, i32) {
    %c0_i32 = arith.constant 0 : i32
    %c0_i32_0 = arith.constant 0 : i32
    %c0_i32_1 = arith.constant 0 : i32
    return %c0_i32, %arg0, %c0_i32_0 : i32, i32, i32
  }
  func.func @transform_1(%arg0: i32) -> (i32, i32, i32) {
    %c0_i32 = arith.constant 0 : i32
    %c0_i32_0 = arith.constant 0 : i32
    %c0_i32_1 = arith.constant 0 : i32
    return %c0_i32, %arg0, %c0_i32_0 : i32, i32, i32
  }
  func.func @transform_2(%arg0: i32) -> (i32, i32) {
    %c0_i32 = arith.constant 0 : i32
    %c0_i32_0 = arith.constant 0 : i32
    return %arg0, %c0_i32 : i32, i32
  }
  func.func @transform_3(%arg0: i32) -> (i32, i32) {
    %c0_i32 = arith.constant 0 : i32
    %c0_i32_0 = arith.constant 0 : i32
    %c0_i32_1 = arith.constant 0 : i32
    return %c0_i32, %c0_i32_0 : i32, i32
  }
  func.func @transform_4(%arg0: i32) -> (i32, i32) {
    %c0_i32 = arith.constant 0 : i32
    %c0_i32_0 = arith.constant 0 : i32
    %c0_i32_1 = arith.constant 0 : i32
    return %c0_i32, %c0_i32_0 : i32, i32
  }
  func.func @transform_5(%arg0: i32) -> (i32, i32) {
    %c0_i32 = arith.constant 0 : i32
    %c0_i32_0 = arith.constant 0 : i32
    %c0_i32_1 = arith.constant 0 : i32
    return %c0_i32, %c0_i32_0 : i32, i32
  }
  func.func @transform_6(%arg0: i32) -> (i32, i32) {
    %c0_i32 = arith.constant 0 : i32
    %c0_i32_0 = arith.constant 0 : i32
    return %arg0, %c0_i32 : i32, i32
  }
}

</mosaic_0001>

<sc_bundles>
// kernel: kernel.10.cloned.1.call-start
scs
__scs_entry_jumppad:
0x0: {  	(pc) =	sbr.rel $0x88, $3  }
0x1: {  	(tag) =	ssettag $0x0;
	lr =	simm.s32 $0x1  }
0x2: {  	[smem:$0x3F94] =	sst lr;
	_ =	strace $0xD0000000  }
0x3: {  	_ = 	snop  }
0x4: {  	_ = 	snop  }
0x5: {  	_ = 	snop  }
0x6: {  	_ = 	snop  }
0x7: {  	_ = 	snop  }
__scs_overlays_trampoline_lowered:
0x8: {  	[smem:$0x3FA3] =	sst s0  }
0x9: {  	[smem:$0x3FA4] =	sst s1  }
0xa: {  	[smem:$0x3FA5] =	sst s2  }
0xb: {  	[smem:$0x3FA6] =	sst s3  }
0xc: {  	[smem:$0x3FA7] =	sst s4  }
0xd: {  	[smem:$0x3FA8] =	sst s5  }
0xe: {  	[smem:$0x3FA9] =	sst s6  }
0xf: {  	[smem:$0x3FAA] =	sst s7  }
0x10: {  	[smem:$0x3FAB] =	sst s8  }
0x11: {  	[smem:$0x3FAC] =	sst s9;
	s0 =	simm.s32 @!p0 $0x0  }
0x12: {  	s1 =	sld [smem:$0x3F92];
	s0 =	simm.s32 @p0 $0x1  }
0x13: {  	[smem:$0x3FAD] =	sst s0;
	s0 =	simm.s32 @!p1 $0x0  }
0x14: {  	s2 =	sld [smem:$0x3F91];
	s0 =	simm.s32 @p1 $0x1  }
0x15: {  	[smem:$0x3FAE] =	sst s0;
	s0 =	simm.s32 @!p2 $0x0  }
0x16: {  	s3 =	sld [smem:$0x3FDB];
	s0 =	simm.s32 @p2 $0x1  }
0x17: {  	s4 =	simm.s32 $0x1BF5;
	[smem:$0x3FB0] =	sst s0  }
0x18: {  	s0 =	sld [smem:$0x3F93];
	_ =	swait.ge [sflag:s4], $0x0  }
0x19: {  	s7 =	sld [smem:$0x3F94]  }
0x1a: {  	s8 =	sadd.s32 $0xFFFFE003, lr  }
0x1b: {  	s9 =	sadd.s32 $0xFFFFFEF7, lr;
	s5 =	simm.s32 $0xFFFFFFFF;
	p2 =	slt.u32 s8, $0xFFFFF086  }
0x1c: {  	p1 =	slt.u32 s9, $0xF7A;
	s5 =	simm.s32 @!p2 $0x0  }
0x1d: {  	s5 =	simm.s32 @p1 $0x1;
	p0 =	seq.s32 s7, s2  }
0x1e: {  	s7 =	smul.u32 @!p0 $0xF7A, s2;
	p2 =	seq.s32 @!p0 s5, $0x0  }
0x1f: {  	s9 =	smul.u32 $0xF7A, s1;
	s8 =	simm.s32 @!p0 $0x1BF5;
	p2 =	por !p2, p0  }
0x20: {  	[sflag:s8] =	ssyncset.s32 @!p0 $0xFFFFF086;
	s6 =	sadd.s32 @!p0 s3, s7;
	s7 =	simm.s32 @!p0 $0x108  }
0x21: {  	s3 =	sadd.s32 s3, s9;
	s6 =	sadd.s32 @!p0 $0x88, s6;
	s7 =	simm.s32 @p2 $0x1082  }
0x22: {  	[simem:s7], [sflag:s8] =	dma.local @!p0 [hbm:s6], $0xF7A  }
0x23: {  	s9 =	sor.u32 $0xD0000000, s2;
	s6 =	simm.s32 $0x108;
	_ =	swait.ge @!p0 [sflag:s8], $0x0  }
0x24: {  	s3 =	sadd.s32 $0x88, s3;
	s6 =	simm.s32 @!p1 $0x1082;
	[sflag:s4] =	ssyncset.s32 $0xFFFFF086  }
0x25: {  	[simem:s6], [sflag:s4] =	dma.local [hbm:s3], $0xF7A  }
0x26: {  	[smem:$0x3F94] =	sst s1;
	(tag) =	ssettag s2;
	_ =	strace s9  }
0x27: {  	s1 =	sld [smem:$0x3FA4]  }
0x28: {  	s2 =	sld [smem:$0x3FA5]  }
0x29: {  	s4 =	sld [smem:$0x3FA7]  }
0x2a: {  	p0 =	seq.s32 s5, $0x0;
	s5 =	sld [smem:$0x3FA8]  }
0x2b: {  	s6 =	sld [smem:$0x3FA9]  }
0x2c: {  	s7 =	sld [smem:$0x3FAA]  }
0x2d: {  	s3 =	simm.s32 $0x108;
	s8 =	sld [smem:$0x3FAB]  }
0x2e: {  	s3 =	simm.s32 @!p0 $0x1082;
	s9 =	sld [smem:$0x3FAC]  }
0x2f: {  	lr =	sadd.s32 s0, s3;
	s0 =	sld [smem:$0x3FA3]  }
0x30: {  	s3 =	sld [smem:$0x3FA6]  }
0x31: {  	[smem:$0x3FAF] =	sst s10  }
0x32: {  	s10 =	sld [smem:$0x3FAD];
	_ =	sdelay $0x3  }
0x33: {  	p0 =	seq.s32 s10, $0x1;
	s10 =	sld [smem:$0x3FAF];
	_ =	sdelay $0x3  }
0x34: {  	[smem:$0x3FAF] =	sst s10  }
0x35: {  	s10 =	sld [smem:$0x3FAE];
	_ =	sdelay $0x3  }
0x36: {  	p1 =	seq.s32 s10, $0x1;
	s10 =	sld [smem:$0x3FAF];
	_ =	sdelay $0x3  }
0x37: {  	[smem:$0x3FAF] =	sst s10  }
0x38: {  	s10 =	sld [smem:$0x3FB0]  }
0x39: {  	_ = 	snop;
	(pc) =	sbr.ind lr, $3  }
0x3a: {  	_ = 	snop  }
0x3b: {  	_ = 	snop  }
0x3c: {  	p2 =	seq.s32 s10, $0x1;
	s10 =	sld [smem:$0x3FAF]  }
0x3d: {  	_ =	shalt  }
0x3e: {  	_ =	shalt  }
0x3f: {  	_ =	shalt  }
0x40: {  	_ =	shalt  }
0x41: {  	_ =	shalt  }
0x42: {  	_ =	shalt  }
0x43: {  	_ =	shalt  }
0x44: {  	_ =	shalt  }
0x45: {  	_ =	shalt  }
0x46: {  	_ =	shalt  }
0x47: {  	_ =	shalt  }
0x48: {  	_ =	shalt  }
0x49: {  	_ =	shalt  }
0x4a: {  	_ =	shalt  }
0x4b: {  	_ =	shalt  }
0x4c: {  	_ =	shalt  }
0x4d: {  	_ =	shalt  }
0x4e: {  	_ =	shalt  }
0x4f: {  	_ =	shalt  }
0x50: {  	_ =	shalt  }
0x51: {  	_ =	shalt  }
0x52: {  	_ =	shalt  }
0x53: {  	_ =	shalt  }
0x54: {  	_ =	shalt  }
0x55: {  	_ =	shalt  }
0x56: {  	_ =	shalt  }
0x57: {  	_ =	shalt  }
0x58: {  	_ =	shalt  }
0x59: {  	_ =	shalt  }
0x5a: {  	_ =	shalt  }
0x5b: {  	_ =	shalt  }
0x5c: {  	_ =	shalt  }
0x5d: {  	_ =	shalt  }
0x5e: {  	_ =	shalt  }
0x5f: {  	_ =	shalt  }
0x60: {  	_ =	shalt  }
0x61: {  	_ =	shalt  }
0x62: {  	_ =	shalt  }
0x63: {  	_ =	shalt  }
0x64: {  	_ =	shalt  }
0x65: {  	_ =	shalt  }
0x66: {  	_ =	shalt  }
0x67: {  	_ =	shalt  }
0x68: {  	_ =	shalt  }
0x69: {  	_ =	shalt  }
0x6a: {  	_ =	shalt  }
0x6b: {  	_ =	shalt  }
0x6c: {  	_ =	shalt  }
0x6d: {  	_ =	shalt  }
0x6e: {  	_ =	shalt  }
0x6f: {  	_ =	shalt  }
0x70: {  	_ =	shalt  }
0x71: {  	_ =	shalt  }
0x72: {  	_ =	shalt  }
0x73: {  	_ =	shalt  }
0x74: {  	_ =	shalt  }
0x75: {  	_ =	shalt  }
0x76: {  	_ =	shalt  }
0x77: {  	_ =	shalt  }
0x78: {  	_ =	shalt  }
0x79: {  	_ =	shalt  }
0x7a: {  	_ =	shalt  }
0x7b: {  	_ =	shalt  }
0x7c: {  	_ =	shalt  }
0x7d: {  	_ =	shalt  }
0x7e: {  	_ =	shalt  }
0x7f: {  	_ =	shalt  }
0x80: {  	_ =	shalt  }
0x81: {  	_ =	shalt  }
0x82: {  	_ =	shalt  }
0x83: {  	_ =	shalt  }
0x84: {  	_ =	shalt  }
0x85: {  	_ =	shalt  }
0x86: {  	_ =	shalt  }
0x87: {  	_ =	shalt  }
.Lfunc_end0:
.L_simem_size_0:
called_computation.1_lowered:
.L_overlay_start_0:
0x88: {  	s2 =	sld [smem:$0x3FD9]  }
0x89: {  	s3 =	sld [smem:$0x3FFE];
	_ =	sdelay $0x1  }
0x8a: {  	s1 =	srdreg.scid  }
0x8b: {  	s0 =	sand.u32 $0x1, s1  }
0x8c: {  	s14 =	sshll.u32 s0, $0xA;
	s2 =	sadd.s32 s3, s2  }
0x8d: {  	s2 =	sadd.s32 s2, s14  }
0x8e: {  	[smem:$0x3FBB] =	sst s2  }
0x8f: {  	_ = 	snop  }
0x90: {  	s2 =	sld [smem:$0x3FD0];
	_ =	sdelay $0x2  }
0x91: {  	s15 =	simm.s32 $0xB;
	s4 =	simm.s32 $0x10  }
0x92: {  	[smem:s4], [sflag:s15] =	dma.local [hbm:s2], $0x1  }
0x93: {  	_ =	swait.eq [sflag:s15], $0x1  }
0x94: {  	[sflag:s15] =	ssyncset.done $0x0  }
0x95: {  	[sflag:s15] =	ssyncadd.s32 $0xFFFFFFFF  }
0x96: {  	s16 =	sld [smem:$0x10];
	(tm) =	ssettm $0x1  }
0x97: {  	s17 =	sld [smem:$0x3FFB];
	_ =	sdelay $0x3  }
0x98: {  	_ =	strace s17  }
0x99: {  	s3 =	sld [smem:$0x3FFC];
	_ =	sdelay $0x3  }
0x9a: {  	_ =	strace s3  }
0x9b: {  	s3 =	sld [smem:$0x3FFD];
	_ =	sdelay $0x3  }
0x9c: {  	_ =	strace s3  }
0x9d: {  	_ =	strace $0x8FFFFFFF  }
0x9e: {  	s18 =	sld [smem:$0x3FDB];
	_ =	sdelay $0x1  }
0x9f: {  	s19 =	simm.s32 $_scs_section_size  }
0xa0: {  	s5 =	simm.s32 $_size__tile_overlayer_lowered;
	s6 =	simm.s32 $_tile_overlayer_lowered  }
0xa1: {  	s22 =	simm.s32 $0x1BFF;
	s21 =	sshll.u32 s6, $0x1;
	s3 =	sadd.s32 s19, s18  }
0xa2: {  	s7 =	simm.s32 $0x0;
	s20 =	sshll.u32 s5, $0x1;
	s5 =	sadd.s32 s21, s3  }
0xa3: {  	[timem:s7], [sflag:s22] =	dma.local [hbm:s5], s20  }
0xa4: {  	_ =	swait.ge [sflag:s22], s20  }
0xa5: {  	s4 =	ssub.s32 $0x0, s20;
	[sflag:s22] =	ssyncset.done $0x0  }
0xa6: {  	[sflag:s22] =	ssyncadd.s32 s4;
	_ =	sdelay $0x1  }
0xa7: {  	s23 =	simm.s32 $0x1B8B  }
0xa8: {  	_ =	swait.ge [sflag:s23], $0x1  }
0xa9: {  	[sflag:s23] =	ssyncset.done $0x0  }
0xaa: {  	s25 =	simm.s32 $0x1B8E;
	s24 =	sld [smem:$0x3FFE];
	[sflag:s23] =	ssyncadd.s32 $0xFFFFFFFF  }
0xab: {  	s26 =	simm.s32 $execute0_lowered;
	[smem:$0x3FD2] =	sst s25  }
0xac: {  	s5 =	sshll.u32 s26, $0x1;
	_ =	strace $0x80000046;
	[dreg:$0x1] =	wrdreg $0xFFFFFFFF  }
0xad: {  	s28 =	simm.s32 $_size_execute0_lowered;
	s3 =	sadd.s32 s3, s5;
	[dreg:$0x0] =	wrdreg $0x0  }
0xae: {  	s5 =	sshll.u32 s28, $0x1;
	[dreg:$0x2] =	wrdreg s3  }
0xaf: {  	[dreg:$0x3] =	wrdreg s5  }
0xb0: {  	[dreg:$0x4] =	wrdreg $0xC0  }
0xb1: {  	_ =	task [dreg:s7], $0x5FFFF  }
0xb2: {  	[dreg:$0x1] =	wrdreg $0xFFFFFFFF  }
0xb3: {  	[dreg:$0x0] =	wrdreg $0x60  }
0xb4: {  	[dreg:$0x2] =	wrdreg s16  }
0xb5: {  	[dreg:$0x3] =	wrdreg s24  }
0xb6: {  	[dreg:$0x4] =	wrdreg $0x86800  }
0xb7: {  	[dreg:$0x5] =	wrdreg $0xA  }
0xb8: {  	_ =	task.clear_ibuf [dreg:s7], $0x6FFFF;
	_ =	strace $0x90000046  }
0xb9: {  	s29 =	simm.s32 $0xA;
	_ =	strace $0x80000048  }
0xba: {  	_ =	swait.ge [sflag:s29], $0x1  }
0xbb: {  	[sflag:s29] =	ssyncadd.s32 $0xFFFFFFFF  }
0xbc: {  	_ =	strace $0x90000048  }
0xbd: {  	_ =	sfence  }
0xbe: {  	s30 =	sld [smem:$0x0];
	_ =	sdelay $0x2  }
0xbf: {  	s31 =	sshll.u32 s1, $0xD;
	s1 =	sshrl.u32 s1, $0x2  }
0xc0: {  	s3 =	sand.u32 $0x4000, s31;
	s1 =	sadd.s32 s1, s30  }
0xc1: {  	s0 =	sor.u32 s3, s0;
	s1 =	sshll.u32 s1, $0x11  }
0xc2: {  	s0 =	sor.u32 s1, s0  }
0xc3: {  	s0 =	sadd.s32 $0x8F2B, s0  }
0xc4: {  	[sflag:s0] =	ssyncadd.remote.s32 $0x1  }
0xc5: {  	_ =	sfence.sel $0xFFFF  }
0xc6: {  	[dreg:$0x0] =	wrdreg $0xFFFFFFFF;
	(pc) =	sbr.abs _section_cstart, $3  }
0xc7: {  	[dreg:$0x1] =	wrdreg $0xFFFFFFFF  }
0xc8: {  	_ =	task.clear_ibuf [dreg:s7], $0x2FFFF;
	_ =	strace $0x9FFFFFFF  }
0xc9: {  	(tm) =	ssettm $0x7FFFFFFF  }
tec
execute0_lowered:
.L_overlay_start_1:
0x0: {  	(tag) =	ssettag $0x1  }
0x1: {  	s1 =	rddreg [dreg:$0x0]  }
0x2: {  	s0 =	rddreg [dreg:$0x1]  }
0x3: {  	s2 =	rddreg [dreg:$0x2];
	s4 =	simm.s32 $0x0  }
0x4: {  	s3 =	srdreg.scid;
	s15 =	stileid.u32;
	s28 =	simm.s32 $0x180  }
0x5: {  	s29 =	simm.s32 $0x4;
	s30 =	simm.s32 $0x4200;
	s6 =	smul.u32 $0x2710, s15  }
0x6: {  	s31 =	simm.s32 $0x1;
	[smem:$0x7FF] =	sst s4;
	s9 =	smul.u32 $0x4E000, s15  }
0x7: {  	s3 =	sand.u32 $0x1, s3;
	s5 =	sadd.s32 $0x7C00, s0;
	s14 =	smul.u32 $0x2700, s15  }
0x8: {  	s11 =	sadd.s32 $0x2C00, s0;
	s0 =	sadd.s32 $0x11A00, s0;
	s24 =	smul.u32 $0x4E2, s15  }
0x9: {  	s16 =	sadd.s32 $0x138400, s2;
	p0 =	sne.s32 s15, $0xF;
	s10 =	smul.u32 $0x27100, s3  }
0xa: {  	_ =	strace $0x80000047;
	s7 =	ssub.s32 $0x2, s3;
	[dreg:$0x4] =	wrdreg s16  }
0xb: {  	s3 =	smul.u32 $0x138800, s3;
	s8 =	sshrl.u32 s7, $0x1;
	s18 =	sshrl.u32 s6, $0x3  }
0xc: {  	s19 =	sshrl.u32 s9, $0x2;
	s9 =	sadd.s32 $0x138000, s2;
	s12 =	sadd.s32 s6, s10  }
0xd: {  	s13 =	ssub.s32 s7, s8;
	s7 =	sadd.s32 s11, s18;
	s8 =	sadd.s32 s19, s2  }
0xe: {  	s10 =	sadd.s32 s14, s10;
	s3 =	sshrl.u32 s3, $0x3;
	s18 =	sadd.s32 s24, s11  }
0xf: {  	s24 =	simm.s32 $0x3;
	s11 =	simm.s32 $0x0;
	s17 =	sshrl.u32 s12, $0x3  }
0x10: {  	s21 =	sadd.s32 $0x10, s7;
	s23 =	sadd.s32 $0x4E0, s7;
	s10 =	sadd.s32 s0, s10  }
0x11: {  	s0 =	sadd.s32 s0, s3;
	s25 =	sadd.s32 $0x180, s12;
	[dreg:$0x6] =	wrdreg s21  }
0x12: {  	s19 =	sadd.s32 $0x100, s12;
	s3 =	simm.s32 $0x8200;
	[dreg:$0x8] =	wrdreg s23  }
0x13: {  	s6 =	sadd.s32 s5, s17;
	[dreg:$0x9] =	wrdreg s10;
	s0 =	sadd.s32 $0x27000, s0  }
0x14: {  	s17 =	smax.u32 s13, $0x1;
	s26 =	sshrl.u32 s25, $0x3;
	s21 =	simm.s32 $0x100  }
0x15: {  	s23 =	simm.s32 $0x5;
	s20 =	sadd.s32 $0x10, s6;
	[dreg:$0xa] =	wrdreg s0  }
0x16: {  	s25 =	simm.s32 $0x80;
	s22 =	sadd.s32 $0x4E0, s6;
	[dreg:$0x5] =	wrdreg s20  }
0x17: {  	s10 =	simm.s32 $0x10;
	s0 =	simm.s32 $0x2;
	[dreg:$0x7] =	wrdreg s22  }
0x18: {  	v0 =	vimm.f32 $0.0e+00;
	s20 =	sadd.s32 s26, s5;
	s22 =	simm.s32 $0x8280;
	s26 =	simm.s32 $0x200  }
.LBB2_1:
0x19: {  	[tilespmem:s4], [sflag:$0x3] =	stream.linear.gather [hbm4b:s6+s4], $0x80, $0x38;
	[tilespmem:$0x1BF00] =	vst v63  }
0x1a: {  	_ = 	snop  }
0x1b: {  	[tilespmem:s21], [sflag:$0x3] =	stream.linear.gather [hbm4b:s7+s4], $0x80, $0x38;
	[tilespmem:$0x1BF00] =	vst v63  }
0x1c: {  	[tilespmem:$0x8280] =	vst v0  }
0x1d: {  	[tilespmem:$0x8290] =	vst v0  }
0x1e: {  	[tilespmem:$0x82A0] =	vst v0  }
0x1f: {  	[tilespmem:$0x82B0] =	vst v0  }
0x20: {  	[tilespmem:$0x82C0] =	vst v0  }
0x21: {  	[tilespmem:$0x82D0] =	vst v0  }
0x22: {  	[tilespmem:$0x82E0] =	vst v0  }
0x23: {  	[tilespmem:$0x82F0] =	vst v0  }
0x24: {  	[tilespmem:$0x8300] =	vst v0  }
0x25: {  	[tilespmem:$0x8310] =	vst v0  }
0x26: {  	[tilespmem:$0x8320] =	vst v0  }
0x27: {  	[tilespmem:$0x8330] =	vst v0  }
0x28: {  	[tilespmem:$0x8340] =	vst v0  }
0x29: {  	[tilespmem:$0x8350] =	vst v0  }
0x2a: {  	[tilespmem:$0x8360] =	vst v0  }
0x2b: {  	[tilespmem:$0x8370] =	vst v0  }
0x2c: {  	[tilespmem:$0x8380] =	vst v0  }
0x2d: {  	[tilespmem:$0x8390] =	vst v0  }
0x2e: {  	[tilespmem:$0x83A0] =	vst v0  }
0x2f: {  	[tilespmem:$0x83B0] =	vst v0  }
0x30: {  	[tilespmem:$0x83C0] =	vst v0  }
0x31: {  	[tilespmem:$0x83D0] =	vst v0  }
0x32: {  	[tilespmem:$0x83E0] =	vst v0  }
0x33: {  	[tilespmem:$0x83F0] =	vst v0  }
0x34: {  	[tilespmem:$0x8400] =	vst v0  }
0x35: {  	[tilespmem:$0x8410] =	vst v0  }
0x36: {  	[tilespmem:$0x8420] =	vst v0  }
0x37: {  	[tilespmem:$0x8430] =	vst v0  }
0x38: {  	[tilespmem:$0x8440] =	vst v0  }
0x39: {  	[tilespmem:$0x8450] =	vst v0  }
0x3a: {  	[tilespmem:$0x8460] =	vst v0  }
0x3b: {  	[tilespmem:$0x8470] =	vst v0  }
0x3c: {  	[tilespmem:$0x8480] =	vst v0  }
0x3d: {  	[tilespmem:$0x8490] =	vst v0  }
0x3e: {  	[tilespmem:$0x84A0] =	vst v0  }
0x3f: {  	[tilespmem:$0x84B0] =	vst v0  }
0x40: {  	[tilespmem:$0x84C0] =	vst v0  }
0x41: {  	[tilespmem:$0x84D0] =	vst v0  }
0x42: {  	[tilespmem:$0x84E0] =	vst v0  }
0x43: {  	[tilespmem:$0x84F0] =	vst v0  }
0x44: {  	[tilespmem:$0x8500] =	vst v0  }
0x45: {  	[tilespmem:$0x8510] =	vst v0  }
0x46: {  	[tilespmem:$0x8520] =	vst v0  }
0x47: {  	[tilespmem:$0x8530] =	vst v0  }
0x48: {  	[tilespmem:$0x8540] =	vst v0  }
0x49: {  	[tilespmem:$0x8550] =	vst v0  }
0x4a: {  	[tilespmem:$0x8560] =	vst v0  }
0x4b: {  	[tilespmem:$0x8570] =	vst v0  }
0x4c: {  	[tilespmem:$0x8580] =	vst v0  }
0x4d: {  	[tilespmem:$0x8590] =	vst v0  }
0x4e: {  	[tilespmem:$0x85A0] =	vst v0  }
0x4f: {  	[tilespmem:$0x85B0] =	vst v0  }
0x50: {  	[tilespmem:$0x85C0] =	vst v0  }
0x51: {  	[tilespmem:$0x85D0] =	vst v0  }
0x52: {  	[tilespmem:$0x85E0] =	vst v0  }
0x53: {  	[tilespmem:$0x85F0] =	vst v0  }
0x54: {  	[tilespmem:$0x8600] =	vst v0  }
0x55: {  	[tilespmem:$0x8610] =	vst v0  }
0x56: {  	[tilespmem:$0x8620] =	vst v0  }
0x57: {  	[tilespmem:$0x8630] =	vst v0  }
0x58: {  	[tilespmem:$0x8640] =	vst v0  }
0x59: {  	[tilespmem:$0x8650] =	vst v0  }
0x5a: {  	[tilespmem:$0x8660] =	vst v0  }
0x5b: {  	s12 =	sadd.s32 $0x0, s8;
	[tilespmem:$0x8670] =	vst v0  }
0x5c: {  	[spmem:s12] =	stream.linear.scatter [tilespmem:s22], [sflag:$0x5], $0x400, $0x38;
	[tilespmem:$0x1BF00] =	vst v63  }
0x5d: {  	s12 =	simm.s32 $0x1000;
	_ =	swait.ge [sflag:s23], $0x400  }
.LBB2_2:
0x5e: {  	s13 =	sshra.s32 s12, $0x2;
	[sflag:s23] =	ssyncset.done $0x0;
	p1 =	sne.s32 s12, $0x4D000  }
.Ltmp0:
0x5f: {  	s13 =	sadd.s32 s13, s8;
	[sflag:s23] =	ssyncadd.s32 $0xFFFFFC00;
	(pc) =	sbr.rel @p1 .LBB2_2-.Ltmp0, $3  }
0x60: {  	[spmem:s13] =	stream.linear.scatter [tilespmem:s22], [sflag:$0x5], $0x400, $0x38;
	[tilespmem:$0x1BF00] =	vst v63  }
0x61: {  	s12 =	sadd.s32 $0x1000, s12;
	_ =	sdelay $0x1  }
0x62: {  	_ =	swait.ge [sflag:s23], $0x400  }
0x63: {  	[sflag:s23] =	ssyncset.done $0x0  }
0x64: {  	s12 =	simm.s32 @!p0 $0x8280;
	s13 =	simm.s32 @!p0 $0x5;
	[sflag:s23] =	ssyncadd.s32 $0xFFFFFC00  }
0x65: {  	[spmem:s9] =	stream.linear.scatter @!p0 [tilespmem:s12], [sflag:$0x5], $0x400, $0x38;
	[tilespmem:$0x1BF00] =	vst v63  }
0x66: {  	_ =	swait.ge @!p0 [sflag:s13], $0x400  }
0x67: {  	[sflag:s13] =	ssyncset.done @!p0 $0x0  }
0x68: {  	s14 =	rddreg [dreg:$0x4];
	[sflag:s13] =	ssyncadd.s32 @!p0 $0xFFFFFC00  }
0x69: {  	[spmem:s14] =	stream.linear.scatter @!p0 [tilespmem:s12], [sflag:$0x5], $0x400, $0x38;
	[tilespmem:$0x1BF00] =	vst v63  }
0x6a: {  	_ =	swait.ge @!p0 [sflag:s13], $0x400  }
0x6b: {  	[sflag:s13] =	ssyncset.done @!p0 $0x0  }
0x6c: {  	[sflag:s13] =	ssyncadd.s32 @!p0 $0xFFFFFC00  }
0x6d: {  	[bflag:$0x0] =	sbarrier.arrive $0xFFFF  }
0x6e: {  	_ =	swait.ge [sflag:s24], $0x80  }
0x6f: {  	[sflag:s24] =	ssyncset.done $0x0  }
0x70: {  	[sflag:s24] =	ssyncadd.s32 $0xFFFFFF80  }
0x71: {  	_ =	swait.ge [sflag:s24], $0x80  }
0x72: {  	[sflag:s24] =	ssyncset.done $0x0  }
0x73: {  	s14 =	simm.s32 $0x0;
	[sflag:s24] =	ssyncadd.s32 $0xFFFFFF80  }
0x74: {  	[tilespmem:s26], [sflag:$0x1] =	stream.indirect.gather [hbm4b:s1+s25], $0x80, s14, s25, $0xb8;
	[tilespmem:$0x1BF00] =	vst v63  }
0x75: {  	s15 =	rddreg [dreg:$0x5]  }
0x76: {  	[tilespmem:s25], [sflag:$0x4] =	stream.linear.gather [hbm4b:s15+s14], $0x80, $0x38;
	[tilespmem:$0x1BF00] =	vst v63  }
0x77: {  	s16 =	rddreg [dreg:$0x6]  }
0x78: {  	[tilespmem:s28], [sflag:$0x4] =	stream.linear.gather [hbm4b:s16+s14], $0x80, $0x38;
	[tilespmem:$0x1BF00] =	vst v63  }
0x79: {  	_ =	swait.ge [sflag:s29], $0x80  }
0x7a: {  	[sflag:s29] =	ssyncset.done $0x0  }
0x7b: {  	[sflag:s29] =	ssyncadd.s32 $0xFFFFFF80  }
0x7c: {  	_ =	swait.ge [sflag:s29], $0x80  }
0x7d: {  	[sflag:s29] =	ssyncset.done $0x0  }
0x7e: {  	[sflag:s29] =	ssyncadd.s32 $0xFFFFFF80  }
0x7f: {  	[tilespmem:s30], [sflag:$0x2] =	stream.indirect.gather [hbm4b:s1+s25], $0x80, s25, s25, $0xb8;
	[tilespmem:$0x1BF00] =	vst v63  }
0x80: {  	_ =	swait.ge [sflag:s31], $0x4000  }
0x81: {  	[sflag:s31] =	ssyncset.done $0x0  }
0x82: {  	[sflag:s31] =	ssyncadd.s32 $0xFFFFC000  }
0x83: {  	[spmem:s2] =	stream.indirect.scatter.add.f32 [tilespmem:s26], [sflag:$0x5], $0x80, s21, s25, $0xb8;
	[tilespmem:$0x1BF00] =	vst v63  }
0x84: {  	_ =	swait.ge [sflag:s23], $0x4000  }
0x85: {  	s13 =	sshrl.u32 s19, $0x3;
	[sflag:s23] =	ssyncset.done $0x0  }
0x86: {  	s12 =	sadd.s32 s5, s13;
	s14 =	sadd.s32 $0x0, s18;
	[sflag:s23] =	ssyncadd.s32 $0xFFFFC000  }
0x87: {  	[tilespmem:s4], [sflag:$0x3] =	stream.linear.gather [hbm4b:s12+s4], $0x80, $0x38;
	[tilespmem:$0x1BF00] =	vst v63  }
0x88: {  	s15 =	sadd.s32 $0x20, s14  }
0x89: {  	[tilespmem:s21], [sflag:$0x3] =	stream.linear.gather [hbm4b:s15+s4], $0x80, $0x38;
	[tilespmem:$0x1BF00] =	vst v63  }
0x8a: {  	_ =	swait.ge [sflag:s24], $0x80  }
0x8b: {  	[sflag:s24] =	ssyncset.done $0x0  }
0x8c: {  	[sflag:s24] =	ssyncadd.s32 $0xFFFFFF80  }
0x8d: {  	_ =	swait.ge [sflag:s24], $0x80  }
0x8e: {  	[sflag:s24] =	ssyncset.done $0x0  }
0x8f: {  	[sflag:s24] =	ssyncadd.s32 $0xFFFFFF80  }
0x90: {  	[tilespmem:s26], [sflag:$0x1] =	stream.indirect.gather [hbm4b:s1+s25], $0x80, s4, s25, $0xb8;
	[tilespmem:$0x1BF00] =	vst v63  }
0x91: {  	_ =	swait.ge [sflag:s0], $0x4000  }
0x92: {  	[sflag:s0] =	ssyncset.done $0x0  }
0x93: {  	[sflag:s0] =	ssyncadd.s32 $0xFFFFC000  }
0x94: {  	[spmem:s2] =	stream.indirect.scatter.add.f32 [tilespmem:s30], [sflag:$0x5], $0x80, s28, s25, $0xb8;
	[tilespmem:$0x1BF00] =	vst v63  }
0x95: {  	_ =	swait.ge [sflag:s23], $0x4000  }
0x96: {  	s13 =	sadd.s32 $0x100, s19;
	s16 =	sadd.s32 $0x0, s20;
	[sflag:s23] =	ssyncset.done $0x0  }
0x97: {  	s14 =	sadd.s32 $0x30, s14;
	s12 =	simm.s32 $0x20;
	[sflag:s23] =	ssyncadd.s32 $0xFFFFC000  }
0x98: {  	[tilespmem:s25], [sflag:$0x4] =	stream.linear.gather [hbm4b:s16+s4], $0x80, $0x38;
	[tilespmem:$0x1BF00] =	vst v63  }
.LBB2_4:
0x99: {  	[tilespmem:s28], [sflag:$0x4] =	stream.linear.gather [hbm4b:s14+s4], $0x80, $0x38;
	[tilespmem:$0x1BF00] =	vst v63  }
0x9a: {  	s14 =	smov.u32 s12  }
0x9b: {  	p1 =	sne.s32 s12, $0x4A0;
	s12 =	sadd.s32 $0x20, s12;
	_ =	swait.ge [sflag:s29], $0x80  }
0x9c: {  	[sflag:s29] =	ssyncset.done $0x0  }
0x9d: {  	[sflag:s29] =	ssyncadd.s32 $0xFFFFFF80  }
0x9e: {  	_ =	swait.ge [sflag:s29], $0x80  }
0x9f: {  	[sflag:s29] =	ssyncset.done $0x0  }
0xa0: {  	[sflag:s29] =	ssyncadd.s32 $0xFFFFFF80  }
0xa1: {  	[tilespmem:s30], [sflag:$0x2] =	stream.indirect.gather [hbm4b:s1+s25], $0x80, s25, s25, $0xb8;
	[tilespmem:$0x1BF00] =	vst v63  }
0xa2: {  	_ =	swait.ge [sflag:s31], $0x4000  }
0xa3: {  	[sflag:s31] =	ssyncset.done $0x0  }
0xa4: {  	[sflag:s31] =	ssyncadd.s32 $0xFFFFC000  }
0xa5: {  	[spmem:s2] =	stream.indirect.scatter.add.f32 [tilespmem:s26], [sflag:$0x5], $0x80, s21, s25, $0xb8;
	[tilespmem:$0x1BF00] =	vst v63  }
0xa6: {  	_ =	swait.ge [sflag:s23], $0x4000  }
0xa7: {  	s15 =	sshrl.u32 s13, $0x3;
	[sflag:s23] =	ssyncset.done $0x0  }
0xa8: {  	s15 =	sadd.s32 s5, s15;
	s16 =	sadd.s32 s14, s18;
	[sflag:s23] =	ssyncadd.s32 $0xFFFFC000  }
0xa9: {  	[tilespmem:s4], [sflag:$0x3] =	stream.linear.gather [hbm4b:s15+s4], $0x80, $0x38;
	[tilespmem:$0x1BF00] =	vst v63  }
0xaa: {  	s15 =	sadd.s32 $0x20, s16  }
0xab: {  	[tilespmem:s21], [sflag:$0x3] =	stream.linear.gather [hbm4b:s15+s4], $0x80, $0x38;
	[tilespmem:$0x1BF00] =	vst v63  }
0xac: {  	_ =	swait.ge [sflag:s24], $0x80  }
0xad: {  	[sflag:s24] =	ssyncset.done $0x0  }
0xae: {  	[sflag:s24] =	ssyncadd.s32 $0xFFFFFF80  }
0xaf: {  	_ =	swait.ge [sflag:s24], $0x80  }
0xb0: {  	[sflag:s24] =	ssyncset.done $0x0  }
0xb1: {  	[sflag:s24] =	ssyncadd.s32 $0xFFFFFF80  }
0xb2: {  	[tilespmem:s26], [sflag:$0x1] =	stream.indirect.gather [hbm4b:s1+s25], $0x80, s4, s25, $0xb8;
	[tilespmem:$0x1BF00] =	vst v63  }
0xb3: {  	_ =	swait.ge [sflag:s0], $0x4000  }
0xb4: {  	[sflag:s0] =	ssyncset.done $0x0  }
0xb5: {  	[sflag:s0] =	ssyncadd.s32 $0xFFFFC000  }
0xb6: {  	[spmem:s2] =	stream.indirect.scatter.add.f32 [tilespmem:s30], [sflag:$0x5], $0x80, s28, s25, $0xb8;
	[tilespmem:$0x1BF00] =	vst v63  }
.Ltmp1:
0xb7: {  	_ =	swait.ge [sflag:s23], $0x4000;
	(pc) =	sbr.rel @p1 .LBB2_4-.Ltmp1, $4  }
0xb8: {  	[sflag:s23] =	ssyncset.done $0x0  }
0xb9: {  	s14 =	sadd.s32 s14, s20;
	[sflag:s23] =	ssyncadd.s32 $0xFFFFC000  }
0xba: {  	[tilespmem:s25], [sflag:$0x4] =	stream.linear.gather [hbm4b:s14+s4], $0x80, $0x38;
	[tilespmem:$0x1BF00] =	vst v63  }
0xbb: {  	s13 =	sadd.s32 $0x100, s13;
	s14 =	sadd.s32 $0x30, s16  }
0xbc: {  	[tilespmem:s28], [sflag:$0x4] =	stream.linear.gather [hbm4b:s14+s4], $0x80, $0x38;
	[tilespmem:$0x1BF00] =	vst v63  }
0xbd: {  	_ =	swait.ge [sflag:s29], $0x80  }
0xbe: {  	[sflag:s29] =	ssyncset.done $0x0  }
0xbf: {  	[sflag:s29] =	ssyncadd.s32 $0xFFFFFF80  }
0xc0: {  	_ =	swait.ge [sflag:s29], $0x80  }
0xc1: {  	[sflag:s29] =	ssyncset.done $0x0  }
0xc2: {  	[sflag:s29] =	ssyncadd.s32 $0xFFFFFF80  }
0xc3: {  	[tilespmem:s30], [sflag:$0x2] =	stream.indirect.gather [hbm4b:s1+s25], $0x80, s25, s25, $0xb8;
	[tilespmem:$0x1BF00] =	vst v63  }
0xc4: {  	_ =	swait.ge [sflag:s31], $0x4000  }
0xc5: {  	[sflag:s31] =	ssyncset.done $0x0  }
0xc6: {  	[sflag:s31] =	ssyncadd.s32 $0xFFFFC000  }
0xc7: {  	[spmem:s2] =	stream.indirect.scatter.add.f32 [tilespmem:s26], [sflag:$0x5], $0x80, s21, s25, $0xb8;
	[tilespmem:$0x1BF00] =	vst v63  }
0xc8: {  	_ =	swait.ge [sflag:s23], $0x4000  }
0xc9: {  	[sflag:s23] =	ssyncset.done $0x0  }
0xca: {  	[sflag:s23] =	ssyncadd.s32 $0xFFFFC000  }
0xcb: {  	_ =	swait.ge [sflag:s0], $0x4000  }
0xcc: {  	[sflag:s0] =	ssyncset.done $0x0  }
0xcd: {  	[sflag:s0] =	ssyncadd.s32 $0xFFFFC000  }
0xce: {  	[spmem:s2] =	stream.indirect.scatter.add.f32 [tilespmem:s30], [sflag:$0x5], $0x80, s28, s25, $0xb8;
	[tilespmem:$0x1BF00] =	vst v63  }
0xcf: {  	_ =	swait.ge [sflag:s23], $0x4000  }
0xd0: {  	[sflag:s23] =	ssyncset.done $0x0  }
0xd1: {  	s12 =	rddreg [dreg:$0x7];
	[sflag:s23] =	ssyncadd.s32 $0xFFFFC000  }
0xd2: {  	[tilespmem:s3], [sflag:$0x3] =	stream.linear.gather [hbm4b:s12+s4], $0x10, $0x38;
	[tilespmem:$0x1BF00] =	vst v63  }
0xd3: {  	_ =	swait.ge [sflag:s24], $0x10  }
0xd4: {  	[sflag:s24] =	ssyncset.done $0x0  }
0xd5: {  	[sflag:s24] =	ssyncadd.s32 $0xFFFFFFF0  }
0xd6: {  	[tilespmem:s26], [sflag:$0x1] =	stream.indirect.gather [hbm4b:s1+s10], $0x80, s3, s10, $0xb8;
	[tilespmem:$0x1BF00] =	vst v63  }
0xd7: {  	_ =	swait.ge [sflag:s31], $0x800  }
0xd8: {  	[sflag:s31] =	ssyncset.done $0x0  }
0xd9: {  	s14 =	rddreg [dreg:$0x8];
	[sflag:s31] =	ssyncadd.s32 $0xFFFFF800  }
0xda: {  	[tilespmem:s3], [sflag:$0x5] =	stream.linear.gather [hbm4b:s14+s4], $0x10, $0x38;
	[tilespmem:$0x1BF00] =	vst v63  }
0xdb: {  	_ =	swait.ge [sflag:s23], $0x10  }
0xdc: {  	[sflag:s23] =	ssyncset.done $0x0  }
0xdd: {  	[sflag:s23] =	ssyncadd.s32 $0xFFFFFFF0  }
0xde: {  	[spmem:s2] =	stream.indirect.scatter.add.f32 [tilespmem:s26], [sflag:$0x5], $0x80, s3, s10, $0xb8;
	[tilespmem:$0x1BF00] =	vst v63  }
0xdf: {  	_ =	swait.ge [sflag:s23], $0x800  }
0xe0: {  	[sflag:s23] =	ssyncset.done $0x0  }
0xe1: {  	s15 =	stileid.u32;
	[sflag:s23] =	ssyncadd.s32 $0xFFFFF800  }
0xe2: {  	s12 =	sshll.u32 s15, $0x6;
	[bflag:$0x0] =	sbarrier.arrive $0xFFFF  }
0xe3: {  	s13 =	sshrl.u32 s8, $0x3;
	s12 =	sor.u32 $0x1C05, s12;
	s16 =	rddreg [dreg:$0x9]  }
0xe4: {  	[hbm:s16], [sflag:s12] =	dma.local [spmem:s13], $0x2700  }
0xe5: {  	s11 =	sadd.s32 $0x1, s11;
	_ =	swait.ge [sflag:s23], $0x2700  }
0xe6: {  	p1 =	sne.s32 s11, s17;
	[sflag:s23] =	ssyncset.done $0x0  }
0xe7: {  	s13 =	sshrl.u32 @!p0 s9, $0x3;
	s14 =	rddreg [dreg:$0xa];
	[sflag:s23] =	ssyncadd.s32 $0xFFFFD900  }
0xe8: {  	[hbm:s14], [sflag:s12] =	dma.local @!p0 [spmem:s13], $0x100  }
.Ltmp2:
0xe9: {  	_ = 	snop;
	(pc) =	sbr.rel @p1 .LBB2_1-.Ltmp2, $4  }
0xea: {  	s12 =	simm.s32 @!p0 $0x5  }
0xeb: {  	_ =	swait.ge @!p0 [sflag:s12], $0x100  }
0xec: {  	[sflag:s12] =	ssyncset.done @!p0 $0x0  }
0xed: {  	[sflag:s12] =	ssyncadd.s32 @!p0 $0xFFFFFF00  }
0xee: {  	_ =	sfence.sel $0x180000  }
0xef: {  	[bflag:$0x0] =	sbarrier.arrive $0xFFFF  }
0xf0: {  	_ =	strace $0x90000047  }
0xf1: {  	s0 =	stileid.u32;
	[bflag:$0x2] =	sbarrier.arrive $0xFFFF  }
0xf2: {  	p0 =	sne.s32 s0, $0x0;
	s0 =	rddreg [dreg:$0x3]  }
0xf3: {  	s0 =	sadd.s32 @!p0 $0x100000, s0  }
0xf4: {  	[sflag:s0] =	ssyncadd.tile.s32 @!p0 $0x1;
	_ =	shalt  }
.Lfunc_end2:
_tile_overlayer_lowered:
.L_overlay_start_2:
0xf5: {  	(tag) =	ssettag $0x2  }
0xf6: {  	s0 =	rddreg [dreg:$0x0];
	s2 =	stileid.u32  }
0xf7: {  	s1 =	rddreg [dreg:$0x1];
	p0 =	sne.s32 s2, $0x0  }
0xf8: {  	s3 =	rddreg [dreg:$0x2];
	[bflag:$0x3] =	sbarrier.arrive $0xFFFF;
	s2 =	simm.s32 @!p0 $0x1C05  }
0xf9: {  	[timem:s3], [sflag:s2] =	dma.local @!p0 [hbm:s0], s1  }
0xfa: {  	s0 =	simm.s32 @!p0 $0x5  }
0xfb: {  	_ =	swait.ge @!p0 [sflag:s0], s1  }
0xfc: {  	s1 =	ssub.s32 @!p0 $0x0, s1;
	[sflag:s0] =	ssyncset.done @!p0 $0x0  }
0xfd: {  	[sflag:s0] =	ssyncadd.s32 @!p0 s1  }
0xfe: {  	[bflag:$0x3] =	sbarrier.arrive $0xFFFF  }
0xff: {  	_ =	shalt  }

// kernel: kernel.13.cloned.1.call-start
scs
__scs_entry_jumppad:
0x0: {  	(pc) =	sbr.rel $0x88, $3  }
0x1: {  	(tag) =	ssettag $0x0;
	lr =	simm.s32 $0x1  }
0x2: {  	[smem:$0x3F94] =	sst lr;
	_ =	strace $0xD0000000  }
0x3: {  	_ = 	snop  }
0x4: {  	_ = 	snop  }
0x5: {  	_ = 	snop  }
0x6: {  	_ = 	snop  }
0x7: {  	_ = 	snop  }
__scs_overlays_trampoline_lowered:
0x8: {  	[smem:$0x3FA3] =	sst s0  }
0x9: {  	[smem:$0x3FA4] =	sst s1  }
0xa: {  	[smem:$0x3FA5] =	sst s2  }
0xb: {  	[smem:$0x3FA6] =	sst s3  }
0xc: {  	[smem:$0x3FA7] =	sst s4  }
0xd: {  	[smem:$0x3FA8] =	sst s5  }
0xe: {  	[smem:$0x3FA9] =	sst s6  }
0xf: {  	[smem:$0x3FAA] =	sst s7  }
0x10: {  	[smem:$0x3FAB] =	sst s8  }
0x11: {  	[smem:$0x3FAC] =	sst s9;
	s0 =	simm.s32 @!p0 $0x0  }
0x12: {  	s1 =	sld [smem:$0x3F92];
	s0 =	simm.s32 @p0 $0x1  }
0x13: {  	[smem:$0x3FAD] =	sst s0;
	s0 =	simm.s32 @!p1 $0x0  }
0x14: {  	s2 =	sld [smem:$0x3F91];
	s0 =	simm.s32 @p1 $0x1  }
0x15: {  	[smem:$0x3FAE] =	sst s0;
	s0 =	simm.s32 @!p2 $0x0  }
0x16: {  	s3 =	sld [smem:$0x3FDB];
	s0 =	simm.s32 @p2 $0x1  }
0x17: {  	s4 =	simm.s32 $0x1BF5;
	[smem:$0x3FB0] =	sst s0  }
0x18: {  	s0 =	sld [smem:$0x3F93];
	_ =	swait.ge [sflag:s4], $0x0  }
0x19: {  	s7 =	sld [smem:$0x3F94]  }
0x1a: {  	s8 =	sadd.s32 $0xFFFFE003, lr  }
0x1b: {  	s9 =	sadd.s32 $0xFFFFFEF7, lr;
	s5 =	simm.s32 $0xFFFFFFFF;
	p2 =	slt.u32 s8, $0xFFFFF086  }
0x1c: {  	p1 =	slt.u32 s9, $0xF7A;
	s5 =	simm.s32 @!p2 $0x0  }
0x1d: {  	s5 =	simm.s32 @p1 $0x1;
	p0 =	seq.s32 s7, s2  }
0x1e: {  	s7 =	smul.u32 @!p0 $0xF7A, s2;
	p2 =	seq.s32 @!p0 s5, $0x0  }
0x1f: {  	s9 =	smul.u32 $0xF7A, s1;
	s8 =	simm.s32 @!p0 $0x1BF5;
	p2 =	por !p2, p0  }
0x20: {  	[sflag:s8] =	ssyncset.s32 @!p0 $0xFFFFF086;
	s6 =	sadd.s32 @!p0 s3, s7;
	s7 =	simm.s32 @!p0 $0x108  }
0x21: {  	s3 =	sadd.s32 s3, s9;
	s6 =	sadd.s32 @!p0 $0x88, s6;
	s7 =	simm.s32 @p2 $0x1082  }
0x22: {  	[simem:s7], [sflag:s8] =	dma.local @!p0 [hbm:s6], $0xF7A  }
0x23: {  	s9 =	sor.u32 $0xD0000000, s2;
	s6 =	simm.s32 $0x108;
	_ =	swait.ge @!p0 [sflag:s8], $0x0  }
0x24: {  	s3 =	sadd.s32 $0x88, s3;
	s6 =	simm.s32 @!p1 $0x1082;
	[sflag:s4] =	ssyncset.s32 $0xFFFFF086  }
0x25: {  	[simem:s6], [sflag:s4] =	dma.local [hbm:s3], $0xF7A  }
0x26: {  	[smem:$0x3F94] =	sst s1;
	(tag) =	ssettag s2;
	_ =	strace s9  }
0x27: {  	s1 =	sld [smem:$0x3FA4]  }
0x28: {  	s2 =	sld [smem:$0x3FA5]  }
0x29: {  	s4 =	sld [smem:$0x3FA7]  }
0x2a: {  	p0 =	seq.s32 s5, $0x0;
	s5 =	sld [smem:$0x3FA8]  }
0x2b: {  	s6 =	sld [smem:$0x3FA9]  }
0x2c: {  	s7 =	sld [smem:$0x3FAA]  }
0x2d: {  	s3 =	simm.s32 $0x108;
	s8 =	sld [smem:$0x3FAB]  }
0x2e: {  	s3 =	simm.s32 @!p0 $0x1082;
	s9 =	sld [smem:$0x3FAC]  }
0x2f: {  	lr =	sadd.s32 s0, s3;
	s0 =	sld [smem:$0x3FA3]  }
0x30: {  	s3 =	sld [smem:$0x3FA6]  }
0x31: {  	[smem:$0x3FAF] =	sst s10  }
0x32: {  	s10 =	sld [smem:$0x3FAD];
	_ =	sdelay $0x3  }
0x33: {  	p0 =	seq.s32 s10, $0x1;
	s10 =	sld [smem:$0x3FAF];
	_ =	sdelay $0x3  }
0x34: {  	[smem:$0x3FAF] =	sst s10  }
0x35: {  	s10 =	sld [smem:$0x3FAE];
	_ =	sdelay $0x3  }
0x36: {  	p1 =	seq.s32 s10, $0x1;
	s10 =	sld [smem:$0x3FAF];
	_ =	sdelay $0x3  }
0x37: {  	[smem:$0x3FAF] =	sst s10  }
0x38: {  	s10 =	sld [smem:$0x3FB0]  }
0x39: {  	_ = 	snop;
	(pc) =	sbr.ind lr, $3  }
0x3a: {  	_ = 	snop  }
0x3b: {  	_ = 	snop  }
0x3c: {  	p2 =	seq.s32 s10, $0x1;
	s10 =	sld [smem:$0x3FAF]  }
0x3d: {  	_ =	shalt  }
0x3e: {  	_ =	shalt  }
0x3f: {  	_ =	shalt  }
0x40: {  	_ =	shalt  }
0x41: {  	_ =	shalt  }
0x42: {  	_ =	shalt  }
0x43: {  	_ =	shalt  }
0x44: {  	_ =	shalt  }
0x45: {  	_ =	shalt  }
0x46: {  	_ =	shalt  }
0x47: {  	_ =	shalt  }
0x48: {  	_ =	shalt  }
0x49: {  	_ =	shalt  }
0x4a: {  	_ =	shalt  }
0x4b: {  	_ =	shalt  }
0x4c: {  	_ =	shalt  }
0x4d: {  	_ =	shalt  }
0x4e: {  	_ =	shalt  }
0x4f: {  	_ =	shalt  }
0x50: {  	_ =	shalt  }
0x51: {  	_ =	shalt  }
0x52: {  	_ =	shalt  }
0x53: {  	_ =	shalt  }
0x54: {  	_ =	shalt  }
0x55: {  	_ =	shalt  }
0x56: {  	_ =	shalt  }
0x57: {  	_ =	shalt  }
0x58: {  	_ =	shalt  }
0x59: {  	_ =	shalt  }
0x5a: {  	_ =	shalt  }
0x5b: {  	_ =	shalt  }
0x5c: {  	_ =	shalt  }
0x5d: {  	_ =	shalt  }
0x5e: {  	_ =	shalt  }
0x5f: {  	_ =	shalt  }
0x60: {  	_ =	shalt  }
0x61: {  	_ =	shalt  }
0x62: {  	_ =	shalt  }
0x63: {  	_ =	shalt  }
0x64: {  	_ =	shalt  }
0x65: {  	_ =	shalt  }
0x66: {  	_ =	shalt  }
0x67: {  	_ =	shalt  }
0x68: {  	_ =	shalt  }
0x69: {  	_ =	shalt  }
0x6a: {  	_ =	shalt  }
0x6b: {  	_ =	shalt  }
0x6c: {  	_ =	shalt  }
0x6d: {  	_ =	shalt  }
0x6e: {  	_ =	shalt  }
0x6f: {  	_ =	shalt  }
0x70: {  	_ =	shalt  }
0x71: {  	_ =	shalt  }
0x72: {  	_ =	shalt  }
0x73: {  	_ =	shalt  }
0x74: {  	_ =	shalt  }
0x75: {  	_ =	shalt  }
0x76: {  	_ =	shalt  }
0x77: {  	_ =	shalt  }
0x78: {  	_ =	shalt  }
0x79: {  	_ =	shalt  }
0x7a: {  	_ =	shalt  }
0x7b: {  	_ =	shalt  }
0x7c: {  	_ =	shalt  }
0x7d: {  	_ =	shalt  }
0x7e: {  	_ =	shalt  }
0x7f: {  	_ =	shalt  }
0x80: {  	_ =	shalt  }
0x81: {  	_ =	shalt  }
0x82: {  	_ =	shalt  }
0x83: {  	_ =	shalt  }
0x84: {  	_ =	shalt  }
0x85: {  	_ =	shalt  }
0x86: {  	_ =	shalt  }
0x87: {  	_ =	shalt  }
.Lfunc_end0:
.L_simem_size_0:
called_computation.2_lowered:
.L_overlay_start_0:
0x88: {  	s2 =	sld [smem:$0x3FD9]  }
0x89: {  	s3 =	sld [smem:$0x3FFE];
	_ =	sdelay $0x1  }
0x8a: {  	s1 =	srdreg.scid  }
0x8b: {  	s0 =	sand.u32 $0x1, s1  }
0x8c: {  	s14 =	sshll.u32 s0, $0xA;
	s2 =	sadd.s32 s3, s2  }
0x8d: {  	s2 =	sadd.s32 s2, s14  }
0x8e: {  	[smem:$0x3FBB] =	sst s2  }
0x8f: {  	_ = 	snop  }
0x90: {  	s2 =	sld [smem:$0x3FD0];
	_ =	sdelay $0x2  }
0x91: {  	s15 =	simm.s32 $0xB;
	s4 =	simm.s32 $0x10  }
0x92: {  	[smem:s4], [sflag:s15] =	dma.local [hbm:s2], $0x1  }
0x93: {  	_ =	swait.eq [sflag:s15], $0x1  }
0x94: {  	[sflag:s15] =	ssyncset.done $0x0  }
0x95: {  	[sflag:s15] =	ssyncadd.s32 $0xFFFFFFFF  }
0x96: {  	s16 =	sld [smem:$0x10];
	(tm) =	ssettm $0x1  }
0x97: {  	s17 =	sld [smem:$0x3FFB];
	_ =	sdelay $0x3  }
0x98: {  	_ =	strace s17  }
0x99: {  	s3 =	sld [smem:$0x3FFC];
	_ =	sdelay $0x3  }
0x9a: {  	_ =	strace s3  }
0x9b: {  	s3 =	sld [smem:$0x3FFD];
	_ =	sdelay $0x3  }
0x9c: {  	_ =	strace s3  }
0x9d: {  	_ =	strace $0x8FFFFFFF  }
0x9e: {  	s18 =	sld [smem:$0x3FDB];
	_ =	sdelay $0x1  }
0x9f: {  	s19 =	simm.s32 $_scs_section_size  }
0xa0: {  	s5 =	simm.s32 $_size__tile_overlayer_lowered;
	s6 =	simm.s32 $_tile_overlayer_lowered  }
0xa1: {  	s22 =	simm.s32 $0x1BFF;
	s21 =	sshll.u32 s6, $0x1;
	s3 =	sadd.s32 s19, s18  }
0xa2: {  	s7 =	simm.s32 $0x0;
	s20 =	sshll.u32 s5, $0x1;
	s5 =	sadd.s32 s21, s3  }
0xa3: {  	[timem:s7], [sflag:s22] =	dma.local [hbm:s5], s20  }
0xa4: {  	_ =	swait.ge [sflag:s22], s20  }
0xa5: {  	s4 =	ssub.s32 $0x0, s20;
	[sflag:s22] =	ssyncset.done $0x0  }
0xa6: {  	[sflag:s22] =	ssyncadd.s32 s4;
	_ =	sdelay $0x1  }
0xa7: {  	s23 =	simm.s32 $0x1B8B  }
0xa8: {  	_ =	swait.ge [sflag:s23], $0x1  }
0xa9: {  	[sflag:s23] =	ssyncset.done $0x0  }
0xaa: {  	s25 =	simm.s32 $0x1B8E;
	s24 =	sld [smem:$0x3FFE];
	[sflag:s23] =	ssyncadd.s32 $0xFFFFFFFF  }
0xab: {  	s26 =	simm.s32 $execute0_lowered;
	[smem:$0x3FD2] =	sst s25  }
0xac: {  	s5 =	sshll.u32 s26, $0x1;
	_ =	strace $0x8000004C;
	[dreg:$0x1] =	wrdreg $0xFFFFFFFF  }
0xad: {  	s28 =	simm.s32 $_size_execute0_lowered;
	s3 =	sadd.s32 s3, s5;
	[dreg:$0x0] =	wrdreg $0x0  }
0xae: {  	s5 =	sshll.u32 s28, $0x1;
	[dreg:$0x2] =	wrdreg s3  }
0xaf: {  	[dreg:$0x3] =	wrdreg s5  }
0xb0: {  	[dreg:$0x4] =	wrdreg $0xC0  }
0xb1: {  	_ =	task [dreg:s7], $0x5FFFF  }
0xb2: {  	[dreg:$0x1] =	wrdreg $0xFFFFFFFF  }
0xb3: {  	[dreg:$0x0] =	wrdreg $0x60  }
0xb4: {  	[dreg:$0x2] =	wrdreg s16  }
0xb5: {  	[dreg:$0x3] =	wrdreg s24  }
0xb6: {  	[dreg:$0x4] =	wrdreg $0x86800  }
0xb7: {  	[dreg:$0x5] =	wrdreg $0x9  }
0xb8: {  	_ =	task.clear_ibuf [dreg:s7], $0x6FFFF;
	_ =	strace $0x9000004C  }
0xb9: {  	s29 =	simm.s32 $0x9;
	_ =	strace $0x8000004E  }
0xba: {  	_ =	swait.ge [sflag:s29], $0x1  }
0xbb: {  	[sflag:s29] =	ssyncadd.s32 $0xFFFFFFFF  }
0xbc: {  	_ =	strace $0x9000004E  }
0xbd: {  	_ =	sfence  }
0xbe: {  	s30 =	sld [smem:$0x0];
	_ =	sdelay $0x2  }
0xbf: {  	s31 =	sshll.u32 s1, $0xD;
	s1 =	sshrl.u32 s1, $0x2  }
0xc0: {  	s3 =	sand.u32 $0x4000, s31;
	s1 =	sadd.s32 s1, s30  }
0xc1: {  	s0 =	sor.u32 s3, s0;
	s1 =	sshll.u32 s1, $0x11  }
0xc2: {  	s0 =	sor.u32 s1, s0  }
0xc3: {  	s0 =	sadd.s32 $0x8F2B, s0  }
0xc4: {  	[sflag:s0] =	ssyncadd.remote.s32 $0x1  }
0xc5: {  	_ =	sfence.sel $0xFFFF  }
0xc6: {  	[dreg:$0x0] =	wrdreg $0xFFFFFFFF;
	(pc) =	sbr.abs _section_cstart, $3  }
0xc7: {  	[dreg:$0x1] =	wrdreg $0xFFFFFFFF  }
0xc8: {  	_ =	task.clear_ibuf [dreg:s7], $0x2FFFF;
	_ =	strace $0x9FFFFFFF  }
0xc9: {  	(tm) =	ssettm $0x7FFFFFFF  }
tec
execute0_lowered:
.L_overlay_start_1:
0x0: {  	(tag) =	ssettag $0x1  }
0x1: {  	s1 =	rddreg [dreg:$0x0]  }
0x2: {  	s0 =	rddreg [dreg:$0x1]  }
0x3: {  	s2 =	rddreg [dreg:$0x2];
	s4 =	simm.s32 $0x0  }
0x4: {  	s3 =	srdreg.scid;
	s15 =	stileid.u32;
	s28 =	simm.s32 $0x180  }
0x5: {  	s29 =	simm.s32 $0x4;
	s30 =	simm.s32 $0x4200;
	s6 =	smul.u32 $0x2710, s15  }
0x6: {  	s31 =	simm.s32 $0x1;
	[smem:$0x7FF] =	sst s4;
	s9 =	smul.u32 $0x4E000, s15  }
0x7: {  	s3 =	sand.u32 $0x1, s3;
	s5 =	sadd.s32 $0x7C00, s0;
	s14 =	smul.u32 $0x2700, s15  }
0x8: {  	s11 =	sadd.s32 $0x2C00, s0;
	s0 =	sadd.s32 $0xB2E00, s0;
	s24 =	smul.u32 $0x4E2, s15  }
0x9: {  	s16 =	sadd.s32 $0x138400, s2;
	p0 =	sne.s32 s15, $0xF;
	s10 =	smul.u32 $0x27100, s3  }
0xa: {  	_ =	strace $0x8000004D;
	s7 =	ssub.s32 $0x2, s3;
	[dreg:$0x4] =	wrdreg s16  }
0xb: {  	s3 =	smul.u32 $0x138800, s3;
	s8 =	sshrl.u32 s7, $0x1;
	s18 =	sshrl.u32 s6, $0x3  }
0xc: {  	s19 =	sshrl.u32 s9, $0x2;
	s9 =	sadd.s32 $0x138000, s2;
	s12 =	sadd.s32 s6, s10  }
0xd: {  	s13 =	ssub.s32 s7, s8;
	s7 =	sadd.s32 s11, s18;
	s8 =	sadd.s32 s19, s2  }
0xe: {  	s10 =	sadd.s32 s14, s10;
	s3 =	sshrl.u32 s3, $0x3;
	s18 =	sadd.s32 s24, s11  }
0xf: {  	s24 =	simm.s32 $0x3;
	s11 =	simm.s32 $0x0;
	s17 =	sshrl.u32 s12, $0x3  }
0x10: {  	s21 =	sadd.s32 $0x10, s7;
	s23 =	sadd.s32 $0x4E0, s7;
	s10 =	sadd.s32 s0, s10  }
0x11: {  	s0 =	sadd.s32 s0, s3;
	s25 =	sadd.s32 $0x180, s12;
	[dreg:$0x6] =	wrdreg s21  }
0x12: {  	s19 =	sadd.s32 $0x100, s12;
	s3 =	simm.s32 $0x8200;
	[dreg:$0x8] =	wrdreg s23  }
0x13: {  	s6 =	sadd.s32 s5, s17;
	[dreg:$0x9] =	wrdreg s10;
	s0 =	sadd.s32 $0x27000, s0  }
0x14: {  	s17 =	smax.u32 s13, $0x1;
	s26 =	sshrl.u32 s25, $0x3;
	s21 =	simm.s32 $0x100  }
0x15: {  	s23 =	simm.s32 $0x5;
	s20 =	sadd.s32 $0x10, s6;
	[dreg:$0xa] =	wrdreg s0  }
0x16: {  	s25 =	simm.s32 $0x80;
	s22 =	sadd.s32 $0x4E0, s6;
	[dreg:$0x5] =	wrdreg s20  }
0x17: {  	s10 =	simm.s32 $0x10;
	s0 =	simm.s32 $0x2;
	[dreg:$0x7] =	wrdreg s22  }
0x18: {  	v0 =	vimm.f32 $0.0e+00;
	s20 =	sadd.s32 s26, s5;
	s22 =	simm.s32 $0x8280;
	s26 =	simm.s32 $0x200  }
.LBB2_1:
0x19: {  	[tilespmem:s4], [sflag:$0x3] =	stream.linear.gather [hbm4b:s6+s4], $0x80, $0x38;
	[tilespmem:$0x1BF00] =	vst v63  }
0x1a: {  	_ = 	snop  }
0x1b: {  	[tilespmem:s21], [sflag:$0x3] =	stream.linear.gather [hbm4b:s7+s4], $0x80, $0x38;
	[tilespmem:$0x1BF00] =	vst v63  }
0x1c: {  	[tilespmem:$0x8280] =	vst v0  }
0x1d: {  	[tilespmem:$0x8290] =	vst v0  }
0x1e: {  	[tilespmem:$0x82A0] =	vst v0  }
0x1f: {  	[tilespmem:$0x82B0] =	vst v0  }
0x20: {  	[tilespmem:$0x82C0] =	vst v0  }
0x21: {  	[tilespmem:$0x82D0] =	vst v0  }
0x22: {  	[tilespmem:$0x82E0] =	vst v0  }
0x23: {  	[tilespmem:$0x82F0] =	vst v0  }
0x24: {  	[tilespmem:$0x8300] =	vst v0  }
0x25: {  	[tilespmem:$0x8310] =	vst v0  }
0x26: {  	[tilespmem:$0x8320] =	vst v0  }
0x27: {  	[tilespmem:$0x8330] =	vst v0  }
0x28: {  	[tilespmem:$0x8340] =	vst v0  }
0x29: {  	[tilespmem:$0x8350] =	vst v0  }
0x2a: {  	[tilespmem:$0x8360] =	vst v0  }
0x2b: {  	[tilespmem:$0x8370] =	vst v0  }
0x2c: {  	[tilespmem:$0x8380] =	vst v0  }
0x2d: {  	[tilespmem:$0x8390] =	vst v0  }
0x2e: {  	[tilespmem:$0x83A0] =	vst v0  }
0x2f: {  	[tilespmem:$0x83B0] =	vst v0  }
0x30: {  	[tilespmem:$0x83C0] =	vst v0  }
0x31: {  	[tilespmem:$0x83D0] =	vst v0  }
0x32: {  	[tilespmem:$0x83E0] =	vst v0  }
0x33: {  	[tilespmem:$0x83F0] =	vst v0  }
0x34: {  	[tilespmem:$0x8400] =	vst v0  }
0x35: {  	[tilespmem:$0x8410] =	vst v0  }
0x36: {  	[tilespmem:$0x8420] =	vst v0  }
0x37: {  	[tilespmem:$0x8430] =	vst v0  }
0x38: {  	[tilespmem:$0x8440] =	vst v0  }
0x39: {  	[tilespmem:$0x8450] =	vst v0  }
0x3a: {  	[tilespmem:$0x8460] =	vst v0  }
0x3b: {  	[tilespmem:$0x8470] =	vst v0  }
0x3c: {  	[tilespmem:$0x8480] =	vst v0  }
0x3d: {  	[tilespmem:$0x8490] =	vst v0  }
0x3e: {  	[tilespmem:$0x84A0] =	vst v0  }
0x3f: {  	[tilespmem:$0x84B0] =	vst v0  }
0x40: {  	[tilespmem:$0x84C0] =	vst v0  }
0x41: {  	[tilespmem:$0x84D0] =	vst v0  }
0x42: {  	[tilespmem:$0x84E0] =	vst v0  }
0x43: {  	[tilespmem:$0x84F0] =	vst v0  }
0x44: {  	[tilespmem:$0x8500] =	vst v0  }
0x45: {  	[tilespmem:$0x8510] =	vst v0  }
0x46: {  	[tilespmem:$0x8520] =	vst v0  }
0x47: {  	[tilespmem:$0x8530] =	vst v0  }
0x48: {  	[tilespmem:$0x8540] =	vst v0  }
0x49: {  	[tilespmem:$0x8550] =	vst v0  }
0x4a: {  	[tilespmem:$0x8560] =	vst v0  }
0x4b: {  	[tilespmem:$0x8570] =	vst v0  }
0x4c: {  	[tilespmem:$0x8580] =	vst v0  }
0x4d: {  	[tilespmem:$0x8590] =	vst v0  }
0x4e: {  	[tilespmem:$0x85A0] =	vst v0  }
0x4f: {  	[tilespmem:$0x85B0] =	vst v0  }
0x50: {  	[tilespmem:$0x85C0] =	vst v0  }
0x51: {  	[tilespmem:$0x85D0] =	vst v0  }
0x52: {  	[tilespmem:$0x85E0] =	vst v0  }
0x53: {  	[tilespmem:$0x85F0] =	vst v0  }
0x54: {  	[tilespmem:$0x8600] =	vst v0  }
0x55: {  	[tilespmem:$0x8610] =	vst v0  }
0x56: {  	[tilespmem:$0x8620] =	vst v0  }
0x57: {  	[tilespmem:$0x8630] =	vst v0  }
0x58: {  	[tilespmem:$0x8640] =	vst v0  }
0x59: {  	[tilespmem:$0x8650] =	vst v0  }
0x5a: {  	[tilespmem:$0x8660] =	vst v0  }
0x5b: {  	s12 =	sadd.s32 $0x0, s8;
	[tilespmem:$0x8670] =	vst v0  }
0x5c: {  	[spmem:s12] =	stream.linear.scatter [tilespmem:s22], [sflag:$0x5], $0x400, $0x38;
	[tilespmem:$0x1BF00] =	vst v63  }
0x5d: {  	s12 =	simm.s32 $0x1000;
	_ =	swait.ge [sflag:s23], $0x400  }
.LBB2_2:
0x5e: {  	s13 =	sshra.s32 s12, $0x2;
	[sflag:s23] =	ssyncset.done $0x0;
	p1 =	sne.s32 s12, $0x4D000  }
.Ltmp0:
0x5f: {  	s13 =	sadd.s32 s13, s8;
	[sflag:s23] =	ssyncadd.s32 $0xFFFFFC00;
	(pc) =	sbr.rel @p1 .LBB2_2-.Ltmp0, $3  }
0x60: {  	[spmem:s13] =	stream.linear.scatter [tilespmem:s22], [sflag:$0x5], $0x400, $0x38;
	[tilespmem:$0x1BF00] =	vst v63  }
0x61: {  	s12 =	sadd.s32 $0x1000, s12;
	_ =	sdelay $0x1  }
0x62: {  	_ =	swait.ge [sflag:s23], $0x400  }
0x63: {  	[sflag:s23] =	ssyncset.done $0x0  }
0x64: {  	s12 =	simm.s32 @!p0 $0x8280;
	s13 =	simm.s32 @!p0 $0x5;
	[sflag:s23] =	ssyncadd.s32 $0xFFFFFC00  }
0x65: {  	[spmem:s9] =	stream.linear.scatter @!p0 [tilespmem:s12], [sflag:$0x5], $0x400, $0x38;
	[tilespmem:$0x1BF00] =	vst v63  }
0x66: {  	_ =	swait.ge @!p0 [sflag:s13], $0x400  }
0x67: {  	[sflag:s13] =	ssyncset.done @!p0 $0x0  }
0x68: {  	s14 =	rddreg [dreg:$0x4];
	[sflag:s13] =	ssyncadd.s32 @!p0 $0xFFFFFC00  }
0x69: {  	[spmem:s14] =	stream.linear.scatter @!p0 [tilespmem:s12], [sflag:$0x5], $0x400, $0x38;
	[tilespmem:$0x1BF00] =	vst v63  }
0x6a: {  	_ =	swait.ge @!p0 [sflag:s13], $0x400  }
0x6b: {  	[sflag:s13] =	ssyncset.done @!p0 $0x0  }
0x6c: {  	[sflag:s13] =	ssyncadd.s32 @!p0 $0xFFFFFC00  }
0x6d: {  	[bflag:$0x0] =	sbarrier.arrive $0xFFFF  }
0x6e: {  	_ =	swait.ge [sflag:s24], $0x80  }
0x6f: {  	[sflag:s24] =	ssyncset.done $0x0  }
0x70: {  	[sflag:s24] =	ssyncadd.s32 $0xFFFFFF80  }
0x71: {  	_ =	swait.ge [sflag:s24], $0x80  }
0x72: {  	[sflag:s24] =	ssyncset.done $0x0  }
0x73: {  	s14 =	simm.s32 $0x0;
	[sflag:s24] =	ssyncadd.s32 $0xFFFFFF80  }
0x74: {  	[tilespmem:s26], [sflag:$0x1] =	stream.indirect.gather [hbm4b:s1+s25], $0x80, s14, s25, $0xb8;
	[tilespmem:$0x1BF00] =	vst v63  }
0x75: {  	s15 =	rddreg [dreg:$0x5]  }
0x76: {  	[tilespmem:s25], [sflag:$0x4] =	stream.linear.gather [hbm4b:s15+s14], $0x80, $0x38;
	[tilespmem:$0x1BF00] =	vst v63  }
0x77: {  	s16 =	rddreg [dreg:$0x6]  }
0x78: {  	[tilespmem:s28], [sflag:$0x4] =	stream.linear.gather [hbm4b:s16+s14], $0x80, $0x38;
	[tilespmem:$0x1BF00] =	vst v63  }
0x79: {  	_ =	swait.ge [sflag:s29], $0x80  }
0x7a: {  	[sflag:s29] =	ssyncset.done $0x0  }
0x7b: {  	[sflag:s29] =	ssyncadd.s32 $0xFFFFFF80  }
0x7c: {  	_ =	swait.ge [sflag:s29], $0x80  }
0x7d: {  	[sflag:s29] =	ssyncset.done $0x0  }
0x7e: {  	[sflag:s29] =	ssyncadd.s32 $0xFFFFFF80  }
0x7f: {  	[tilespmem:s30], [sflag:$0x2] =	stream.indirect.gather [hbm4b:s1+s25], $0x80, s25, s25, $0xb8;
	[tilespmem:$0x1BF00] =	vst v63  }
0x80: {  	_ =	swait.ge [sflag:s31], $0x4000  }
0x81: {  	[sflag:s31] =	ssyncset.done $0x0  }
0x82: {  	[sflag:s31] =	ssyncadd.s32 $0xFFFFC000  }
0x83: {  	[spmem:s2] =	stream.indirect.scatter.add.f32 [tilespmem:s26], [sflag:$0x5], $0x80, s21, s25, $0xb8;
	[tilespmem:$0x1BF00] =	vst v63  }
0x84: {  	_ =	swait.ge [sflag:s23], $0x4000  }
0x85: {  	s13 =	sshrl.u32 s19, $0x3;
	[sflag:s23] =	ssyncset.done $0x0  }
0x86: {  	s12 =	sadd.s32 s5, s13;
	s14 =	sadd.s32 $0x0, s18;
	[sflag:s23] =	ssyncadd.s32 $0xFFFFC000  }
0x87: {  	[tilespmem:s4], [sflag:$0x3] =	stream.linear.gather [hbm4b:s12+s4], $0x80, $0x38;
	[tilespmem:$0x1BF00] =	vst v63  }
0x88: {  	s15 =	sadd.s32 $0x20, s14  }
0x89: {  	[tilespmem:s21], [sflag:$0x3] =	stream.linear.gather [hbm4b:s15+s4], $0x80, $0x38;
	[tilespmem:$0x1BF00] =	vst v63  }
0x8a: {  	_ =	swait.ge [sflag:s24], $0x80  }
0x8b: {  	[sflag:s24] =	ssyncset.done $0x0  }
0x8c: {  	[sflag:s24] =	ssyncadd.s32 $0xFFFFFF80  }
0x8d: {  	_ =	swait.ge [sflag:s24], $0x80  }
0x8e: {  	[sflag:s24] =	ssyncset.done $0x0  }
0x8f: {  	[sflag:s24] =	ssyncadd.s32 $0xFFFFFF80  }
0x90: {  	[tilespmem:s26], [sflag:$0x1] =	stream.indirect.gather [hbm4b:s1+s25], $0x80, s4, s25, $0xb8;
	[tilespmem:$0x1BF00] =	vst v63  }
0x91: {  	_ =	swait.ge [sflag:s0], $0x4000  }
0x92: {  	[sflag:s0] =	ssyncset.done $0x0  }
0x93: {  	[sflag:s0] =	ssyncadd.s32 $0xFFFFC000  }
0x94: {  	[spmem:s2] =	stream.indirect.scatter.add.f32 [tilespmem:s30], [sflag:$0x5], $0x80, s28, s25, $0xb8;
	[tilespmem:$0x1BF00] =	vst v63  }
0x95: {  	_ =	swait.ge [sflag:s23], $0x4000  }
0x96: {  	s13 =	sadd.s32 $0x100, s19;
	s16 =	sadd.s32 $0x0, s20;
	[sflag:s23] =	ssyncset.done $0x0  }
0x97: {  	s14 =	sadd.s32 $0x30, s14;
	s12 =	simm.s32 $0x20;
	[sflag:s23] =	ssyncadd.s32 $0xFFFFC000  }
0x98: {  	[tilespmem:s25], [sflag:$0x4] =	stream.linear.gather [hbm4b:s16+s4], $0x80, $0x38;
	[tilespmem:$0x1BF00] =	vst v63  }
.LBB2_4:
0x99: {  	[tilespmem:s28], [sflag:$0x4] =	stream.linear.gather [hbm4b:s14+s4], $0x80, $0x38;
	[tilespmem:$0x1BF00] =	vst v63  }
0x9a: {  	s14 =	smov.u32 s12  }
0x9b: {  	p1 =	sne.s32 s12, $0x4A0;
	s12 =	sadd.s32 $0x20, s12;
	_ =	swait.ge [sflag:s29], $0x80  }
0x9c: {  	[sflag:s29] =	ssyncset.done $0x0  }
0x9d: {  	[sflag:s29] =	ssyncadd.s32 $0xFFFFFF80  }
0x9e: {  	_ =	swait.ge [sflag:s29], $0x80  }
0x9f: {  	[sflag:s29] =	ssyncset.done $0x0  }
0xa0: {  	[sflag:s29] =	ssyncadd.s32 $0xFFFFFF80  }
0xa1: {  	[tilespmem:s30], [sflag:$0x2] =	stream.indirect.gather [hbm4b:s1+s25], $0x80, s25, s25, $0xb8;
	[tilespmem:$0x1BF00] =	vst v63  }
0xa2: {  	_ =	swait.ge [sflag:s31], $0x4000  }
0xa3: {  	[sflag:s31] =	ssyncset.done $0x0  }
0xa4: {  	[sflag:s31] =	ssyncadd.s32 $0xFFFFC000  }
0xa5: {  	[spmem:s2] =	stream.indirect.scatter.add.f32 [tilespmem:s26], [sflag:$0x5], $0x80, s21, s25, $0xb8;
	[tilespmem:$0x1BF00] =	vst v63  }
0xa6: {  	_ =	swait.ge [sflag:s23], $0x4000  }
0xa7: {  	s15 =	sshrl.u32 s13, $0x3;
	[sflag:s23] =	ssyncset.done $0x0  }
0xa8: {  	s15 =	sadd.s32 s5, s15;
	s16 =	sadd.s32 s14, s18;
	[sflag:s23] =	ssyncadd.s32 $0xFFFFC000  }
0xa9: {  	[tilespmem:s4], [sflag:$0x3] =	stream.linear.gather [hbm4b:s15+s4], $0x80, $0x38;
	[tilespmem:$0x1BF00] =	vst v63  }
0xaa: {  	s15 =	sadd.s32 $0x20, s16  }
0xab: {  	[tilespmem:s21], [sflag:$0x3] =	stream.linear.gather [hbm4b:s15+s4], $0x80, $0x38;
	[tilespmem:$0x1BF00] =	vst v63  }
0xac: {  	_ =	swait.ge [sflag:s24], $0x80  }
0xad: {  	[sflag:s24] =	ssyncset.done $0x0  }
0xae: {  	[sflag:s24] =	ssyncadd.s32 $0xFFFFFF80  }
0xaf: {  	_ =	swait.ge [sflag:s24], $0x80  }
0xb0: {  	[sflag:s24] =	ssyncset.done $0x0  }
0xb1: {  	[sflag:s24] =	ssyncadd.s32 $0xFFFFFF80  }
0xb2: {  	[tilespmem:s26], [sflag:$0x1] =	stream.indirect.gather [hbm4b:s1+s25], $0x80, s4, s25, $0xb8;
	[tilespmem:$0x1BF00] =	vst v63  }
0xb3: {  	_ =	swait.ge [sflag:s0], $0x4000  }
0xb4: {  	[sflag:s0] =	ssyncset.done $0x0  }
0xb5: {  	[sflag:s0] =	ssyncadd.s32 $0xFFFFC000  }
0xb6: {  	[spmem:s2] =	stream.indirect.scatter.add.f32 [tilespmem:s30], [sflag:$0x5], $0x80, s28, s25, $0xb8;
	[tilespmem:$0x1BF00] =	vst v63  }
.Ltmp1:
0xb7: {  	_ =	swait.ge [sflag:s23], $0x4000;
	(pc) =	sbr.rel @p1 .LBB2_4-.Ltmp1, $4  }
0xb8: {  	[sflag:s23] =	ssyncset.done $0x0  }
0xb9: {  	s14 =	sadd.s32 s14, s20;
	[sflag:s23] =	ssyncadd.s32 $0xFFFFC000  }
0xba: {  	[tilespmem:s25], [sflag:$0x4] =	stream.linear.gather [hbm4b:s14+s4], $0x80, $0x38;
	[tilespmem:$0x1BF00] =	vst v63  }
0xbb: {  	s13 =	sadd.s32 $0x100, s13;
	s14 =	sadd.s32 $0x30, s16  }
0xbc: {  	[tilespmem:s28], [sflag:$0x4] =	stream.linear.gather [hbm4b:s14+s4], $0x80, $0x38;
	[tilespmem:$0x1BF00] =	vst v63  }
0xbd: {  	_ =	swait.ge [sflag:s29], $0x80  }
0xbe: {  	[sflag:s29] =	ssyncset.done $0x0  }
0xbf: {  	[sflag:s29] =	ssyncadd.s32 $0xFFFFFF80  }
0xc0: {  	_ =	swait.ge [sflag:s29], $0x80  }
0xc1: {  	[sflag:s29] =	ssyncset.done $0x0  }
0xc2: {  	[sflag:s29] =	ssyncadd.s32 $0xFFFFFF80  }
0xc3: {  	[tilespmem:s30], [sflag:$0x2] =	stream.indirect.gather [hbm4b:s1+s25], $0x80, s25, s25, $0xb8;
	[tilespmem:$0x1BF00] =	vst v63  }
0xc4: {  	_ =	swait.ge [sflag:s31], $0x4000  }
0xc5: {  	[sflag:s31] =	ssyncset.done $0x0  }
0xc6: {  	[sflag:s31] =	ssyncadd.s32 $0xFFFFC000  }
0xc7: {  	[spmem:s2] =	stream.indirect.scatter.add.f32 [tilespmem:s26], [sflag:$0x5], $0x80, s21, s25, $0xb8;
	[tilespmem:$0x1BF00] =	vst v63  }
0xc8: {  	_ =	swait.ge [sflag:s23], $0x4000  }
0xc9: {  	[sflag:s23] =	ssyncset.done $0x0  }
0xca: {  	[sflag:s23] =	ssyncadd.s32 $0xFFFFC000  }
0xcb: {  	_ =	swait.ge [sflag:s0], $0x4000  }
0xcc: {  	[sflag:s0] =	ssyncset.done $0x0  }
0xcd: {  	[sflag:s0] =	ssyncadd.s32 $0xFFFFC000  }
0xce: {  	[spmem:s2] =	stream.indirect.scatter.add.f32 [tilespmem:s30], [sflag:$0x5], $0x80, s28, s25, $0xb8;
	[tilespmem:$0x1BF00] =	vst v63  }
0xcf: {  	_ =	swait.ge [sflag:s23], $0x4000  }
0xd0: {  	[sflag:s23] =	ssyncset.done $0x0  }
0xd1: {  	s12 =	rddreg [dreg:$0x7];
	[sflag:s23] =	ssyncadd.s32 $0xFFFFC000  }
0xd2: {  	[tilespmem:s3], [sflag:$0x3] =	stream.linear.gather [hbm4b:s12+s4], $0x10, $0x38;
	[tilespmem:$0x1BF00] =	vst v63  }
0xd3: {  	_ =	swait.ge [sflag:s24], $0x10  }
0xd4: {  	[sflag:s24] =	ssyncset.done $0x0  }
0xd5: {  	[sflag:s24] =	ssyncadd.s32 $0xFFFFFFF0  }
0xd6: {  	[tilespmem:s26], [sflag:$0x1] =	stream.indirect.gather [hbm4b:s1+s10], $0x80, s3, s10, $0xb8;
	[tilespmem:$0x1BF00] =	vst v63  }
0xd7: {  	_ =	swait.ge [sflag:s31], $0x800  }
0xd8: {  	[sflag:s31] =	ssyncset.done $0x0  }
0xd9: {  	s14 =	rddreg [dreg:$0x8];
	[sflag:s31] =	ssyncadd.s32 $0xFFFFF800  }
0xda: {  	[tilespmem:s3], [sflag:$0x5] =	stream.linear.gather [hbm4b:s14+s4], $0x10, $0x38;
	[tilespmem:$0x1BF00] =	vst v63  }
0xdb: {  	_ =	swait.ge [sflag:s23], $0x10  }
0xdc: {  	[sflag:s23] =	ssyncset.done $0x0  }
0xdd: {  	[sflag:s23] =	ssyncadd.s32 $0xFFFFFFF0  }
0xde: {  	[spmem:s2] =	stream.indirect.scatter.add.f32 [tilespmem:s26], [sflag:$0x5], $0x80, s3, s10, $0xb8;
	[tilespmem:$0x1BF00] =	vst v63  }
0xdf: {  	_ =	swait.ge [sflag:s23], $0x800  }
0xe0: {  	[sflag:s23] =	ssyncset.done $0x0  }
0xe1: {  	s15 =	stileid.u32;
	[sflag:s23] =	ssyncadd.s32 $0xFFFFF800  }
0xe2: {  	s12 =	sshll.u32 s15, $0x6;
	[bflag:$0x0] =	sbarrier.arrive $0xFFFF  }
0xe3: {  	s13 =	sshrl.u32 s8, $0x3;
	s12 =	sor.u32 $0x1C05, s12;
	s16 =	rddreg [dreg:$0x9]  }
0xe4: {  	[hbm:s16], [sflag:s12] =	dma.local [spmem:s13], $0x2700  }
0xe5: {  	s11 =	sadd.s32 $0x1, s11;
	_ =	swait.ge [sflag:s23], $0x2700  }
0xe6: {  	p1 =	sne.s32 s11, s17;
	[sflag:s23] =	ssyncset.done $0x0  }
0xe7: {  	s13 =	sshrl.u32 @!p0 s9, $0x3;
	s14 =	rddreg [dreg:$0xa];
	[sflag:s23] =	ssyncadd.s32 $0xFFFFD900  }
0xe8: {  	[hbm:s14], [sflag:s12] =	dma.local @!p0 [spmem:s13], $0x100  }
.Ltmp2:
0xe9: {  	_ = 	snop;
	(pc) =	sbr.rel @p1 .LBB2_1-.Ltmp2, $4  }
0xea: {  	s12 =	simm.s32 @!p0 $0x5  }
0xeb: {  	_ =	swait.ge @!p0 [sflag:s12], $0x100  }
0xec: {  	[sflag:s12] =	ssyncset.done @!p0 $0x0  }
0xed: {  	[sflag:s12] =	ssyncadd.s32 @!p0 $0xFFFFFF00  }
0xee: {  	_ =	sfence.sel $0x180000  }
0xef: {  	[bflag:$0x0] =	sbarrier.arrive $0xFFFF  }
0xf0: {  	_ =	strace $0x9000004D  }
0xf1: {  	s0 =	stileid.u32;
	[bflag:$0x2] =	sbarrier.arrive $0xFFFF  }
0xf2: {  	p0 =	sne.s32 s0, $0x0;
	s0 =	rddreg [dreg:$0x3]  }
0xf3: {  	s0 =	sadd.s32 @!p0 $0x100000, s0  }
0xf4: {  	[sflag:s0] =	ssyncadd.tile.s32 @!p0 $0x1;
	_ =	shalt  }
.Lfunc_end2:
_tile_overlayer_lowered:
.L_overlay_start_2:
0xf5: {  	(tag) =	ssettag $0x2  }
0xf6: {  	s0 =	rddreg [dreg:$0x0];
	s2 =	stileid.u32  }
0xf7: {  	s1 =	rddreg [dreg:$0x1];
	p0 =	sne.s32 s2, $0x0  }
0xf8: {  	s3 =	rddreg [dreg:$0x2];
	[bflag:$0x3] =	sbarrier.arrive $0xFFFF;
	s2 =	simm.s32 @!p0 $0x1C05  }
0xf9: {  	[timem:s3], [sflag:s2] =	dma.local @!p0 [hbm:s0], s1  }
0xfa: {  	s0 =	simm.s32 @!p0 $0x5  }
0xfb: {  	_ =	swait.ge @!p0 [sflag:s0], s1  }
0xfc: {  	s1 =	ssub.s32 @!p0 $0x0, s1;
	[sflag:s0] =	ssyncset.done @!p0 $0x0  }
0xfd: {  	[sflag:s0] =	ssyncadd.s32 @!p0 s1  }
0xfe: {  	[bflag:$0x3] =	sbarrier.arrive $0xFFFF  }
0xff: {  	_ =	shalt  }

// kernel: kernel.7.cloned.1.call-start
scs
__scs_entry_jumppad:
0x0: {  	(pc) =	sbr.rel $0x88, $3  }
0x1: {  	(tag) =	ssettag $0x0;
	lr =	simm.s32 $0x1  }
0x2: {  	[smem:$0x3F94] =	sst lr;
	_ =	strace $0xD0000000  }
0x3: {  	_ = 	snop  }
0x4: {  	_ = 	snop  }
0x5: {  	_ = 	snop  }
0x6: {  	_ = 	snop  }
0x7: {  	_ = 	snop  }
__scs_overlays_trampoline_lowered:
0x8: {  	[smem:$0x3FA3] =	sst s0  }
0x9: {  	[smem:$0x3FA4] =	sst s1  }
0xa: {  	[smem:$0x3FA5] =	sst s2  }
0xb: {  	[smem:$0x3FA6] =	sst s3  }
0xc: {  	[smem:$0x3FA7] =	sst s4  }
0xd: {  	[smem:$0x3FA8] =	sst s5  }
0xe: {  	[smem:$0x3FA9] =	sst s6  }
0xf: {  	[smem:$0x3FAA] =	sst s7  }
0x10: {  	[smem:$0x3FAB] =	sst s8  }
0x11: {  	[smem:$0x3FAC] =	sst s9;
	s0 =	simm.s32 @!p0 $0x0  }
0x12: {  	s1 =	sld [smem:$0x3F92];
	s0 =	simm.s32 @p0 $0x1  }
0x13: {  	[smem:$0x3FAD] =	sst s0;
	s0 =	simm.s32 @!p1 $0x0  }
0x14: {  	s2 =	sld [smem:$0x3F91];
	s0 =	simm.s32 @p1 $0x1  }
0x15: {  	[smem:$0x3FAE] =	sst s0;
	s0 =	simm.s32 @!p2 $0x0  }
0x16: {  	s3 =	sld [smem:$0x3FDB];
	s0 =	simm.s32 @p2 $0x1  }
0x17: {  	s4 =	simm.s32 $0x1BF5;
	[smem:$0x3FB0] =	sst s0  }
0x18: {  	s0 =	sld [smem:$0x3F93];
	_ =	swait.ge [sflag:s4], $0x0  }
0x19: {  	s7 =	sld [smem:$0x3F94]  }
0x1a: {  	s8 =	sadd.s32 $0xFFFFE003, lr  }
0x1b: {  	s9 =	sadd.s32 $0xFFFFFEF7, lr;
	s5 =	simm.s32 $0xFFFFFFFF;
	p2 =	slt.u32 s8, $0xFFFFF086  }
0x1c: {  	p1 =	slt.u32 s9, $0xF7A;
	s5 =	simm.s32 @!p2 $0x0  }
0x1d: {  	s5 =	simm.s32 @p1 $0x1;
	p0 =	seq.s32 s7, s2  }
0x1e: {  	s7 =	smul.u32 @!p0 $0xF7A, s2;
	p2 =	seq.s32 @!p0 s5, $0x0  }
0x1f: {  	s9 =	smul.u32 $0xF7A, s1;
	s8 =	simm.s32 @!p0 $0x1BF5;
	p2 =	por !p2, p0  }
0x20: {  	[sflag:s8] =	ssyncset.s32 @!p0 $0xFFFFF086;
	s6 =	sadd.s32 @!p0 s3, s7;
	s7 =	simm.s32 @!p0 $0x108  }
0x21: {  	s3 =	sadd.s32 s3, s9;
	s6 =	sadd.s32 @!p0 $0x88, s6;
	s7 =	simm.s32 @p2 $0x1082  }
0x22: {  	[simem:s7], [sflag:s8] =	dma.local @!p0 [hbm:s6], $0xF7A  }
0x23: {  	s9 =	sor.u32 $0xD0000000, s2;
	s6 =	simm.s32 $0x108;
	_ =	swait.ge @!p0 [sflag:s8], $0x0  }
0x24: {  	s3 =	sadd.s32 $0x88, s3;
	s6 =	simm.s32 @!p1 $0x1082;
	[sflag:s4] =	ssyncset.s32 $0xFFFFF086  }
0x25: {  	[simem:s6], [sflag:s4] =	dma.local [hbm:s3], $0xF7A  }
0x26: {  	[smem:$0x3F94] =	sst s1;
	(tag) =	ssettag s2;
	_ =	strace s9  }
0x27: {  	s1 =	sld [smem:$0x3FA4]  }
0x28: {  	s2 =	sld [smem:$0x3FA5]  }
0x29: {  	s4 =	sld [smem:$0x3FA7]  }
0x2a: {  	p0 =	seq.s32 s5, $0x0;
	s5 =	sld [smem:$0x3FA8]  }
0x2b: {  	s6 =	sld [smem:$0x3FA9]  }
0x2c: {  	s7 =	sld [smem:$0x3FAA]  }
0x2d: {  	s3 =	simm.s32 $0x108;
	s8 =	sld [smem:$0x3FAB]  }
0x2e: {  	s3 =	simm.s32 @!p0 $0x1082;
	s9 =	sld [smem:$0x3FAC]  }
0x2f: {  	lr =	sadd.s32 s0, s3;
	s0 =	sld [smem:$0x3FA3]  }
0x30: {  	s3 =	sld [smem:$0x3FA6]  }
0x31: {  	[smem:$0x3FAF] =	sst s10  }
0x32: {  	s10 =	sld [smem:$0x3FAD];
	_ =	sdelay $0x3  }
0x33: {  	p0 =	seq.s32 s10, $0x1;
	s10 =	sld [smem:$0x3FAF];
	_ =	sdelay $0x3  }
0x34: {  	[smem:$0x3FAF] =	sst s10  }
0x35: {  	s10 =	sld [smem:$0x3FAE];
	_ =	sdelay $0x3  }
0x36: {  	p1 =	seq.s32 s10, $0x1;
	s10 =	sld [smem:$0x3FAF];
	_ =	sdelay $0x3  }
0x37: {  	[smem:$0x3FAF] =	sst s10  }
0x38: {  	s10 =	sld [smem:$0x3FB0]  }
0x39: {  	_ = 	snop;
	(pc) =	sbr.ind lr, $3  }
0x3a: {  	_ = 	snop  }
0x3b: {  	_ = 	snop  }
0x3c: {  	p2 =	seq.s32 s10, $0x1;
	s10 =	sld [smem:$0x3FAF]  }
0x3d: {  	_ =	shalt  }
0x3e: {  	_ =	shalt  }
0x3f: {  	_ =	shalt  }
0x40: {  	_ =	shalt  }
0x41: {  	_ =	shalt  }
0x42: {  	_ =	shalt  }
0x43: {  	_ =	shalt  }
0x44: {  	_ =	shalt  }
0x45: {  	_ =	shalt  }
0x46: {  	_ =	shalt  }
0x47: {  	_ =	shalt  }
0x48: {  	_ =	shalt  }
0x49: {  	_ =	shalt  }
0x4a: {  	_ =	shalt  }
0x4b: {  	_ =	shalt  }
0x4c: {  	_ =	shalt  }
0x4d: {  	_ =	shalt  }
0x4e: {  	_ =	shalt  }
0x4f: {  	_ =	shalt  }
0x50: {  	_ =	shalt  }
0x51: {  	_ =	shalt  }
0x52: {  	_ =	shalt  }
0x53: {  	_ =	shalt  }
0x54: {  	_ =	shalt  }
0x55: {  	_ =	shalt  }
0x56: {  	_ =	shalt  }
0x57: {  	_ =	shalt  }
0x58: {  	_ =	shalt  }
0x59: {  	_ =	shalt  }
0x5a: {  	_ =	shalt  }
0x5b: {  	_ =	shalt  }
0x5c: {  	_ =	shalt  }
0x5d: {  	_ =	shalt  }
0x5e: {  	_ =	shalt  }
0x5f: {  	_ =	shalt  }
0x60: {  	_ =	shalt  }
0x61: {  	_ =	shalt  }
0x62: {  	_ =	shalt  }
0x63: {  	_ =	shalt  }
0x64: {  	_ =	shalt  }
0x65: {  	_ =	shalt  }
0x66: {  	_ =	shalt  }
0x67: {  	_ =	shalt  }
0x68: {  	_ =	shalt  }
0x69: {  	_ =	shalt  }
0x6a: {  	_ =	shalt  }
0x6b: {  	_ =	shalt  }
0x6c: {  	_ =	shalt  }
0x6d: {  	_ =	shalt  }
0x6e: {  	_ =	shalt  }
0x6f: {  	_ =	shalt  }
0x70: {  	_ =	shalt  }
0x71: {  	_ =	shalt  }
0x72: {  	_ =	shalt  }
0x73: {  	_ =	shalt  }
0x74: {  	_ =	shalt  }
0x75: {  	_ =	shalt  }
0x76: {  	_ =	shalt  }
0x77: {  	_ =	shalt  }
0x78: {  	_ =	shalt  }
0x79: {  	_ =	shalt  }
0x7a: {  	_ =	shalt  }
0x7b: {  	_ =	shalt  }
0x7c: {  	_ =	shalt  }
0x7d: {  	_ =	shalt  }
0x7e: {  	_ =	shalt  }
0x7f: {  	_ =	shalt  }
0x80: {  	_ =	shalt  }
0x81: {  	_ =	shalt  }
0x82: {  	_ =	shalt  }
0x83: {  	_ =	shalt  }
0x84: {  	_ =	shalt  }
0x85: {  	_ =	shalt  }
0x86: {  	_ =	shalt  }
0x87: {  	_ =	shalt  }
.Lfunc_end0:
.L_simem_size_0:
called_computation_lowered:
.L_overlay_start_0:
0x88: {  	s2 =	sld [smem:$0x3FD9]  }
0x89: {  	s3 =	sld [smem:$0x3FFE];
	_ =	sdelay $0x1  }
0x8a: {  	s1 =	srdreg.scid  }
0x8b: {  	s0 =	sand.u32 $0x1, s1  }
0x8c: {  	s17 =	sshll.u32 s0, $0xA;
	s2 =	sadd.s32 s3, s2  }
0x8d: {  	s2 =	sadd.s32 s2, s17  }
0x8e: {  	[smem:$0x3FBB] =	sst s2  }
0x8f: {  	_ = 	snop  }
0x90: {  	(tm) =	ssettm $0x1  }
0x91: {  	s18 =	sld [smem:$0x3FFB];
	_ =	sdelay $0x3  }
0x92: {  	_ =	strace s18  }
0x93: {  	s2 =	sld [smem:$0x3FFC];
	_ =	sdelay $0x3  }
0x94: {  	_ =	strace s2  }
0x95: {  	s2 =	sld [smem:$0x3FFD];
	_ =	sdelay $0x3  }
0x96: {  	_ =	strace s2  }
0x97: {  	_ =	strace $0x8FFFFFFF  }
0x98: {  	s19 =	sld [smem:$0x3FDB];
	_ =	sdelay $0x1  }
0x99: {  	s20 =	simm.s32 $_scs_section_size  }
0x9a: {  	s4 =	simm.s32 $_size__tile_overlayer_lowered;
	s5 =	simm.s32 $_tile_overlayer_lowered  }
0x9b: {  	s6 =	simm.s32 $0x1BFF;
	s21 =	sshll.u32 s5, $0x1;
	s3 =	sadd.s32 s20, s19  }
0x9c: {  	s22 =	simm.s32 $0x0;
	s4 =	sshll.u32 s4, $0x1;
	s5 =	sadd.s32 s21, s3  }
0x9d: {  	[timem:s22], [sflag:s6] =	dma.local [hbm:s5], s4  }
0x9e: {  	_ =	swait.ge [sflag:s6], s4  }
0x9f: {  	s4 =	ssub.s32 $0x0, s4;
	[sflag:s6] =	ssyncset.done $0x0  }
0xa0: {  	[sflag:s6] =	ssyncadd.s32 s4;
	_ =	sdelay $0x1  }
0xa1: {  	s23 =	simm.s32 $0x1B8B  }
0xa2: {  	_ =	swait.ge [sflag:s23], $0x1  }
0xa3: {  	[sflag:s23] =	ssyncset.done $0x0  }
0xa4: {  	[sflag:s23] =	ssyncadd.s32 $0xFFFFFFFF  }
0xa5: {  	s4 =	sld [smem:$0x0]  }
0xa6: {  	s5 =	sand.u32 $0xFFFFFFFE, s1  }
0xa7: {  	p0 =	sne.s32 s1, s5  }
0xa8: {  	s5 =	sshll.u32 @p0 s5, $0xE  }
0xa9: {  	s5 =	sadd.s32 @p0 $0x11B8D, s5;
	s6 =	sshll.u32 @p0 s4, $0x11  }
0xaa: {  	s5 =	sor.u32 @p0 s6, s5  }
0xab: {  	[sflag:s5] =	ssyncadd.remote.s32 @p0 $0x1;
	_ =	sdelay $0x1  }
0xac: {  	s5 =	simm.s32 @p0 $0x1B8D  }
0xad: {  	_ =	swait.eq @p0 [sflag:s5], $0x1  }
0xae: {  	[sflag:s5] =	ssyncadd.s32 @p0 $0xFFFFFFFF  }
0xaf: {  	s6 =	sshll.u32 @!p0 s1, $0xE  }
0xb0: {  	s6 =	sor.u32 @!p0 $0x4000, s6;
	s5 =	simm.s32 @!p0 $0x1B8D  }
0xb1: {  	s4 =	sshll.u32 @!p0 s4, $0x11;
	s6 =	sadd.s32 @!p0 $0x11B8D, s6;
	_ =	swait.eq @!p0 [sflag:s5], $0x1  }
0xb2: {  	s4 =	sor.u32 @!p0 s4, s6;
	[sflag:s5] =	ssyncadd.s32 @!p0 $0xFFFFFFFF  }
0xb3: {  	s25 =	simm.s32 $0x1B8E;
	s24 =	sld [smem:$0x3FFE];
	[sflag:s4] =	ssyncadd.remote.s32 @!p0 $0x1  }
0xb4: {  	s26 =	simm.s32 $execute0_lowered;
	[smem:$0x3FD2] =	sst s25  }
0xb5: {  	s5 =	sshll.u32 s26, $0x1;
	_ =	strace $0x80000049;
	[dreg:$0x1] =	wrdreg $0xFFFFFFFF  }
0xb6: {  	s28 =	simm.s32 $_size_execute0_lowered;
	s3 =	sadd.s32 s3, s5;
	[dreg:$0x0] =	wrdreg $0x0  }
0xb7: {  	s5 =	sshll.u32 s28, $0x1;
	[dreg:$0x2] =	wrdreg s3  }
0xb8: {  	[dreg:$0x3] =	wrdreg s5  }
0xb9: {  	[dreg:$0x4] =	wrdreg $0xC0  }
0xba: {  	_ =	task [dreg:s22], $0x5FFFF  }
0xbb: {  	[dreg:$0x1] =	wrdreg $0xFFFFFFFF  }
0xbc: {  	[dreg:$0x0] =	wrdreg $0x60  }
0xbd: {  	[dreg:$0x2] =	wrdreg s24  }
0xbe: {  	[dreg:$0x3] =	wrdreg $0x5C800  }
0xbf: {  	[dreg:$0x4] =	wrdreg $0x9  }
0xc0: {  	_ =	task.clear_ibuf [dreg:s22], $0x5FFFF;
	_ =	strace $0x90000049  }
0xc1: {  	s29 =	simm.s32 $0x9;
	_ =	strace $0x8000004B  }
0xc2: {  	_ =	swait.ge [sflag:s29], $0x1  }
0xc3: {  	[sflag:s29] =	ssyncadd.s32 $0xFFFFFFFF  }
0xc4: {  	_ =	strace $0x9000004B  }
0xc5: {  	_ =	sfence  }
0xc6: {  	s30 =	sld [smem:$0x0];
	_ =	sdelay $0x2  }
0xc7: {  	s31 =	sshll.u32 s1, $0xD;
	s1 =	sshrl.u32 s1, $0x2  }
0xc8: {  	s4 =	sand.u32 $0x4000, s31;
	s1 =	sadd.s32 s1, s30  }
0xc9: {  	s0 =	sor.u32 s4, s0;
	s1 =	sshll.u32 s1, $0x11  }
0xca: {  	s0 =	sor.u32 s1, s0  }
0xcb: {  	s0 =	sadd.s32 $0x8F2B, s0  }
0xcc: {  	[sflag:s0] =	ssyncadd.remote.s32 $0x1  }
0xcd: {  	_ =	sfence.sel $0xFFFF  }
0xce: {  	[dreg:$0x0] =	wrdreg $0xFFFFFFFF;
	(pc) =	sbr.abs _section_cstart, $3  }
0xcf: {  	[dreg:$0x1] =	wrdreg $0xFFFFFFFF  }
0xd0: {  	_ =	task.clear_ibuf [dreg:s22], $0x2FFFF;
	_ =	strace $0x9FFFFFFF  }
0xd1: {  	(tm) =	ssettm $0x7FFFFFFF  }
tec
execute0_lowered:
.L_overlay_start_1:
0x0: {  	(tag) =	ssettag $0x1  }
0x1: {  	s0 =	srdreg.scid;
	s5 =	rddreg [dreg:$0x0]  }
0x2: {  	s2 =	rddreg [dreg:$0x1];
	s3 =	simm.s32 $0x0;
	s12 =	simm.s32 $0x1  }
0x3: {  	s13 =	simm.s32 $0x80;
	s4 =	sand.u32 $0x1, s0;
	s0 =	stileid.u32  }
0x4: {  	s14 =	simm.s32 $0x1400;
	s15 =	simm.s32 $0x1480;
	s29 =	smul.u32 $0x4E000, s0  }
0x5: {  	[smem:$0x7FF] =	sst s3;
	s8 =	sadd.s32 $0x64C00, s5;
	s9 =	smul.u32 $0x138800, s4  }
0x6: {  	s1 =	sshll.u32 s4, $0x4;
	s30 =	ssub.s32 $0x2, s4;
	s10 =	smul.u32 $0x13800, s0  }
0x7: {  	p0 =	sne.s32 s0, $0xF;
	s6 =	sor.u32 s0, s1;
	s1 =	rddreg [dreg:$0x2]  }
0x8: {  	_ =	strace $0x8000004A;
	s31 =	sshrl.u32 s30, $0x1;
	s6 =	smul.u32 $0x280, s6  }
0x9: {  	s11 =	ssub.s32 s30, s31;
	s10 =	sadd.s32 s10, s9;
	s9 =	sshrl.u32 s9, $0x3  }
0xa: {  	s10 =	sshrl.u32 s10, $0x3;
	s9 =	sadd.s32 s8, s9;
	s7 =	sadd.s32 s6, s5  }
0xb: {  	s6 =	sshrl.u32 s29, $0x2;
	s5 =	sadd.s32 $0x138000, s2;
	s8 =	sadd.s32 s8, s10  }
0xc: {  	s9 =	sadd.s32 $0x27000, s9;
	s10 =	smax.u32 s11, $0x1;
	s11 =	simm.s32 $0x5480  }
0xd: {  	v0 =	vimm.f32 $0.0e+00;
	v1 =	vimm.f32 $1.000000000e+00;
	s4 =	sadd.s32 s6, s2;
	s6 =	sadd.s32 $0x138800, s2;
	s7 =	sadd.s32 $0x5FC00, s7  }
.LBB2_1:
0xe: {  	s16 =	simm.s32 $0x0;
	s17 =	simm.s32 $0x200  }
.LBB2_2:
0xf: {  	p1 =	sne.s32 s17, $0x1E00;
	[tilespmem:s16+$0x54F0] =	vst v0  }
0x10: {  	[tilespmem:s16+$0x5480] =	vst v0  }
0x11: {  	[tilespmem:s16+$0x5490] =	vst v0  }
.Ltmp0:
0x12: {  	[tilespmem:s16+$0x54A0] =	vst v0;
	(pc) =	sbr.rel @p1 .LBB2_2-.Ltmp0, $4  }
0x13: {  	[tilespmem:s16+$0x54B0] =	vst v0  }
0x14: {  	[tilespmem:s16+$0x54C0] =	vst v0  }
0x15: {  	[tilespmem:s16+$0x54D0] =	vst v0  }
0x16: {  	[tilespmem:s16+$0x54E0] =	vst v0;
	s16 =	sshra.s32 s17, $0x2;
	s17 =	sadd.s32 $0x200, s17  }
0x17: {  	[tilespmem:s16+$0x54F0] =	vst v0  }
0x18: {  	[tilespmem:s16+$0x5480] =	vst v0  }
0x19: {  	[tilespmem:s16+$0x5490] =	vst v0  }
0x1a: {  	[tilespmem:s16+$0x54A0] =	vst v0  }
0x1b: {  	[tilespmem:s16+$0x54B0] =	vst v0  }
0x1c: {  	[tilespmem:s16+$0x54C0] =	vst v0  }
0x1d: {  	[tilespmem:s16+$0x54D0] =	vst v0  }
0x1e: {  	[tilespmem:s16+$0x54E0] =	vst v0;
	s16 =	simm.s32 $0x0;
	s17 =	simm.s32 $0x200  }
.LBB2_4:
0x1f: {  	p1 =	sne.s32 s17, $0xFE00;
	[tilespmem:s16+$0x14F0] =	vst v1  }
0x20: {  	[tilespmem:s16+$0x1480] =	vst v1  }
0x21: {  	[tilespmem:s16+$0x1490] =	vst v1  }
.Ltmp1:
0x22: {  	[tilespmem:s16+$0x14A0] =	vst v1;
	(pc) =	sbr.rel @p1 .LBB2_4-.Ltmp1, $4  }
0x23: {  	[tilespmem:s16+$0x14B0] =	vst v1  }
0x24: {  	[tilespmem:s16+$0x14C0] =	vst v1  }
0x25: {  	[tilespmem:s16+$0x14D0] =	vst v1  }
0x26: {  	[tilespmem:s16+$0x14E0] =	vst v1;
	s16 =	sshra.s32 s17, $0x2;
	s17 =	sadd.s32 $0x200, s17  }
0x27: {  	[tilespmem:s16+$0x14F0] =	vst v1  }
0x28: {  	[tilespmem:s16+$0x1480] =	vst v1  }
0x29: {  	[tilespmem:s16+$0x1490] =	vst v1  }
0x2a: {  	[tilespmem:s16+$0x14A0] =	vst v1  }
0x2b: {  	[tilespmem:s16+$0x14B0] =	vst v1  }
0x2c: {  	[tilespmem:s16+$0x14C0] =	vst v1  }
0x2d: {  	[tilespmem:s16+$0x14D0] =	vst v1  }
0x2e: {  	[tilespmem:s16+$0x14E0] =	vst v1;
	s31 =	sadd.s32 $0x0, s4  }
0x2f: {  	[spmem:s31] =	stream.linear.scatter [tilespmem:s11], [sflag:$0x1], $0x800, $0x38;
	[tilespmem:$0x19580] =	vst v63  }
0x30: {  	s16 =	simm.s32 $0x2000;
	_ =	swait.ge [sflag:s12], $0x800  }
.LBB2_6:
0x31: {  	s17 =	sshra.s32 s16, $0x2;
	[sflag:s12] =	ssyncset.done $0x0;
	p1 =	sne.s32 s16, $0x4C000  }
.Ltmp2:
0x32: {  	s17 =	sadd.s32 s17, s4;
	[sflag:s12] =	ssyncadd.s32 $0xFFFFF800;
	(pc) =	sbr.rel @p1 .LBB2_6-.Ltmp2, $3  }
0x33: {  	[spmem:s17] =	stream.linear.scatter [tilespmem:s11], [sflag:$0x1], $0x800, $0x38;
	[tilespmem:$0x19580] =	vst v63  }
0x34: {  	s16 =	sadd.s32 $0x2000, s16;
	_ =	sdelay $0x1  }
0x35: {  	_ =	swait.ge [sflag:s12], $0x800  }
0x36: {  	[sflag:s12] =	ssyncset.done $0x0  }
0x37: {  	s16 =	simm.s32 @!p0 $0x5480;
	s17 =	simm.s32 @!p0 $0x1;
	[sflag:s12] =	ssyncadd.s32 $0xFFFFF800  }
0x38: {  	[spmem:s5] =	stream.linear.scatter @!p0 [tilespmem:s16], [sflag:$0x1], $0x800, $0x38;
	[tilespmem:$0x19580] =	vst v63  }
0x39: {  	_ =	swait.ge @!p0 [sflag:s17], $0x800  }
0x3a: {  	[sflag:s17] =	ssyncset.done @!p0 $0x0  }
0x3b: {  	[sflag:s17] =	ssyncadd.s32 @!p0 $0xFFFFF800  }
0x3c: {  	[spmem:s6] =	stream.linear.scatter @!p0 [tilespmem:s16], [sflag:$0x1], $0x800, $0x38;
	[tilespmem:$0x19580] =	vst v63  }
0x3d: {  	_ =	swait.ge @!p0 [sflag:s17], $0x800  }
0x3e: {  	[sflag:s17] =	ssyncset.done @!p0 $0x0  }
0x3f: {  	s30 =	simm.s32 $0x0;
	[sflag:s17] =	ssyncadd.s32 @!p0 $0xFFFFF800  }
0x40: {  	[tilespmem:s30], [sflag:$0x1] =	stream.linear.gather [hbm4b:s7+s30], $0x1400, $0x38;
	[tilespmem:$0x19580] =	vst v63  }
0x41: {  	_ =	swait.ge [sflag:s12], $0x1400  }
0x42: {  	[sflag:s12] =	ssyncset.done $0x0  }
0x43: {  	[sflag:s12] =	ssyncadd.s32 $0xFFFFEC00  }
0x44: {  	s31 =	simm.s32 $0x0;
	[bflag:$0x0] =	sbarrier.arrive $0xFFFF  }
0x45: {  	v2 =	vld [tilespmem:s31+$0x0];
	_ =	sdelay $0x4  }
0x46: {  	[tilespmem:$0x1400] =	vst v2  }
0x47: {  	v2 =	vld [tilespmem:s31+$0x10];
	_ =	sdelay $0x4  }
0x48: {  	[tilespmem:$0x1410] =	vst v2  }
0x49: {  	v2 =	vld [tilespmem:s31+$0x20];
	_ =	sdelay $0x4  }
0x4a: {  	[tilespmem:$0x1420] =	vst v2  }
0x4b: {  	v2 =	vld [tilespmem:s31+$0x30];
	_ =	sdelay $0x4  }
0x4c: {  	[tilespmem:$0x1430] =	vst v2  }
0x4d: {  	v2 =	vld [tilespmem:s31+$0x40];
	_ =	sdelay $0x4  }
0x4e: {  	[tilespmem:$0x1440] =	vst v2  }
0x4f: {  	v2 =	vld [tilespmem:s31+$0x50];
	_ =	sdelay $0x4  }
0x50: {  	[tilespmem:$0x1450] =	vst v2  }
0x51: {  	v2 =	vld [tilespmem:s31+$0x60];
	_ =	sdelay $0x4  }
0x52: {  	[tilespmem:$0x1460] =	vst v2  }
0x53: {  	v2 =	vld [tilespmem:s31+$0x70];
	_ =	sdelay $0x4  }
0x54: {  	[tilespmem:$0x1470] =	vst v2  }
0x55: {  	[spmem:s2] =	stream.indirect.scatter.add.f32 [tilespmem:s15], [sflag:$0x1], $0x80, s14, s13, $0xb8;
	[tilespmem:$0x19580] =	vst v63  }
0x56: {  	_ =	swait.ge [sflag:s12], $0x4000  }
0x57: {  	s18 =	simm.s32 $0x400;
	s16 =	simm.s32 $0x200;
	[sflag:s12] =	ssyncset.done $0x0  }
.LBB2_8:
0x58: {  	s19 =	sshra.s32 s16, $0x2  }
0x59: {  	[sflag:s12] =	ssyncadd.s32 $0xFFFFC000;
	s16 =	smov.u32 s18;
	s17 =	sadd.s32 $0x200, s18  }
0x5a: {  	p1 =	sne.s32 s18, $0x4E00;
	v2 =	vld [tilespmem:s19+$0x0];
	_ =	sdelay $0x4  }
0x5b: {  	[tilespmem:$0x1400] =	vst v2  }
0x5c: {  	v2 =	vld [tilespmem:s19+$0x10];
	_ =	sdelay $0x4  }
0x5d: {  	[tilespmem:$0x1410] =	vst v2  }
0x5e: {  	v2 =	vld [tilespmem:s19+$0x20];
	_ =	sdelay $0x4  }
0x5f: {  	[tilespmem:$0x1420] =	vst v2  }
0x60: {  	v2 =	vld [tilespmem:s19+$0x30];
	_ =	sdelay $0x4  }
0x61: {  	[tilespmem:$0x1430] =	vst v2  }
0x62: {  	v2 =	vld [tilespmem:s19+$0x40];
	_ =	sdelay $0x4  }
0x63: {  	[tilespmem:$0x1440] =	vst v2  }
0x64: {  	v2 =	vld [tilespmem:s19+$0x50];
	_ =	sdelay $0x4  }
0x65: {  	[tilespmem:$0x1450] =	vst v2  }
0x66: {  	v2 =	vld [tilespmem:s19+$0x60];
	_ =	sdelay $0x4  }
0x67: {  	[tilespmem:$0x1460] =	vst v2  }
0x68: {  	v2 =	vld [tilespmem:s19+$0x70];
	_ =	sdelay $0x3  }
.Ltmp3:
0x69: {  	(pc) =	sbr.rel @p1 .LBB2_8-.Ltmp3, $4  }
0x6a: {  	[tilespmem:$0x1470] =	vst v2  }
0x6b: {  	[spmem:s2] =	stream.indirect.scatter.add.f32 [tilespmem:s15], [sflag:$0x1], $0x80, s14, s13, $0xb8;
	[tilespmem:$0x19580] =	vst v63  }
0x6c: {  	_ =	swait.ge [sflag:s12], $0x4000  }
0x6d: {  	s18 =	smov.u32 s17;
	[sflag:s12] =	ssyncset.done $0x0  }
0x6e: {  	s16 =	sshra.s32 s16, $0x2;
	[sflag:s12] =	ssyncadd.s32 $0xFFFFC000  }
0x6f: {  	v2 =	vld [tilespmem:s16+$0x0];
	_ =	sdelay $0x4  }
0x70: {  	[tilespmem:$0x1400] =	vst v2  }
0x71: {  	v2 =	vld [tilespmem:s16+$0x10];
	_ =	sdelay $0x4  }
0x72: {  	[tilespmem:$0x1410] =	vst v2  }
0x73: {  	v2 =	vld [tilespmem:s16+$0x20];
	_ =	sdelay $0x4  }
0x74: {  	[tilespmem:$0x1420] =	vst v2  }
0x75: {  	v2 =	vld [tilespmem:s16+$0x30];
	_ =	sdelay $0x4  }
0x76: {  	[tilespmem:$0x1430] =	vst v2  }
0x77: {  	v2 =	vld [tilespmem:s16+$0x40];
	_ =	sdelay $0x4  }
0x78: {  	[tilespmem:$0x1440] =	vst v2  }
0x79: {  	v2 =	vld [tilespmem:s16+$0x50];
	_ =	sdelay $0x4  }
0x7a: {  	[tilespmem:$0x1450] =	vst v2  }
0x7b: {  	v2 =	vld [tilespmem:s16+$0x60];
	_ =	sdelay $0x4  }
0x7c: {  	[tilespmem:$0x1460] =	vst v2  }
0x7d: {  	v2 =	vld [tilespmem:s16+$0x70];
	_ =	sdelay $0x4  }
0x7e: {  	[tilespmem:$0x1470] =	vst v2  }
0x7f: {  	[spmem:s2] =	stream.indirect.scatter.add.f32 [tilespmem:s15], [sflag:$0x1], $0x80, s14, s13, $0xb8;
	[tilespmem:$0x19580] =	vst v63  }
0x80: {  	_ =	swait.ge [sflag:s12], $0x4000  }
0x81: {  	[sflag:s12] =	ssyncset.done $0x0  }
0x82: {  	s31 =	sshll.u32 s0, $0x6;
	[sflag:s12] =	ssyncadd.s32 $0xFFFFC000  }
0x83: {  	s17 =	sshrl.u32 s4, $0x3;
	s16 =	sor.u32 $0x1C01, s31;
	[bflag:$0x0] =	sbarrier.arrive $0xFFFF  }
0x84: {  	[hbm:s8], [sflag:s16] =	dma.local [spmem:s17], $0x2700  }
0x85: {  	_ =	swait.ge [sflag:s12], $0x2700  }
0x86: {  	s3 =	sadd.s32 $0x1, s3;
	[sflag:s12] =	ssyncset.done $0x0  }
0x87: {  	p1 =	sne.s32 s3, s10;
	s17 =	sshrl.u32 @!p0 s5, $0x3;
	[sflag:s12] =	ssyncadd.s32 $0xFFFFD900  }
0x88: {  	[hbm:s9], [sflag:s16] =	dma.local @!p0 [spmem:s17], $0x100  }
.Ltmp4:
0x89: {  	_ = 	snop;
	(pc) =	sbr.rel @p1 .LBB2_1-.Ltmp4, $4  }
0x8a: {  	s16 =	simm.s32 @!p0 $0x1  }
0x8b: {  	_ =	swait.ge @!p0 [sflag:s16], $0x100  }
0x8c: {  	[sflag:s16] =	ssyncset.done @!p0 $0x0  }
0x8d: {  	[sflag:s16] =	ssyncadd.s32 @!p0 $0xFFFFFF00  }
0x8e: {  	_ =	sfence.sel $0x180000  }
0x8f: {  	[bflag:$0x0] =	sbarrier.arrive $0xFFFF  }
0x90: {  	p0 =	sne.s32 s0, $0x0;
	_ =	strace $0x9000004A  }
0x91: {  	s0 =	sadd.s32 @!p0 $0x100000, s1;
	[bflag:$0x2] =	sbarrier.arrive $0xFFFF  }
0x92: {  	[sflag:s0] =	ssyncadd.tile.s32 @!p0 $0x1;
	_ =	shalt  }
.Lfunc_end2:
_tile_overlayer_lowered:
.L_overlay_start_2:
0x93: {  	(tag) =	ssettag $0x2  }
0x94: {  	s0 =	rddreg [dreg:$0x0];
	s2 =	stileid.u32  }
0x95: {  	s1 =	rddreg [dreg:$0x1];
	p0 =	sne.s32 s2, $0x0  }
0x96: {  	s3 =	rddreg [dreg:$0x2];
	[bflag:$0x3] =	sbarrier.arrive $0xFFFF;
	s2 =	simm.s32 @!p0 $0x1C01  }
0x97: {  	[timem:s3], [sflag:s2] =	dma.local @!p0 [hbm:s0], s1  }
0x98: {  	s0 =	simm.s32 @!p0 $0x1  }
0x99: {  	_ =	swait.ge @!p0 [sflag:s0], s1  }
0x9a: {  	s1 =	ssub.s32 @!p0 $0x0, s1;
	[sflag:s0] =	ssyncset.done @!p0 $0x0  }
0x9b: {  	[sflag:s0] =	ssyncadd.s32 @!p0 s1  }
0x9c: {  	[bflag:$0x3] =	sbarrier.arrive $0xFFFF  }
0x9d: {  	_ =	shalt  }

</sc_bundles>
